<compile_context>
chip_gen: v7x
topology: tpu7x:2x2x1
jax: 0.10.2.dev20260603
libtpu: 0.0.44.dev20260713+nightly
codegen_flags: <defaults>
</compile_context>

<pallas_src>
import functools

import jax
import jax.numpy as jnp
from jax.experimental import pallas as pl
from jax.experimental.pallas import tpu as pltpu
from jax.experimental.pallas import tpu_sc as plsc

T = 2048
D = 1024
H = 16
KV = 4
HD = 128
E = 8
TOPK = 2
DFF = 768
EPS = 1e-6
THETA = 10000.0
NH = H + 2 * KV

MM = jnp.bfloat16

BT1 = 256
BQ = 256
BT3 = 256
BTM = 256
NBLK = TOPK * T // BTM + E
CAP = NBLK * BTM


def _qkv_body(x_ref, win_ref, wqkv_ref, wsel_ref, cos_ref, sin_ref,
              q_ref, k_ref, v_ref):
    x = x_ref[...]
    xn = x * jax.lax.rsqrt(jnp.mean(x * x, axis=-1, keepdims=True) + EPS)
    xn = xn * win_ref[...]
    qkv = jnp.dot(xn.astype(MM), wqkv_ref[...],
                  preferred_element_type=jnp.float32)
    u = qkv.reshape(-1, NH, HD)
    ms = jnp.mean(u * u, axis=-1, keepdims=True)
    un = u * jax.lax.rsqrt(ms + EPS) * wsel_ref[...][None]
    hidx = jax.lax.broadcasted_iota(jnp.int32, (1, NH, 1), 1)
    norm_mask = hidx < (H + KV)
    un = jnp.where(norm_mask, un, u)
    cos = cos_ref[...][:, None, :]
    sin = sin_ref[...][:, None, :]
    u1 = un[..., : HD // 2]
    u2 = un[..., HD // 2:]
    rot = jnp.concatenate([-u2, u1], axis=-1)
    outu = jnp.where(norm_mask, cos * un + sin * rot, un)
    q_ref[...] = outu[:, :H, :].reshape(-1, H * HD).astype(MM)
    k_ref[...] = outu[:, H:H + KV, :].reshape(-1, KV * HD).astype(MM)
    v_ref[...] = outu[:, H + KV:, :].reshape(-1, KV * HD).astype(MM)


def _attn_body(q_ref, k_ref, v_ref, o_ref):
    i = pl.program_id(1)
    q = q_ref[...]
    scale = HD ** -0.5

    for idx in range(T // BQ):
        @pl.when(i == idx)
        def _(idx=idx):
            w = (idx + 1) * BQ
            k = k_ref[:w, :]
            s = jax.lax.dot_general(q, k, (((1,), (1,)), ((), ())),
                                    preferred_element_type=jnp.float32)
            s = s * scale
            row = idx * BQ + jax.lax.broadcasted_iota(jnp.int32, (BQ, w), 0)
            col = jax.lax.broadcasted_iota(jnp.int32, (BQ, w), 1)
            s = jnp.where(col <= row, s, -1e9)
            m = jnp.max(s, axis=-1, keepdims=True)
            p = jnp.exp(s - m)
            denom = jnp.sum(p, axis=-1, keepdims=True)
            o = jnp.dot(p.astype(MM), v_ref[:w, :],
                        preferred_element_type=jnp.float32)
            o_ref[...] = (o / denom).astype(MM)


def _oproj_body(o_ref, wo_ref, res_ref, wpost_ref, wgate_ref,
                h_ref, x2_ref, wf_ref):
    o = o_ref[...]
    h = res_ref[...] + jnp.dot(o, wo_ref[...],
                               preferred_element_type=jnp.float32)
    h_ref[...] = h
    x2 = h * jax.lax.rsqrt(jnp.mean(h * h, axis=-1, keepdims=True) + EPS)
    x2 = x2 * wpost_ref[...]
    x2_ref[...] = x2
    logits = jnp.dot(x2, wgate_ref[...], preferred_element_type=jnp.float32)
    li = jax.lax.broadcasted_iota(jnp.int32, logits.shape, 1)
    m1 = jnp.max(logits, axis=-1, keepdims=True)
    i1 = jnp.min(jnp.where(logits == m1, li, E), axis=-1, keepdims=True)
    oh1 = li == i1
    l2 = jnp.where(oh1, -jnp.inf, logits)
    m2 = jnp.max(l2, axis=-1, keepdims=True)
    i2 = jnp.min(jnp.where(l2 == m2, li, E), axis=-1, keepdims=True)
    oh2 = li == i2
    w1v = 1.0 / (1.0 + jnp.exp(m2 - m1))
    wf_ref[...] = jnp.where(oh1, w1v, 0.0) + jnp.where(oh2, 1.0 - w1v, 0.0)


def _ffn_body(be_ref, xs_ref, sw_ref, w1_ref, w3_ref, w2_ref, eo_ref):
    b = pl.program_id(0)

    @pl.when(be_ref[b] < E)
    def _():
        xs = xs_ref[...].astype(MM)
        g = jnp.dot(xs, w1_ref[0], preferred_element_type=jnp.float32)
        u = jnp.dot(xs, w3_ref[0], preferred_element_type=jnp.float32)
        hm = (g * jax.nn.sigmoid(g) * u).astype(MM)
        eo = jnp.dot(hm, w2_ref[0], preferred_element_type=jnp.float32)
        eo_ref[...] = eo * sw_ref[:, :1]



def _sc_gather(table, idx):
    info = plsc.get_sparse_core_info()
    nw = info.num_cores * info.num_subcores
    per_w = CAP // nw
    chunk = 48
    mesh = plsc.VectorSubcoreMesh(core_axis_name="c", subcore_axis_name="s")

    @functools.partial(
        pl.kernel, mesh=mesh,
        out_type=jax.ShapeDtypeStruct((CAP, D), jnp.float32),
        scratch_types=[
            pltpu.VMEM((chunk,), jnp.int32),
            pltpu.VMEM((chunk, D), jnp.float32),
            pltpu.SemaphoreType.DMA,
        ],
    )
    def k(table_hbm, idx_hbm, out_hbm, idx_v, rows_v, sem):
        wid = jax.lax.axis_index("s") * info.num_cores + jax.lax.axis_index("c")
        base = wid * per_w
        for c in range(per_w // chunk):
            off = base + c * chunk
            pltpu.sync_copy(idx_hbm.at[pl.ds(off, chunk)], idx_v)
            pltpu.async_copy(table_hbm.at[idx_v], rows_v, sem).wait()
            pltpu.sync_copy(rows_v, out_hbm.at[pl.ds(off, chunk)])

    return k(table, idx)


def _sc_combine(h, eo, pos):
    info = plsc.get_sparse_core_info()
    nw = info.num_cores * info.num_subcores
    per_w = T // nw
    ch = 16
    mesh = plsc.VectorSubcoreMesh(core_axis_name="c", subcore_axis_name="s")

    @functools.partial(
        pl.kernel, mesh=mesh,
        out_type=jax.ShapeDtypeStruct((T, D), jnp.float32),
        scratch_types=[
            pltpu.VMEM((2 * ch,), jnp.int32),
            pltpu.VMEM((2 * ch, D), jnp.float32),
            pltpu.VMEM((ch, D), jnp.float32),
            pltpu.SemaphoreType.DMA,
        ],
    )
    def k(h_hbm, eo_hbm, pos_hbm, out_hbm, idx_v, rows_v, h_v, sem):
        wid = jax.lax.axis_index("s") * info.num_cores + jax.lax.axis_index("c")
        for c in range(per_w // ch):
            tb = wid * per_w + c * ch
            pltpu.sync_copy(pos_hbm.at[pl.ds(2 * tb, 2 * ch)], idx_v)
            pltpu.async_copy(eo_hbm.at[idx_v], rows_v, sem).wait()
            pltpu.sync_copy(h_hbm.at[pl.ds(tb, ch)], h_v)

            def tok_body(i, _):
                def lane_body(j, _):
                    sl = pl.ds(j * 16, 16)
                    h_v[i, sl] = (h_v[i, sl] + rows_v[2 * i, sl]
                                  + rows_v[2 * i + 1, sl])
                    return 0
                return jax.lax.fori_loop(0, D // 16, lane_body, 0)

            jax.lax.fori_loop(0, ch, tok_body, 0)
            pltpu.sync_copy(h_v, out_hbm.at[pl.ds(tb, ch)])

    return k(h, eo, pos)


def kernel(hidden_states, positions, w_in, w_qkv, q_norm_w, k_norm_w,
           w_o, w_post, w_gate, w1, w3, w2):
    pos = positions.astype(jnp.float32)
    inv_freq = 1.0 / (THETA ** (jnp.arange(0, HD, 2, dtype=jnp.float32) / HD))
    freqs = pos[:, None] * inv_freq[None, :]
    emb = jnp.concatenate([freqs, freqs], axis=-1)
    cos = jnp.cos(emb)
    sin = jnp.sin(emb)
    wsel = jnp.concatenate([
        jnp.tile(q_norm_w[None], (H, 1)),
        jnp.tile(k_norm_w[None], (KV, 1)),
        jnp.ones((KV, HD), jnp.float32),
    ], axis=0)
    wqkv_b = w_qkv.astype(MM)
    wo_b = w_o.astype(MM)
    w1_b = w1.astype(MM)
    w3_b = w3.astype(MM)
    w2_b = w2.astype(MM)
    win2 = w_in[None]
    wpost2 = w_post[None]

    nt1 = T // BT1
    q, k, v = pl.pallas_call(
        _qkv_body,
        grid=(nt1,),
        in_specs=[
            pl.BlockSpec((BT1, D), lambda i: (i, 0)),
            pl.BlockSpec((1, D), lambda i: (0, 0)),
            pl.BlockSpec((D, NH * HD), lambda i: (0, 0)),
            pl.BlockSpec((NH, HD), lambda i: (0, 0)),
            pl.BlockSpec((BT1, HD), lambda i: (i, 0)),
            pl.BlockSpec((BT1, HD), lambda i: (i, 0)),
        ],
        out_specs=[
            pl.BlockSpec((BT1, H * HD), lambda i: (i, 0)),
            pl.BlockSpec((BT1, KV * HD), lambda i: (i, 0)),
            pl.BlockSpec((BT1, KV * HD), lambda i: (i, 0)),
        ],
        out_shape=[
            jax.ShapeDtypeStruct((T, H * HD), MM),
            jax.ShapeDtypeStruct((T, KV * HD), MM),
            jax.ShapeDtypeStruct((T, KV * HD), MM),
        ],
    )(hidden_states, win2, wqkv_b, wsel, cos, sin)

    grp = H // KV
    o = pl.pallas_call(
        _attn_body,
        grid=(H, T // BQ),
        in_specs=[
            pl.BlockSpec((BQ, HD), lambda h, i: (i, h)),
            pl.BlockSpec((T, HD), lambda h, i: (0, h // grp)),
            pl.BlockSpec((T, HD), lambda h, i: (0, h // grp)),
        ],
        out_specs=pl.BlockSpec((BQ, HD), lambda h, i: (i, h)),
        out_shape=jax.ShapeDtypeStruct((T, H * HD), MM),
        compiler_params=pltpu.CompilerParams(
            dimension_semantics=("arbitrary", "arbitrary")),
    )(q, k, v)

    nt3 = T // BT3
    h, x2f, wf = pl.pallas_call(
        _oproj_body,
        grid=(nt3,),
        in_specs=[
            pl.BlockSpec((BT3, H * HD), lambda i: (i, 0)),
            pl.BlockSpec((H * HD, D), lambda i: (0, 0)),
            pl.BlockSpec((BT3, D), lambda i: (i, 0)),
            pl.BlockSpec((1, D), lambda i: (0, 0)),
            pl.BlockSpec((D, E), lambda i: (0, 0)),
        ],
        out_specs=[
            pl.BlockSpec((BT3, D), lambda i: (i, 0)),
            pl.BlockSpec((BT3, D), lambda i: (i, 0)),
            pl.BlockSpec((BT3, E), lambda i: (i, 0)),
        ],
        out_shape=[
            jax.ShapeDtypeStruct((T, D), jnp.float32),
            jax.ShapeDtypeStruct((T, D), jnp.float32),
            jax.ShapeDtypeStruct((T, E), jnp.float32),
        ],
    )(o, wo_b, hidden_states, wpost2, w_gate)

    i32 = jnp.int32
    maskTE = wf > 0.0
    cnt = jnp.sum(maskTE.astype(i32), axis=0)
    mcol = maskTE.T.reshape(-1)
    rank = jnp.cumsum(mcol.astype(i32)) - 1
    nb_e = (cnt + BTM - 1) // BTM
    blk_off = jnp.concatenate([jnp.zeros((1,), i32), jnp.cumsum(nb_e)])
    g_off = blk_off[:-1] * BTM
    start = jnp.concatenate([jnp.zeros((1,), i32),
                             jnp.cumsum(cnt)])[:-1]
    eidx = (jnp.arange(E * T, dtype=i32) // T)
    tokid = jnp.arange(E * T, dtype=i32) % T
    slot = g_off[eidx] + rank - start[eidx]
    slot_safe = jnp.where(mcol, slot, CAP)
    slot_token = jnp.zeros((CAP,), i32).at[slot_safe].set(tokid, mode='drop')
    slot_w = jnp.zeros((CAP,), jnp.float32).at[slot_safe].set(
        wf.T.reshape(-1), mode='drop')
    sw_bcast = jnp.broadcast_to(slot_w[:, None], (CAP, HD))
    block_expert = jnp.searchsorted(
        blk_off[1:], jnp.arange(NBLK, dtype=i32), side='right').astype(i32)
    kpos = (jnp.cumsum(maskTE.astype(i32), axis=1) - 1).T.reshape(-1)
    pair_idx = jnp.where(mcol, tokid * TOPK + kpos, TOPK * T)
    pos_ab = jnp.zeros((TOPK * T,), i32).at[pair_idx].set(slot, mode='drop')

    xs = _sc_gather(x2f, slot_token)

    grid_spec = pltpu.PrefetchScalarGridSpec(
        num_scalar_prefetch=1,
        grid=(NBLK,),
        in_specs=[
            pl.BlockSpec((BTM, D), lambda b, be: (b, 0)),
            pl.BlockSpec((BTM, HD), lambda b, be: (b, 0)),
            pl.BlockSpec((1, D, DFF),
                         lambda b, be: (jnp.minimum(be[b], E - 1), 0, 0)),
            pl.BlockSpec((1, D, DFF),
                         lambda b, be: (jnp.minimum(be[b], E - 1), 0, 0)),
            pl.BlockSpec((1, DFF, D),
                         lambda b, be: (jnp.minimum(be[b], E - 1), 0, 0)),
        ],
        out_specs=pl.BlockSpec((BTM, D), lambda b, be: (b, 0)),
    )
    eo = pl.pallas_call(
        _ffn_body,
        grid_spec=grid_spec,
        out_shape=jax.ShapeDtypeStruct((CAP, D), jnp.float32),
        compiler_params=pltpu.CompilerParams(
            dimension_semantics=("arbitrary",)),
    )(block_expert, xs, sw_bcast, w1_b, w3_b, w2_b)

    return _sc_combine(h, eo, pos_ab)

# --- scband reference (transcript-rebuilt; emitter-appended) ---
"""Pipeline reference for scband-qwen3-moe-decoder-layer-36283883716955 (READ-ONLY COPY).

The authoritative reference and input builder live on the scoring server;
editing this copy changes nothing except your own understanding.
"""

import jax, jax.numpy as jnp
import numpy as np

T = 2048
D = 1024
H = 16
KV = 4
HD = 128
E = 8
TOPK = 2
DFF = 768
EPS = 1e-6
THETA = 10000.0


def setup_inputs(seed: int = 0) -> dict:
    key = jax.random.key(seed)
    ks = jax.random.split(key, 12)
    s = 0.02
    return {
        'hidden_states': jax.random.normal(ks[0], (T, D), dtype=jnp.float32),
        'positions': jnp.arange(T),
        'w_in': 1.0 + 0.1 * jax.random.normal(ks[1], (D,), dtype=jnp.float32),
        'w_qkv': s * jax.random.normal(ks[2], (D, H * HD + 2 * KV * HD), dtype=jnp.float32),
        'q_norm_w': 1.0 + 0.1 * jax.random.normal(ks[3], (HD,), dtype=jnp.float32),
        'k_norm_w': 1.0 + 0.1 * jax.random.normal(ks[4], (HD,), dtype=jnp.float32),
        'w_o': s * jax.random.normal(ks[5], (H * HD, D), dtype=jnp.float32),
        'w_post': 1.0 + 0.1 * jax.random.normal(ks[6], (D,), dtype=jnp.float32),
        'w_gate': s * jax.random.normal(ks[7], (D, E), dtype=jnp.float32),
        'w1': s * jax.random.normal(ks[8], (E, D, DFF), dtype=jnp.float32),
        'w3': s * jax.random.normal(ks[9], (E, D, DFF), dtype=jnp.float32),
        'w2': s * jax.random.normal(ks[10], (E, DFF, D), dtype=jnp.float32),
    }


def _rmsnorm(x, w):
    return x * jax.lax.rsqrt(jnp.mean(x * x, axis=-1, keepdims=True) + EPS) * w


def _rotate_half(u):
    u1, u2 = jnp.split(u, 2, axis=-1)
    return jnp.concatenate([-u2, u1], axis=-1)


def reference(hidden_states, positions, w_in, w_qkv, q_norm_w, k_norm_w, w_o, w_post, w_gate, w1, w3, w2):
    # --- input layernorm + self attention ---
    residual = hidden_states
    x = _rmsnorm(hidden_states, w_in)
    qkv = x @ w_qkv
    q = qkv[:, : H * HD].reshape(T, H, HD)
    k = qkv[:, H * HD: H * HD + KV * HD].reshape(T, KV, HD)
    v = qkv[:, H * HD + KV * HD:].reshape(T, KV, HD)
    # qk-norm (per-head RMSNorm, Qwen3 style)
    q = _rmsnorm(q, q_norm_w)
    k = _rmsnorm(k, k_norm_w)
    # neox rotary embedding
    inv_freq = 1.0 / (THETA ** (jnp.arange(0, HD, 2, dtype=jnp.float32) / HD))
    t = positions.astype(jnp.float32)
    freqs = t[:, None] * inv_freq[None, :]
    emb = jnp.concatenate([freqs, freqs], axis=-1)
    cos = jnp.cos(emb)[:, None, :]
    sin = jnp.sin(emb)[:, None, :]
    q = cos * q + sin * _rotate_half(q)
    k = cos * k + sin * _rotate_half(k)
    # GQA: repeat kv heads
    kr = jnp.repeat(k, H // KV, axis=1)
    vr = jnp.repeat(v, H // KV, axis=1)
    scale = HD ** -0.5
    scores = jnp.einsum('thd,shd->hts', q, kr) * scale
    causal = jnp.tril(jnp.ones((T, T), dtype=bool))
    scores = jnp.where(causal[None, :, :], scores, jnp.float32(-1e9))
    attn = jax.nn.softmax(scores, axis=-1)
    o = jnp.einsum('hts,shd->thd', attn, vr).reshape(T, H * HD)
    o = o @ w_o
    h = residual + o
    # --- post attention layernorm + sparse MoE ---
    residual2 = h
    x2 = _rmsnorm(h, w_post)
    router_logits = x2 @ w_gate
    probs = jax.nn.softmax(router_logits, axis=-1)
    topk_w, topk_idx = jax.lax.top_k(probs, TOPK)
    topk_w = topk_w / jnp.sum(topk_w, axis=-1, keepdims=True)  # norm_topk_prob
    w_full = jnp.sum(jax.nn.one_hot(topk_idx, E, dtype=x2.dtype) * topk_w[..., None], axis=1)
    g = jnp.einsum('td,edf->tef', x2, w1)
    u = jnp.einsum('td,edf->tef', x2, w3)
    hmid = jax.nn.silu(g) * u
    eo = jnp.einsum('tef,efd->ted', hmid, w2)
    moe_out = jnp.einsum('ted,te->td', eo, w_full)
    out = residual2 + moe_out
    return out

if __name__ == "__main__":
    import jax
    _d = setup_inputs()
    print(jax.jit(kernel)(*tuple(_d.values())))

</pallas_src>

<mosaic_0001>
#map = affine_map<(d0, d1) -> (0, 0)>
#map1 = affine_map<(d0, d1) -> (0)>
module attributes {stable_mosaic.version = 14 : i64} {
  func.func @k(%arg0: i32, %arg1: i32, %arg2: memref<2048x1024xf32, #tpu.memory_space<hbm>>, %arg3: memref<6144xi32, #tpu.memory_space<hbm>>, %arg4: memref<6144x1024xf32, #tpu.memory_space<hbm>>, %arg5: memref<48xi32, #tpu.memory_space<vmem>>, %arg6: memref<48x1024xf32, #tpu.memory_space<vmem>>, %arg7: memref<!tpu.dma_semaphore, #tpu.memory_space<semaphore_mem>>) attributes {dimension_semantics = [#tpu.dimension_semantics<core_parallel>, #tpu.dimension_semantics<subcore_parallel>], iteration_bounds = array<i64: 2, 16>, scalar_prefetch = 0 : i64, scratch_operands = 3 : i64, tpu.core_type = #tpu.core_type<sc_vector_subcore>, window_params = [{transform_indices = #map}, {transform_indices = #map1}, {transform_indices = #map}]} {
    %mul3A = arith.constant 2 : i32
    %mul3A_0 = arith.muli %arg1, %mul3A : i32
    %add3A = arith.addi %mul3A_0, %arg0 : i32
    %mul3A_1 = arith.constant 192 : i32
    %mul3A_2 = arith.muli %add3A, %mul3A_1 : i32
    %add3A_3 = arith.constant 0 : i32
    %add3A_4 = arith.addi %mul3A_2, %add3A_3 : i32
    "tpu.region"() ({
      %run_scoped3A = tpu.sem_alloc : memref<!tpu.dma_semaphore, #tpu.memory_space<semaphore_mem>>
      %dma_start3A_33 = tpu.memref_slice %arg3[%add3A_4] : memref<6144xi32, #tpu.memory_space<hbm>> -> memref<48xi32, #tpu.memory_space<hbm>>
      %dma_start3A_34 = tpu.memref_slice %arg3[%add3A_4] : memref<6144xi32, #tpu.memory_space<hbm>> -> memref<48xi32, #tpu.memory_space<hbm>>
      tpu.enqueue_dma source(%dma_start3A_34 : memref<48xi32, #tpu.memory_space<hbm>>) target(%arg5 : memref<48xi32, #tpu.memory_space<vmem>>) target_semaphore(%run_scoped3A : memref<!tpu.dma_semaphore, #tpu.memory_space<semaphore_mem>>)
      %dma_wait3A_35 = tpu.memref_slice %arg3[%add3A_4] : memref<6144xi32, #tpu.memory_space<hbm>> -> memref<48xi32, #tpu.memory_space<hbm>>
      %dma_wait3A_36 = tpu.memref_slice %arg3[%add3A_4] : memref<6144xi32, #tpu.memory_space<hbm>> -> memref<48xi32, #tpu.memory_space<hbm>>
      tpu.wait_dma2 semaphore(%run_scoped3A : memref<!tpu.dma_semaphore, #tpu.memory_space<semaphore_mem>>) src(%dma_wait3A_36 : memref<48xi32, #tpu.memory_space<hbm>>) dst(%arg5 : memref<48xi32, #tpu.memory_space<vmem>>)
      tpu.yield
    }) : () -> ()
    %dma_start3A = arith.constant 0 : i32
    %dma_start3A_5 = arith.constant 0 : i32
    %dma_start3A_6 = tpu.memref_slice %arg2[%dma_start3A, %dma_start3A_5] : memref<2048x1024xf32, #tpu.memory_space<hbm>> -> memref<2048x1024xf32, #tpu.memory_space<hbm>>
    tpu.enqueue_indirect_dma source(%dma_start3A_6 : memref<2048x1024xf32, #tpu.memory_space<hbm>>) target(%arg6 : memref<48x1024xf32, #tpu.memory_space<vmem>>) offsets(%arg5 : memref<48xi32, #tpu.memory_space<vmem>>) semaphore(%arg7 : memref<!tpu.dma_semaphore, #tpu.memory_space<semaphore_mem>>)
    %dma_wait3A = arith.constant 0 : i32
    %dma_wait3A_7 = arith.constant 0 : i32
    %dma_wait3A_8 = tpu.memref_slice %arg2[%dma_wait3A, %dma_wait3A_7] : memref<2048x1024xf32, #tpu.memory_space<hbm>> -> memref<2048x1024xf32, #tpu.memory_space<hbm>>
    tpu.wait_indirect_dma semaphore(%arg7 : memref<!tpu.dma_semaphore, #tpu.memory_space<semaphore_mem>>) src(%dma_wait3A_8 : memref<2048x1024xf32, #tpu.memory_space<hbm>>) dst(%arg6 : memref<48x1024xf32, #tpu.memory_space<vmem>>)
    "tpu.region"() ({
      %run_scoped3A = tpu.sem_alloc : memref<!tpu.dma_semaphore, #tpu.memory_space<semaphore_mem>>
      %dma_start3A_33 = arith.constant 0 : i32
      %dma_start3A_34 = tpu.memref_slice %arg4[%add3A_4, %dma_start3A_33] : memref<6144x1024xf32, #tpu.memory_space<hbm>> -> memref<48x1024xf32, #tpu.memory_space<hbm>>
      %dma_start3A_35 = arith.constant 0 : i32
      %dma_start3A_36 = tpu.memref_slice %arg4[%add3A_4, %dma_start3A_35] : memref<6144x1024xf32, #tpu.memory_space<hbm>> -> memref<48x1024xf32, #tpu.memory_space<hbm>>
      tpu.enqueue_dma source(%arg6 : memref<48x1024xf32, #tpu.memory_space<vmem>>) target(%dma_start3A_36 : memref<48x1024xf32, #tpu.memory_space<hbm>>) target_semaphore(%run_scoped3A : memref<!tpu.dma_semaphore, #tpu.memory_space<semaphore_mem>>)
      %dma_wait3A_37 = arith.constant 0 : i32
      %dma_wait3A_38 = tpu.memref_slice %arg4[%add3A_4, %dma_wait3A_37] : memref<6144x1024xf32, #tpu.memory_space<hbm>> -> memref<48x1024xf32, #tpu.memory_space<hbm>>
      %dma_wait3A_39 = arith.constant 0 : i32
      %dma_wait3A_40 = tpu.memref_slice %arg4[%add3A_4, %dma_wait3A_39] : memref<6144x1024xf32, #tpu.memory_space<hbm>> -> memref<48x1024xf32, #tpu.memory_space<hbm>>
      tpu.wait_dma2 semaphore(%run_scoped3A : memref<!tpu.dma_semaphore, #tpu.memory_space<semaphore_mem>>) src(%arg6 : memref<48x1024xf32, #tpu.memory_space<vmem>>) dst(%dma_wait3A_40 : memref<48x1024xf32, #tpu.memory_space<hbm>>)
      tpu.yield
    }) : () -> ()
    %add3A_9 = arith.constant 48 : i32
    %add3A_10 = arith.addi %mul3A_2, %add3A_9 : i32
    "tpu.region"() ({
      %run_scoped3A = tpu.sem_alloc : memref<!tpu.dma_semaphore, #tpu.memory_space<semaphore_mem>>
      %dma_start3A_33 = tpu.memref_slice %arg3[%add3A_10] : memref<6144xi32, #tpu.memory_space<hbm>> -> memref<48xi32, #tpu.memory_space<hbm>>
      %dma_start3A_34 = tpu.memref_slice %arg3[%add3A_10] : memref<6144xi32, #tpu.memory_space<hbm>> -> memref<48xi32, #tpu.memory_space<hbm>>
      tpu.enqueue_dma source(%dma_start3A_34 : memref<48xi32, #tpu.memory_space<hbm>>) target(%arg5 : memref<48xi32, #tpu.memory_space<vmem>>) target_semaphore(%run_scoped3A : memref<!tpu.dma_semaphore, #tpu.memory_space<semaphore_mem>>)
      %dma_wait3A_35 = tpu.memref_slice %arg3[%add3A_10] : memref<6144xi32, #tpu.memory_space<hbm>> -> memref<48xi32, #tpu.memory_space<hbm>>
      %dma_wait3A_36 = tpu.memref_slice %arg3[%add3A_10] : memref<6144xi32, #tpu.memory_space<hbm>> -> memref<48xi32, #tpu.memory_space<hbm>>
      tpu.wait_dma2 semaphore(%run_scoped3A : memref<!tpu.dma_semaphore, #tpu.memory_space<semaphore_mem>>) src(%dma_wait3A_36 : memref<48xi32, #tpu.memory_space<hbm>>) dst(%arg5 : memref<48xi32, #tpu.memory_space<vmem>>)
      tpu.yield
    }) : () -> ()
    %dma_start3A_11 = arith.constant 0 : i32
    %dma_start3A_12 = arith.constant 0 : i32
    %dma_start3A_13 = tpu.memref_slice %arg2[%dma_start3A_11, %dma_start3A_12] : memref<2048x1024xf32, #tpu.memory_space<hbm>> -> memref<2048x1024xf32, #tpu.memory_space<hbm>>
    tpu.enqueue_indirect_dma source(%dma_start3A_13 : memref<2048x1024xf32, #tpu.memory_space<hbm>>) target(%arg6 : memref<48x1024xf32, #tpu.memory_space<vmem>>) offsets(%arg5 : memref<48xi32, #tpu.memory_space<vmem>>) semaphore(%arg7 : memref<!tpu.dma_semaphore, #tpu.memory_space<semaphore_mem>>)
    %dma_wait3A_14 = arith.constant 0 : i32
    %dma_wait3A_15 = arith.constant 0 : i32
    %dma_wait3A_16 = tpu.memref_slice %arg2[%dma_wait3A_14, %dma_wait3A_15] : memref<2048x1024xf32, #tpu.memory_space<hbm>> -> memref<2048x1024xf32, #tpu.memory_space<hbm>>
    tpu.wait_indirect_dma semaphore(%arg7 : memref<!tpu.dma_semaphore, #tpu.memory_space<semaphore_mem>>) src(%dma_wait3A_16 : memref<2048x1024xf32, #tpu.memory_space<hbm>>) dst(%arg6 : memref<48x1024xf32, #tpu.memory_space<vmem>>)
    "tpu.region"() ({
      %run_scoped3A = tpu.sem_alloc : memref<!tpu.dma_semaphore, #tpu.memory_space<semaphore_mem>>
      %dma_start3A_33 = arith.constant 0 : i32
      %dma_start3A_34 = tpu.memref_slice %arg4[%add3A_10, %dma_start3A_33] : memref<6144x1024xf32, #tpu.memory_space<hbm>> -> memref<48x1024xf32, #tpu.memory_space<hbm>>
      %dma_start3A_35 = arith.constant 0 : i32
      %dma_start3A_36 = tpu.memref_slice %arg4[%add3A_10, %dma_start3A_35] : memref<6144x1024xf32, #tpu.memory_space<hbm>> -> memref<48x1024xf32, #tpu.memory_space<hbm>>
      tpu.enqueue_dma source(%arg6 : memref<48x1024xf32, #tpu.memory_space<vmem>>) target(%dma_start3A_36 : memref<48x1024xf32, #tpu.memory_space<hbm>>) target_semaphore(%run_scoped3A : memref<!tpu.dma_semaphore, #tpu.memory_space<semaphore_mem>>)
      %dma_wait3A_37 = arith.constant 0 : i32
      %dma_wait3A_38 = tpu.memref_slice %arg4[%add3A_10, %dma_wait3A_37] : memref<6144x1024xf32, #tpu.memory_space<hbm>> -> memref<48x1024xf32, #tpu.memory_space<hbm>>
      %dma_wait3A_39 = arith.constant 0 : i32
      %dma_wait3A_40 = tpu.memref_slice %arg4[%add3A_10, %dma_wait3A_39] : memref<6144x1024xf32, #tpu.memory_space<hbm>> -> memref<48x1024xf32, #tpu.memory_space<hbm>>
      tpu.wait_dma2 semaphore(%run_scoped3A : memref<!tpu.dma_semaphore, #tpu.memory_space<semaphore_mem>>) src(%arg6 : memref<48x1024xf32, #tpu.memory_space<vmem>>) dst(%dma_wait3A_40 : memref<48x1024xf32, #tpu.memory_space<hbm>>)
      tpu.yield
    }) : () -> ()
    %add3A_17 = arith.constant 96 : i32
    %add3A_18 = arith.addi %mul3A_2, %add3A_17 : i32
    "tpu.region"() ({
      %run_scoped3A = tpu.sem_alloc : memref<!tpu.dma_semaphore, #tpu.memory_space<semaphore_mem>>
      %dma_start3A_33 = tpu.memref_slice %arg3[%add3A_18] : memref<6144xi32, #tpu.memory_space<hbm>> -> memref<48xi32, #tpu.memory_space<hbm>>
      %dma_start3A_34 = tpu.memref_slice %arg3[%add3A_18] : memref<6144xi32, #tpu.memory_space<hbm>> -> memref<48xi32, #tpu.memory_space<hbm>>
      tpu.enqueue_dma source(%dma_start3A_34 : memref<48xi32, #tpu.memory_space<hbm>>) target(%arg5 : memref<48xi32, #tpu.memory_space<vmem>>) target_semaphore(%run_scoped3A : memref<!tpu.dma_semaphore, #tpu.memory_space<semaphore_mem>>)
      %dma_wait3A_35 = tpu.memref_slice %arg3[%add3A_18] : memref<6144xi32, #tpu.memory_space<hbm>> -> memref<48xi32, #tpu.memory_space<hbm>>
      %dma_wait3A_36 = tpu.memref_slice %arg3[%add3A_18] : memref<6144xi32, #tpu.memory_space<hbm>> -> memref<48xi32, #tpu.memory_space<hbm>>
      tpu.wait_dma2 semaphore(%run_scoped3A : memref<!tpu.dma_semaphore, #tpu.memory_space<semaphore_mem>>) src(%dma_wait3A_36 : memref<48xi32, #tpu.memory_space<hbm>>) dst(%arg5 : memref<48xi32, #tpu.memory_space<vmem>>)
      tpu.yield
    }) : () -> ()
    %dma_start3A_19 = arith.constant 0 : i32
    %dma_start3A_20 = arith.constant 0 : i32
    %dma_start3A_21 = tpu.memref_slice %arg2[%dma_start3A_19, %dma_start3A_20] : memref<2048x1024xf32, #tpu.memory_space<hbm>> -> memref<2048x1024xf32, #tpu.memory_space<hbm>>
    tpu.enqueue_indirect_dma source(%dma_start3A_21 : memref<2048x1024xf32, #tpu.memory_space<hbm>>) target(%arg6 : memref<48x1024xf32, #tpu.memory_space<vmem>>) offsets(%arg5 : memref<48xi32, #tpu.memory_space<vmem>>) semaphore(%arg7 : memref<!tpu.dma_semaphore, #tpu.memory_space<semaphore_mem>>)
    %dma_wait3A_22 = arith.constant 0 : i32
    %dma_wait3A_23 = arith.constant 0 : i32
    %dma_wait3A_24 = tpu.memref_slice %arg2[%dma_wait3A_22, %dma_wait3A_23] : memref<2048x1024xf32, #tpu.memory_space<hbm>> -> memref<2048x1024xf32, #tpu.memory_space<hbm>>
    tpu.wait_indirect_dma semaphore(%arg7 : memref<!tpu.dma_semaphore, #tpu.memory_space<semaphore_mem>>) src(%dma_wait3A_24 : memref<2048x1024xf32, #tpu.memory_space<hbm>>) dst(%arg6 : memref<48x1024xf32, #tpu.memory_space<vmem>>)
    "tpu.region"() ({
      %run_scoped3A = tpu.sem_alloc : memref<!tpu.dma_semaphore, #tpu.memory_space<semaphore_mem>>
      %dma_start3A_33 = arith.constant 0 : i32
      %dma_start3A_34 = tpu.memref_slice %arg4[%add3A_18, %dma_start3A_33] : memref<6144x1024xf32, #tpu.memory_space<hbm>> -> memref<48x1024xf32, #tpu.memory_space<hbm>>
      %dma_start3A_35 = arith.constant 0 : i32
      %dma_start3A_36 = tpu.memref_slice %arg4[%add3A_18, %dma_start3A_35] : memref<6144x1024xf32, #tpu.memory_space<hbm>> -> memref<48x1024xf32, #tpu.memory_space<hbm>>
      tpu.enqueue_dma source(%arg6 : memref<48x1024xf32, #tpu.memory_space<vmem>>) target(%dma_start3A_36 : memref<48x1024xf32, #tpu.memory_space<hbm>>) target_semaphore(%run_scoped3A : memref<!tpu.dma_semaphore, #tpu.memory_space<semaphore_mem>>)
      %dma_wait3A_37 = arith.constant 0 : i32
      %dma_wait3A_38 = tpu.memref_slice %arg4[%add3A_18, %dma_wait3A_37] : memref<6144x1024xf32, #tpu.memory_space<hbm>> -> memref<48x1024xf32, #tpu.memory_space<hbm>>
      %dma_wait3A_39 = arith.constant 0 : i32
      %dma_wait3A_40 = tpu.memref_slice %arg4[%add3A_18, %dma_wait3A_39] : memref<6144x1024xf32, #tpu.memory_space<hbm>> -> memref<48x1024xf32, #tpu.memory_space<hbm>>
      tpu.wait_dma2 semaphore(%run_scoped3A : memref<!tpu.dma_semaphore, #tpu.memory_space<semaphore_mem>>) src(%arg6 : memref<48x1024xf32, #tpu.memory_space<vmem>>) dst(%dma_wait3A_40 : memref<48x1024xf32, #tpu.memory_space<hbm>>)
      tpu.yield
    }) : () -> ()
    %add3A_25 = arith.constant 144 : i32
    %add3A_26 = arith.addi %mul3A_2, %add3A_25 : i32
    "tpu.region"() ({
      %run_scoped3A = tpu.sem_alloc : memref<!tpu.dma_semaphore, #tpu.memory_space<semaphore_mem>>
      %dma_start3A_33 = tpu.memref_slice %arg3[%add3A_26] : memref<6144xi32, #tpu.memory_space<hbm>> -> memref<48xi32, #tpu.memory_space<hbm>>
      %dma_start3A_34 = tpu.memref_slice %arg3[%add3A_26] : memref<6144xi32, #tpu.memory_space<hbm>> -> memref<48xi32, #tpu.memory_space<hbm>>
      tpu.enqueue_dma source(%dma_start3A_34 : memref<48xi32, #tpu.memory_space<hbm>>) target(%arg5 : memref<48xi32, #tpu.memory_space<vmem>>) target_semaphore(%run_scoped3A : memref<!tpu.dma_semaphore, #tpu.memory_space<semaphore_mem>>)
      %dma_wait3A_35 = tpu.memref_slice %arg3[%add3A_26] : memref<6144xi32, #tpu.memory_space<hbm>> -> memref<48xi32, #tpu.memory_space<hbm>>
      %dma_wait3A_36 = tpu.memref_slice %arg3[%add3A_26] : memref<6144xi32, #tpu.memory_space<hbm>> -> memref<48xi32, #tpu.memory_space<hbm>>
      tpu.wait_dma2 semaphore(%run_scoped3A : memref<!tpu.dma_semaphore, #tpu.memory_space<semaphore_mem>>) src(%dma_wait3A_36 : memref<48xi32, #tpu.memory_space<hbm>>) dst(%arg5 : memref<48xi32, #tpu.memory_space<vmem>>)
      tpu.yield
    }) : () -> ()
    %dma_start3A_27 = arith.constant 0 : i32
    %dma_start3A_28 = arith.constant 0 : i32
    %dma_start3A_29 = tpu.memref_slice %arg2[%dma_start3A_27, %dma_start3A_28] : memref<2048x1024xf32, #tpu.memory_space<hbm>> -> memref<2048x1024xf32, #tpu.memory_space<hbm>>
    tpu.enqueue_indirect_dma source(%dma_start3A_29 : memref<2048x1024xf32, #tpu.memory_space<hbm>>) target(%arg6 : memref<48x1024xf32, #tpu.memory_space<vmem>>) offsets(%arg5 : memref<48xi32, #tpu.memory_space<vmem>>) semaphore(%arg7 : memref<!tpu.dma_semaphore, #tpu.memory_space<semaphore_mem>>)
    %dma_wait3A_30 = arith.constant 0 : i32
    %dma_wait3A_31 = arith.constant 0 : i32
    %dma_wait3A_32 = tpu.memref_slice %arg2[%dma_wait3A_30, %dma_wait3A_31] : memref<2048x1024xf32, #tpu.memory_space<hbm>> -> memref<2048x1024xf32, #tpu.memory_space<hbm>>
    tpu.wait_indirect_dma semaphore(%arg7 : memref<!tpu.dma_semaphore, #tpu.memory_space<semaphore_mem>>) src(%dma_wait3A_32 : memref<2048x1024xf32, #tpu.memory_space<hbm>>) dst(%arg6 : memref<48x1024xf32, #tpu.memory_space<vmem>>)
    "tpu.region"() ({
      %run_scoped3A = tpu.sem_alloc : memref<!tpu.dma_semaphore, #tpu.memory_space<semaphore_mem>>
      %dma_start3A_33 = arith.constant 0 : i32
      %dma_start3A_34 = tpu.memref_slice %arg4[%add3A_26, %dma_start3A_33] : memref<6144x1024xf32, #tpu.memory_space<hbm>> -> memref<48x1024xf32, #tpu.memory_space<hbm>>
      %dma_start3A_35 = arith.constant 0 : i32
      %dma_start3A_36 = tpu.memref_slice %arg4[%add3A_26, %dma_start3A_35] : memref<6144x1024xf32, #tpu.memory_space<hbm>> -> memref<48x1024xf32, #tpu.memory_space<hbm>>
      tpu.enqueue_dma source(%arg6 : memref<48x1024xf32, #tpu.memory_space<vmem>>) target(%dma_start3A_36 : memref<48x1024xf32, #tpu.memory_space<hbm>>) target_semaphore(%run_scoped3A : memref<!tpu.dma_semaphore, #tpu.memory_space<semaphore_mem>>)
      %dma_wait3A_37 = arith.constant 0 : i32
      %dma_wait3A_38 = tpu.memref_slice %arg4[%add3A_26, %dma_wait3A_37] : memref<6144x1024xf32, #tpu.memory_space<hbm>> -> memref<48x1024xf32, #tpu.memory_space<hbm>>
      %dma_wait3A_39 = arith.constant 0 : i32
      %dma_wait3A_40 = tpu.memref_slice %arg4[%add3A_26, %dma_wait3A_39] : memref<6144x1024xf32, #tpu.memory_space<hbm>> -> memref<48x1024xf32, #tpu.memory_space<hbm>>
      tpu.wait_dma2 semaphore(%run_scoped3A : memref<!tpu.dma_semaphore, #tpu.memory_space<semaphore_mem>>) src(%arg6 : memref<48x1024xf32, #tpu.memory_space<vmem>>) dst(%dma_wait3A_40 : memref<48x1024xf32, #tpu.memory_space<hbm>>)
      tpu.yield
    }) : () -> ()
    return
  }
}

#map = affine_map<(d0, d1) -> (0, 0)>
#map1 = affine_map<(d0, d1) -> (0)>
module attributes {stable_mosaic.version = 14 : i64} {
  func.func @k(%arg0: i32, %arg1: i32, %arg2: memref<2048x1024xf32, #tpu.memory_space<hbm>>, %arg3: memref<6144x1024xf32, #tpu.memory_space<hbm>>, %arg4: memref<4096xi32, #tpu.memory_space<hbm>>, %arg5: memref<2048x1024xf32, #tpu.memory_space<hbm>>, %arg6: memref<32xi32, #tpu.memory_space<vmem>>, %arg7: memref<32x1024xf32, #tpu.memory_space<vmem>>, %arg8: memref<16x1024xf32, #tpu.memory_space<vmem>>, %arg9: memref<!tpu.dma_semaphore, #tpu.memory_space<semaphore_mem>>) attributes {dimension_semantics = [#tpu.dimension_semantics<core_parallel>, #tpu.dimension_semantics<subcore_parallel>], iteration_bounds = array<i64: 2, 16>, scalar_prefetch = 0 : i64, scratch_operands = 4 : i64, tpu.core_type = #tpu.core_type<sc_vector_subcore>, window_params = [{transform_indices = #map}, {transform_indices = #map}, {transform_indices = #map1}, {transform_indices = #map}]} {
    %mul3A = arith.constant 2 : i32
    %mul3A_0 = arith.muli %arg1, %mul3A : i32
    %add3A = arith.addi %mul3A_0, %arg0 : i32
    %mul3A_1 = arith.constant 64 : i32
    %mul3A_2 = arith.muli %add3A, %mul3A_1 : i32
    %add3A_3 = arith.constant 0 : i32
    %add3A_4 = arith.addi %mul3A_2, %add3A_3 : i32
    %mul3A_5 = arith.constant 2 : i32
    %mul3A_6 = arith.muli %mul3A_5, %add3A_4 : i32
    "tpu.region"() ({
      %run_scoped3A = tpu.sem_alloc : memref<!tpu.dma_semaphore, #tpu.memory_space<semaphore_mem>>
      %dma_start3A_74 = tpu.memref_slice %arg4[%mul3A_6] : memref<4096xi32, #tpu.memory_space<hbm>> -> memref<32xi32, #tpu.memory_space<hbm>>
      %dma_start3A_75 = tpu.memref_slice %arg4[%mul3A_6] : memref<4096xi32, #tpu.memory_space<hbm>> -> memref<32xi32, #tpu.memory_space<hbm>>
      tpu.enqueue_dma source(%dma_start3A_75 : memref<32xi32, #tpu.memory_space<hbm>>) target(%arg6 : memref<32xi32, #tpu.memory_space<vmem>>) target_semaphore(%run_scoped3A : memref<!tpu.dma_semaphore, #tpu.memory_space<semaphore_mem>>)
      %dma_wait3A_76 = tpu.memref_slice %arg4[%mul3A_6] : memref<4096xi32, #tpu.memory_space<hbm>> -> memref<32xi32, #tpu.memory_space<hbm>>
      %dma_wait3A_77 = tpu.memref_slice %arg4[%mul3A_6] : memref<4096xi32, #tpu.memory_space<hbm>> -> memref<32xi32, #tpu.memory_space<hbm>>
      tpu.wait_dma2 semaphore(%run_scoped3A : memref<!tpu.dma_semaphore, #tpu.memory_space<semaphore_mem>>) src(%dma_wait3A_77 : memref<32xi32, #tpu.memory_space<hbm>>) dst(%arg6 : memref<32xi32, #tpu.memory_space<vmem>>)
      tpu.yield
    }) : () -> ()
    %dma_start3A = arith.constant 0 : i32
    %dma_start3A_7 = arith.constant 0 : i32
    %dma_start3A_8 = tpu.memref_slice %arg3[%dma_start3A, %dma_start3A_7] : memref<6144x1024xf32, #tpu.memory_space<hbm>> -> memref<6144x1024xf32, #tpu.memory_space<hbm>>
    tpu.enqueue_indirect_dma source(%dma_start3A_8 : memref<6144x1024xf32, #tpu.memory_space<hbm>>) target(%arg7 : memref<32x1024xf32, #tpu.memory_space<vmem>>) offsets(%arg6 : memref<32xi32, #tpu.memory_space<vmem>>) semaphore(%arg9 : memref<!tpu.dma_semaphore, #tpu.memory_space<semaphore_mem>>)
    %dma_wait3A = arith.constant 0 : i32
    %dma_wait3A_9 = arith.constant 0 : i32
    %dma_wait3A_10 = tpu.memref_slice %arg3[%dma_wait3A, %dma_wait3A_9] : memref<6144x1024xf32, #tpu.memory_space<hbm>> -> memref<6144x1024xf32, #tpu.memory_space<hbm>>
    tpu.wait_indirect_dma semaphore(%arg9 : memref<!tpu.dma_semaphore, #tpu.memory_space<semaphore_mem>>) src(%dma_wait3A_10 : memref<6144x1024xf32, #tpu.memory_space<hbm>>) dst(%arg7 : memref<32x1024xf32, #tpu.memory_space<vmem>>)
    "tpu.region"() ({
      %run_scoped3A = tpu.sem_alloc : memref<!tpu.dma_semaphore, #tpu.memory_space<semaphore_mem>>
      %dma_start3A_74 = arith.constant 0 : i32
      %dma_start3A_75 = tpu.memref_slice %arg2[%add3A_4, %dma_start3A_74] : memref<2048x1024xf32, #tpu.memory_space<hbm>> -> memref<16x1024xf32, #tpu.memory_space<hbm>>
      %dma_start3A_76 = arith.constant 0 : i32
      %dma_start3A_77 = tpu.memref_slice %arg2[%add3A_4, %dma_start3A_76] : memref<2048x1024xf32, #tpu.memory_space<hbm>> -> memref<16x1024xf32, #tpu.memory_space<hbm>>
      tpu.enqueue_dma source(%dma_start3A_77 : memref<16x1024xf32, #tpu.memory_space<hbm>>) target(%arg8 : memref<16x1024xf32, #tpu.memory_space<vmem>>) target_semaphore(%run_scoped3A : memref<!tpu.dma_semaphore, #tpu.memory_space<semaphore_mem>>)
      %dma_wait3A_78 = arith.constant 0 : i32
      %dma_wait3A_79 = tpu.memref_slice %arg2[%add3A_4, %dma_wait3A_78] : memref<2048x1024xf32, #tpu.memory_space<hbm>> -> memref<16x1024xf32, #tpu.memory_space<hbm>>
      %dma_wait3A_80 = arith.constant 0 : i32
      %dma_wait3A_81 = tpu.memref_slice %arg2[%add3A_4, %dma_wait3A_80] : memref<2048x1024xf32, #tpu.memory_space<hbm>> -> memref<16x1024xf32, #tpu.memory_space<hbm>>
      tpu.wait_dma2 semaphore(%run_scoped3A : memref<!tpu.dma_semaphore, #tpu.memory_space<semaphore_mem>>) src(%dma_wait3A_81 : memref<16x1024xf32, #tpu.memory_space<hbm>>) dst(%arg8 : memref<16x1024xf32, #tpu.memory_space<vmem>>)
      tpu.yield
    }) : () -> ()
    %scan3A = arith.constant 0 : i32
    %scan3A_11 = arith.constant 0 : i32
    %scan3A_12 = arith.constant 16 : i32
    %scan3A_13 = arith.addi %scan3A_11, %scan3A_12 : i32
    %scan3A_14 = arith.constant 1 : i32
    %scan3A_15 = scf.for %scan3A_74 = %scan3A_11 to %scan3A_13 step %scan3A_14 iter_args(%scan3A_75 = %scan3A) -> (i32)  : i32 {
      %scan3A_76 = arith.constant 0 : i32
      %scan3A_77 = arith.constant 0 : i32
      %scan3A_78 = arith.constant 64 : i32
      %scan3A_79 = arith.addi %scan3A_77, %scan3A_78 : i32
      %scan3A_80 = arith.constant 1 : i32
      %scan3A_81 = scf.for %scan3A_83 = %scan3A_77 to %scan3A_79 step %scan3A_80 iter_args(%scan3A_84 = %scan3A_76) -> (i32)  : i32 {
        %mul3A_85 = arith.constant 16 : i32
        %mul3A_86 = arith.muli %scan3A_83, %mul3A_85 : i32
        %get3A = arith.index_cast %scan3A_74 : i32 to index
        %get3A_87 = arith.index_cast %mul3A_86 : i32 to index
        %get3A_88 = tpu.vector_load %arg8[%get3A, %get3A_87] {strides = array<i32>} : memref<16x1024xf32, #tpu.memory_space<vmem>>, vector<1x16xf32>,
        %get3A_89 = vector.shape_cast %get3A_88 : vector<1x16xf32> to vector<16xf32>
        %mul3A_90 = arith.constant 2 : i32
        %mul3A_91 = arith.muli %mul3A_90, %scan3A_74 : i32
        %get3A_92 = arith.index_cast %mul3A_91 : i32 to index
        %get3A_93 = arith.index_cast %mul3A_86 : i32 to index
        %get3A_94 = tpu.vector_load %arg7[%get3A_92, %get3A_93] {strides = array<i32>} : memref<32x1024xf32, #tpu.memory_space<vmem>>, vector<1x16xf32>,
        %get3A_95 = vector.shape_cast %get3A_94 : vector<1x16xf32> to vector<16xf32>
        %add3A_96 = arith.addf %get3A_89, %get3A_95 : vector<16xf32>
        %mul3A_97 = arith.constant 2 : i32
        %mul3A_98 = arith.muli %mul3A_97, %scan3A_74 : i32
        %add3A_99 = arith.constant 1 : i32
        %add3A_100 = arith.addi %mul3A_98, %add3A_99 : i32
        %get3A_101 = arith.index_cast %add3A_100 : i32 to index
        %get3A_102 = arith.index_cast %mul3A_86 : i32 to index
        %get3A_103 = tpu.vector_load %arg7[%get3A_101, %get3A_102] {strides = array<i32>} : memref<32x1024xf32, #tpu.memory_space<vmem>>, vector<1x16xf32>,
        %get3A_104 = vector.shape_cast %get3A_103 : vector<1x16xf32> to vector<16xf32>
        %add3A_105 = arith.addf %add3A_96, %get3A_104 : vector<16xf32>
        %swap3A = arith.index_cast %scan3A_74 : i32 to index
        %swap3A_106 = arith.index_cast %mul3A_86 : i32 to index
        %swap3A_107 = tpu.vector_load %arg8[%swap3A, %swap3A_106] {strides = array<i32>} : memref<16x1024xf32, #tpu.memory_space<vmem>>, vector<1x16xf32>,
        %swap3A_108 = vector.shape_cast %swap3A_107 : vector<1x16xf32> to vector<16xf32>
        %swap3A_109 = vector.shape_cast %add3A_105 : vector<16xf32> to vector<1x16xf32>
        tpu.vector_store %arg8[%swap3A, %swap3A_106], %swap3A_109 {strides = array<i32>} : memref<16x1024xf32, #tpu.memory_space<vmem>>, vector<1x16xf32>,
        %scan3A_110 = arith.constant 0 : i32
        scf.yield %scan3A_110 : i32
      }
      %scan3A_82 = arith.constant 64 : i32
      scf.yield %scan3A_81 : i32
    }
    %scan3A_16 = arith.constant 16 : i32
    "tpu.region"() ({
      %run_scoped3A = tpu.sem_alloc : memref<!tpu.dma_semaphore, #tpu.memory_space<semaphore_mem>>
      %dma_start3A_74 = arith.constant 0 : i32
      %dma_start3A_75 = tpu.memref_slice %arg5[%add3A_4, %dma_start3A_74] : memref<2048x1024xf32, #tpu.memory_space<hbm>> -> memref<16x1024xf32, #tpu.memory_space<hbm>>
      %dma_start3A_76 = arith.constant 0 : i32
      %dma_start3A_77 = tpu.memref_slice %arg5[%add3A_4, %dma_start3A_76] : memref<2048x1024xf32, #tpu.memory_space<hbm>> -> memref<16x1024xf32, #tpu.memory_space<hbm>>
      tpu.enqueue_dma source(%arg8 : memref<16x1024xf32, #tpu.memory_space<vmem>>) target(%dma_start3A_77 : memref<16x1024xf32, #tpu.memory_space<hbm>>) target_semaphore(%run_scoped3A : memref<!tpu.dma_semaphore, #tpu.memory_space<semaphore_mem>>)
      %dma_wait3A_78 = arith.constant 0 : i32
      %dma_wait3A_79 = tpu.memref_slice %arg5[%add3A_4, %dma_wait3A_78] : memref<2048x1024xf32, #tpu.memory_space<hbm>> -> memref<16x1024xf32, #tpu.memory_space<hbm>>
      %dma_wait3A_80 = arith.constant 0 : i32
      %dma_wait3A_81 = tpu.memref_slice %arg5[%add3A_4, %dma_wait3A_80] : memref<2048x1024xf32, #tpu.memory_space<hbm>> -> memref<16x1024xf32, #tpu.memory_space<hbm>>
      tpu.wait_dma2 semaphore(%run_scoped3A : memref<!tpu.dma_semaphore, #tpu.memory_space<semaphore_mem>>) src(%arg8 : memref<16x1024xf32, #tpu.memory_space<vmem>>) dst(%dma_wait3A_81 : memref<16x1024xf32, #tpu.memory_space<hbm>>)
      tpu.yield
    }) : () -> ()
    %mul3A_17 = arith.constant 64 : i32
    %mul3A_18 = arith.muli %add3A, %mul3A_17 : i32
    %add3A_19 = arith.constant 16 : i32
    %add3A_20 = arith.addi %mul3A_18, %add3A_19 : i32
    %mul3A_21 = arith.constant 2 : i32
    %mul3A_22 = arith.muli %mul3A_21, %add3A_20 : i32
    "tpu.region"() ({
      %run_scoped3A = tpu.sem_alloc : memref<!tpu.dma_semaphore, #tpu.memory_space<semaphore_mem>>
      %dma_start3A_74 = tpu.memref_slice %arg4[%mul3A_22] : memref<4096xi32, #tpu.memory_space<hbm>> -> memref<32xi32, #tpu.memory_space<hbm>>
      %dma_start3A_75 = tpu.memref_slice %arg4[%mul3A_22] : memref<4096xi32, #tpu.memory_space<hbm>> -> memref<32xi32, #tpu.memory_space<hbm>>
      tpu.enqueue_dma source(%dma_start3A_75 : memref<32xi32, #tpu.memory_space<hbm>>) target(%arg6 : memref<32xi32, #tpu.memory_space<vmem>>) target_semaphore(%run_scoped3A : memref<!tpu.dma_semaphore, #tpu.memory_space<semaphore_mem>>)
      %dma_wait3A_76 = tpu.memref_slice %arg4[%mul3A_22] : memref<4096xi32, #tpu.memory_space<hbm>> -> memref<32xi32, #tpu.memory_space<hbm>>
      %dma_wait3A_77 = tpu.memref_slice %arg4[%mul3A_22] : memref<4096xi32, #tpu.memory_space<hbm>> -> memref<32xi32, #tpu.memory_space<hbm>>
      tpu.wait_dma2 semaphore(%run_scoped3A : memref<!tpu.dma_semaphore, #tpu.memory_space<semaphore_mem>>) src(%dma_wait3A_77 : memref<32xi32, #tpu.memory_space<hbm>>) dst(%arg6 : memref<32xi32, #tpu.memory_space<vmem>>)
      tpu.yield
    }) : () -> ()
    %dma_start3A_23 = arith.constant 0 : i32
    %dma_start3A_24 = arith.constant 0 : i32
    %dma_start3A_25 = tpu.memref_slice %arg3[%dma_start3A_23, %dma_start3A_24] : memref<6144x1024xf32, #tpu.memory_space<hbm>> -> memref<6144x1024xf32, #tpu.memory_space<hbm>>
    tpu.enqueue_indirect_dma source(%dma_start3A_25 : memref<6144x1024xf32, #tpu.memory_space<hbm>>) target(%arg7 : memref<32x1024xf32, #tpu.memory_space<vmem>>) offsets(%arg6 : memref<32xi32, #tpu.memory_space<vmem>>) semaphore(%arg9 : memref<!tpu.dma_semaphore, #tpu.memory_space<semaphore_mem>>)
    %dma_wait3A_26 = arith.constant 0 : i32
    %dma_wait3A_27 = arith.constant 0 : i32
    %dma_wait3A_28 = tpu.memref_slice %arg3[%dma_wait3A_26, %dma_wait3A_27] : memref<6144x1024xf32, #tpu.memory_space<hbm>> -> memref<6144x1024xf32, #tpu.memory_space<hbm>>
    tpu.wait_indirect_dma semaphore(%arg9 : memref<!tpu.dma_semaphore, #tpu.memory_space<semaphore_mem>>) src(%dma_wait3A_28 : memref<6144x1024xf32, #tpu.memory_space<hbm>>) dst(%arg7 : memref<32x1024xf32, #tpu.memory_space<vmem>>)
    "tpu.region"() ({
      %run_scoped3A = tpu.sem_alloc : memref<!tpu.dma_semaphore, #tpu.memory_space<semaphore_mem>>
      %dma_start3A_74 = arith.constant 0 : i32
      %dma_start3A_75 = tpu.memref_slice %arg2[%add3A_20, %dma_start3A_74] : memref<2048x1024xf32, #tpu.memory_space<hbm>> -> memref<16x1024xf32, #tpu.memory_space<hbm>>
      %dma_start3A_76 = arith.constant 0 : i32
      %dma_start3A_77 = tpu.memref_slice %arg2[%add3A_20, %dma_start3A_76] : memref<2048x1024xf32, #tpu.memory_space<hbm>> -> memref<16x1024xf32, #tpu.memory_space<hbm>>
      tpu.enqueue_dma source(%dma_start3A_77 : memref<16x1024xf32, #tpu.memory_space<hbm>>) target(%arg8 : memref<16x1024xf32, #tpu.memory_space<vmem>>) target_semaphore(%run_scoped3A : memref<!tpu.dma_semaphore, #tpu.memory_space<semaphore_mem>>)
      %dma_wait3A_78 = arith.constant 0 : i32
      %dma_wait3A_79 = tpu.memref_slice %arg2[%add3A_20, %dma_wait3A_78] : memref<2048x1024xf32, #tpu.memory_space<hbm>> -> memref<16x1024xf32, #tpu.memory_space<hbm>>
      %dma_wait3A_80 = arith.constant 0 : i32
      %dma_wait3A_81 = tpu.memref_slice %arg2[%add3A_20, %dma_wait3A_80] : memref<2048x1024xf32, #tpu.memory_space<hbm>> -> memref<16x1024xf32, #tpu.memory_space<hbm>>
      tpu.wait_dma2 semaphore(%run_scoped3A : memref<!tpu.dma_semaphore, #tpu.memory_space<semaphore_mem>>) src(%dma_wait3A_81 : memref<16x1024xf32, #tpu.memory_space<hbm>>) dst(%arg8 : memref<16x1024xf32, #tpu.memory_space<vmem>>)
      tpu.yield
    }) : () -> ()
    %scan3A_29 = arith.constant 0 : i32
    %scan3A_30 = arith.constant 0 : i32
    %scan3A_31 = arith.constant 16 : i32
    %scan3A_32 = arith.addi %scan3A_30, %scan3A_31 : i32
    %scan3A_33 = arith.constant 1 : i32
    %scan3A_34 = scf.for %scan3A_74 = %scan3A_30 to %scan3A_32 step %scan3A_33 iter_args(%scan3A_75 = %scan3A_29) -> (i32)  : i32 {
      %scan3A_76 = arith.constant 0 : i32
      %scan3A_77 = arith.constant 0 : i32
      %scan3A_78 = arith.constant 64 : i32
      %scan3A_79 = arith.addi %scan3A_77, %scan3A_78 : i32
      %scan3A_80 = arith.constant 1 : i32
      %scan3A_81 = scf.for %scan3A_83 = %scan3A_77 to %scan3A_79 step %scan3A_80 iter_args(%scan3A_84 = %scan3A_76) -> (i32)  : i32 {
        %mul3A_85 = arith.constant 16 : i32
        %mul3A_86 = arith.muli %scan3A_83, %mul3A_85 : i32
        %get3A = arith.index_cast %scan3A_74 : i32 to index
        %get3A_87 = arith.index_cast %mul3A_86 : i32 to index
        %get3A_88 = tpu.vector_load %arg8[%get3A, %get3A_87] {strides = array<i32>} : memref<16x1024xf32, #tpu.memory_space<vmem>>, vector<1x16xf32>,
        %get3A_89 = vector.shape_cast %get3A_88 : vector<1x16xf32> to vector<16xf32>
        %mul3A_90 = arith.constant 2 : i32
        %mul3A_91 = arith.muli %mul3A_90, %scan3A_74 : i32
        %get3A_92 = arith.index_cast %mul3A_91 : i32 to index
        %get3A_93 = arith.index_cast %mul3A_86 : i32 to index
        %get3A_94 = tpu.vector_load %arg7[%get3A_92, %get3A_93] {strides = array<i32>} : memref<32x1024xf32, #tpu.memory_space<vmem>>, vector<1x16xf32>,
        %get3A_95 = vector.shape_cast %get3A_94 : vector<1x16xf32> to vector<16xf32>
        %add3A_96 = arith.addf %get3A_89, %get3A_95 : vector<16xf32>
        %mul3A_97 = arith.constant 2 : i32
        %mul3A_98 = arith.muli %mul3A_97, %scan3A_74 : i32
        %add3A_99 = arith.constant 1 : i32
        %add3A_100 = arith.addi %mul3A_98, %add3A_99 : i32
        %get3A_101 = arith.index_cast %add3A_100 : i32 to index
        %get3A_102 = arith.index_cast %mul3A_86 : i32 to index
        %get3A_103 = tpu.vector_load %arg7[%get3A_101, %get3A_102] {strides = array<i32>} : memref<32x1024xf32, #tpu.memory_space<vmem>>, vector<1x16xf32>,
        %get3A_104 = vector.shape_cast %get3A_103 : vector<1x16xf32> to vector<16xf32>
        %add3A_105 = arith.addf %add3A_96, %get3A_104 : vector<16xf32>
        %swap3A = arith.index_cast %scan3A_74 : i32 to index
        %swap3A_106 = arith.index_cast %mul3A_86 : i32 to index
        %swap3A_107 = tpu.vector_load %arg8[%swap3A, %swap3A_106] {strides = array<i32>} : memref<16x1024xf32, #tpu.memory_space<vmem>>, vector<1x16xf32>,
        %swap3A_108 = vector.shape_cast %swap3A_107 : vector<1x16xf32> to vector<16xf32>
        %swap3A_109 = vector.shape_cast %add3A_105 : vector<16xf32> to vector<1x16xf32>
        tpu.vector_store %arg8[%swap3A, %swap3A_106], %swap3A_109 {strides = array<i32>} : memref<16x1024xf32, #tpu.memory_space<vmem>>, vector<1x16xf32>,
        %scan3A_110 = arith.constant 0 : i32
        scf.yield %scan3A_110 : i32
      }
      %scan3A_82 = arith.constant 64 : i32
      scf.yield %scan3A_81 : i32
    }
    %scan3A_35 = arith.constant 16 : i32
    "tpu.region"() ({
      %run_scoped3A = tpu.sem_alloc : memref<!tpu.dma_semaphore, #tpu.memory_space<semaphore_mem>>
      %dma_start3A_74 = arith.constant 0 : i32
      %dma_start3A_75 = tpu.memref_slice %arg5[%add3A_20, %dma_start3A_74] : memref<2048x1024xf32, #tpu.memory_space<hbm>> -> memref<16x1024xf32, #tpu.memory_space<hbm>>
      %dma_start3A_76 = arith.constant 0 : i32
      %dma_start3A_77 = tpu.memref_slice %arg5[%add3A_20, %dma_start3A_76] : memref<2048x1024xf32, #tpu.memory_space<hbm>> -> memref<16x1024xf32, #tpu.memory_space<hbm>>
      tpu.enqueue_dma source(%arg8 : memref<16x1024xf32, #tpu.memory_space<vmem>>) target(%dma_start3A_77 : memref<16x1024xf32, #tpu.memory_space<hbm>>) target_semaphore(%run_scoped3A : memref<!tpu.dma_semaphore, #tpu.memory_space<semaphore_mem>>)
      %dma_wait3A_78 = arith.constant 0 : i32
      %dma_wait3A_79 = tpu.memref_slice %arg5[%add3A_20, %dma_wait3A_78] : memref<2048x1024xf32, #tpu.memory_space<hbm>> -> memref<16x1024xf32, #tpu.memory_space<hbm>>
      %dma_wait3A_80 = arith.constant 0 : i32
      %dma_wait3A_81 = tpu.memref_slice %arg5[%add3A_20, %dma_wait3A_80] : memref<2048x1024xf32, #tpu.memory_space<hbm>> -> memref<16x1024xf32, #tpu.memory_space<hbm>>
      tpu.wait_dma2 semaphore(%run_scoped3A : memref<!tpu.dma_semaphore, #tpu.memory_space<semaphore_mem>>) src(%arg8 : memref<16x1024xf32, #tpu.memory_space<vmem>>) dst(%dma_wait3A_81 : memref<16x1024xf32, #tpu.memory_space<hbm>>)
      tpu.yield
    }) : () -> ()
    %mul3A_36 = arith.constant 64 : i32
    %mul3A_37 = arith.muli %add3A, %mul3A_36 : i32
    %add3A_38 = arith.constant 32 : i32
    %add3A_39 = arith.addi %mul3A_37, %add3A_38 : i32
    %mul3A_40 = arith.constant 2 : i32
    %mul3A_41 = arith.muli %mul3A_40, %add3A_39 : i32
    "tpu.region"() ({
      %run_scoped3A = tpu.sem_alloc : memref<!tpu.dma_semaphore, #tpu.memory_space<semaphore_mem>>
      %dma_start3A_74 = tpu.memref_slice %arg4[%mul3A_41] : memref<4096xi32, #tpu.memory_space<hbm>> -> memref<32xi32, #tpu.memory_space<hbm>>
      %dma_start3A_75 = tpu.memref_slice %arg4[%mul3A_41] : memref<4096xi32, #tpu.memory_space<hbm>> -> memref<32xi32, #tpu.memory_space<hbm>>
      tpu.enqueue_dma source(%dma_start3A_75 : memref<32xi32, #tpu.memory_space<hbm>>) target(%arg6 : memref<32xi32, #tpu.memory_space<vmem>>) target_semaphore(%run_scoped3A : memref<!tpu.dma_semaphore, #tpu.memory_space<semaphore_mem>>)
      %dma_wait3A_76 = tpu.memref_slice %arg4[%mul3A_41] : memref<4096xi32, #tpu.memory_space<hbm>> -> memref<32xi32, #tpu.memory_space<hbm>>
      %dma_wait3A_77 = tpu.memref_slice %arg4[%mul3A_41] : memref<4096xi32, #tpu.memory_space<hbm>> -> memref<32xi32, #tpu.memory_space<hbm>>
      tpu.wait_dma2 semaphore(%run_scoped3A : memref<!tpu.dma_semaphore, #tpu.memory_space<semaphore_mem>>) src(%dma_wait3A_77 : memref<32xi32, #tpu.memory_space<hbm>>) dst(%arg6 : memref<32xi32, #tpu.memory_space<vmem>>)
      tpu.yield
    }) : () -> ()
    %dma_start3A_42 = arith.constant 0 : i32
    %dma_start3A_43 = arith.constant 0 : i32
    %dma_start3A_44 = tpu.memref_slice %arg3[%dma_start3A_42, %dma_start3A_43] : memref<6144x1024xf32, #tpu.memory_space<hbm>> -> memref<6144x1024xf32, #tpu.memory_space<hbm>>
    tpu.enqueue_indirect_dma source(%dma_start3A_44 : memref<6144x1024xf32, #tpu.memory_space<hbm>>) target(%arg7 : memref<32x1024xf32, #tpu.memory_space<vmem>>) offsets(%arg6 : memref<32xi32, #tpu.memory_space<vmem>>) semaphore(%arg9 : memref<!tpu.dma_semaphore, #tpu.memory_space<semaphore_mem>>)
    %dma_wait3A_45 = arith.constant 0 : i32
    %dma_wait3A_46 = arith.constant 0 : i32
    %dma_wait3A_47 = tpu.memref_slice %arg3[%dma_wait3A_45, %dma_wait3A_46] : memref<6144x1024xf32, #tpu.memory_space<hbm>> -> memref<6144x1024xf32, #tpu.memory_space<hbm>>
    tpu.wait_indirect_dma semaphore(%arg9 : memref<!tpu.dma_semaphore, #tpu.memory_space<semaphore_mem>>) src(%dma_wait3A_47 : memref<6144x1024xf32, #tpu.memory_space<hbm>>) dst(%arg7 : memref<32x1024xf32, #tpu.memory_space<vmem>>)
    "tpu.region"() ({
      %run_scoped3A = tpu.sem_alloc : memref<!tpu.dma_semaphore, #tpu.memory_space<semaphore_mem>>
      %dma_start3A_74 = arith.constant 0 : i32
      %dma_start3A_75 = tpu.memref_slice %arg2[%add3A_39, %dma_start3A_74] : memref<2048x1024xf32, #tpu.memory_space<hbm>> -> memref<16x1024xf32, #tpu.memory_space<hbm>>
      %dma_start3A_76 = arith.constant 0 : i32
      %dma_start3A_77 = tpu.memref_slice %arg2[%add3A_39, %dma_start3A_76] : memref<2048x1024xf32, #tpu.memory_space<hbm>> -> memref<16x1024xf32, #tpu.memory_space<hbm>>
      tpu.enqueue_dma source(%dma_start3A_77 : memref<16x1024xf32, #tpu.memory_space<hbm>>) target(%arg8 : memref<16x1024xf32, #tpu.memory_space<vmem>>) target_semaphore(%run_scoped3A : memref<!tpu.dma_semaphore, #tpu.memory_space<semaphore_mem>>)
      %dma_wait3A_78 = arith.constant 0 : i32
      %dma_wait3A_79 = tpu.memref_slice %arg2[%add3A_39, %dma_wait3A_78] : memref<2048x1024xf32, #tpu.memory_space<hbm>> -> memref<16x1024xf32, #tpu.memory_space<hbm>>
      %dma_wait3A_80 = arith.constant 0 : i32
      %dma_wait3A_81 = tpu.memref_slice %arg2[%add3A_39, %dma_wait3A_80] : memref<2048x1024xf32, #tpu.memory_space<hbm>> -> memref<16x1024xf32, #tpu.memory_space<hbm>>
      tpu.wait_dma2 semaphore(%run_scoped3A : memref<!tpu.dma_semaphore, #tpu.memory_space<semaphore_mem>>) src(%dma_wait3A_81 : memref<16x1024xf32, #tpu.memory_space<hbm>>) dst(%arg8 : memref<16x1024xf32, #tpu.memory_space<vmem>>)
      tpu.yield
    }) : () -> ()
    %scan3A_48 = arith.constant 0 : i32
    %scan3A_49 = arith.constant 0 : i32
    %scan3A_50 = arith.constant 16 : i32
    %scan3A_51 = arith.addi %scan3A_49, %scan3A_50 : i32
    %scan3A_52 = arith.constant 1 : i32
    %scan3A_53 = scf.for %scan3A_74 = %scan3A_49 to %scan3A_51 step %scan3A_52 iter_args(%scan3A_75 = %scan3A_48) -> (i32)  : i32 {
      %scan3A_76 = arith.constant 0 : i32
      %scan3A_77 = arith.constant 0 : i32
      %scan3A_78 = arith.constant 64 : i32
      %scan3A_79 = arith.addi %scan3A_77, %scan3A_78 : i32
      %scan3A_80 = arith.constant 1 : i32
      %scan3A_81 = scf.for %scan3A_83 = %scan3A_77 to %scan3A_79 step %scan3A_80 iter_args(%scan3A_84 = %scan3A_76) -> (i32)  : i32 {
        %mul3A_85 = arith.constant 16 : i32
        %mul3A_86 = arith.muli %scan3A_83, %mul3A_85 : i32
        %get3A = arith.index_cast %scan3A_74 : i32 to index
        %get3A_87 = arith.index_cast %mul3A_86 : i32 to index
        %get3A_88 = tpu.vector_load %arg8[%get3A, %get3A_87] {strides = array<i32>} : memref<16x1024xf32, #tpu.memory_space<vmem>>, vector<1x16xf32>,
        %get3A_89 = vector.shape_cast %get3A_88 : vector<1x16xf32> to vector<16xf32>
        %mul3A_90 = arith.constant 2 : i32
        %mul3A_91 = arith.muli %mul3A_90, %scan3A_74 : i32
        %get3A_92 = arith.index_cast %mul3A_91 : i32 to index
        %get3A_93 = arith.index_cast %mul3A_86 : i32 to index
        %get3A_94 = tpu.vector_load %arg7[%get3A_92, %get3A_93] {strides = array<i32>} : memref<32x1024xf32, #tpu.memory_space<vmem>>, vector<1x16xf32>,
        %get3A_95 = vector.shape_cast %get3A_94 : vector<1x16xf32> to vector<16xf32>
        %add3A_96 = arith.addf %get3A_89, %get3A_95 : vector<16xf32>
        %mul3A_97 = arith.constant 2 : i32
        %mul3A_98 = arith.muli %mul3A_97, %scan3A_74 : i32
        %add3A_99 = arith.constant 1 : i32
        %add3A_100 = arith.addi %mul3A_98, %add3A_99 : i32
        %get3A_101 = arith.index_cast %add3A_100 : i32 to index
        %get3A_102 = arith.index_cast %mul3A_86 : i32 to index
        %get3A_103 = tpu.vector_load %arg7[%get3A_101, %get3A_102] {strides = array<i32>} : memref<32x1024xf32, #tpu.memory_space<vmem>>, vector<1x16xf32>,
        %get3A_104 = vector.shape_cast %get3A_103 : vector<1x16xf32> to vector<16xf32>
        %add3A_105 = arith.addf %add3A_96, %get3A_104 : vector<16xf32>
        %swap3A = arith.index_cast %scan3A_74 : i32 to index
        %swap3A_106 = arith.index_cast %mul3A_86 : i32 to index
        %swap3A_107 = tpu.vector_load %arg8[%swap3A, %swap3A_106] {strides = array<i32>} : memref<16x1024xf32, #tpu.memory_space<vmem>>, vector<1x16xf32>,
        %swap3A_108 = vector.shape_cast %swap3A_107 : vector<1x16xf32> to vector<16xf32>
        %swap3A_109 = vector.shape_cast %add3A_105 : vector<16xf32> to vector<1x16xf32>
        tpu.vector_store %arg8[%swap3A, %swap3A_106], %swap3A_109 {strides = array<i32>} : memref<16x1024xf32, #tpu.memory_space<vmem>>, vector<1x16xf32>,
        %scan3A_110 = arith.constant 0 : i32
        scf.yield %scan3A_110 : i32
      }
      %scan3A_82 = arith.constant 64 : i32
      scf.yield %scan3A_81 : i32
    }
    %scan3A_54 = arith.constant 16 : i32
    "tpu.region"() ({
      %run_scoped3A = tpu.sem_alloc : memref<!tpu.dma_semaphore, #tpu.memory_space<semaphore_mem>>
      %dma_start3A_74 = arith.constant 0 : i32
      %dma_start3A_75 = tpu.memref_slice %arg5[%add3A_39, %dma_start3A_74] : memref<2048x1024xf32, #tpu.memory_space<hbm>> -> memref<16x1024xf32, #tpu.memory_space<hbm>>
      %dma_start3A_76 = arith.constant 0 : i32
      %dma_start3A_77 = tpu.memref_slice %arg5[%add3A_39, %dma_start3A_76] : memref<2048x1024xf32, #tpu.memory_space<hbm>> -> memref<16x1024xf32, #tpu.memory_space<hbm>>
      tpu.enqueue_dma source(%arg8 : memref<16x1024xf32, #tpu.memory_space<vmem>>) target(%dma_start3A_77 : memref<16x1024xf32, #tpu.memory_space<hbm>>) target_semaphore(%run_scoped3A : memref<!tpu.dma_semaphore, #tpu.memory_space<semaphore_mem>>)
      %dma_wait3A_78 = arith.constant 0 : i32
      %dma_wait3A_79 = tpu.memref_slice %arg5[%add3A_39, %dma_wait3A_78] : memref<2048x1024xf32, #tpu.memory_space<hbm>> -> memref<16x1024xf32, #tpu.memory_space<hbm>>
      %dma_wait3A_80 = arith.constant 0 : i32
      %dma_wait3A_81 = tpu.memref_slice %arg5[%add3A_39, %dma_wait3A_80] : memref<2048x1024xf32, #tpu.memory_space<hbm>> -> memref<16x1024xf32, #tpu.memory_space<hbm>>
      tpu.wait_dma2 semaphore(%run_scoped3A : memref<!tpu.dma_semaphore, #tpu.memory_space<semaphore_mem>>) src(%arg8 : memref<16x1024xf32, #tpu.memory_space<vmem>>) dst(%dma_wait3A_81 : memref<16x1024xf32, #tpu.memory_space<hbm>>)
      tpu.yield
    }) : () -> ()
    %mul3A_55 = arith.constant 64 : i32
    %mul3A_56 = arith.muli %add3A, %mul3A_55 : i32
    %add3A_57 = arith.constant 48 : i32
    %add3A_58 = arith.addi %mul3A_56, %add3A_57 : i32
    %mul3A_59 = arith.constant 2 : i32
    %mul3A_60 = arith.muli %mul3A_59, %add3A_58 : i32
    "tpu.region"() ({
      %run_scoped3A = tpu.sem_alloc : memref<!tpu.dma_semaphore, #tpu.memory_space<semaphore_mem>>
      %dma_start3A_74 = tpu.memref_slice %arg4[%mul3A_60] : memref<4096xi32, #tpu.memory_space<hbm>> -> memref<32xi32, #tpu.memory_space<hbm>>
      %dma_start3A_75 = tpu.memref_slice %arg4[%mul3A_60] : memref<4096xi32, #tpu.memory_space<hbm>> -> memref<32xi32, #tpu.memory_space<hbm>>
      tpu.enqueue_dma source(%dma_start3A_75 : memref<32xi32, #tpu.memory_space<hbm>>) target(%arg6 : memref<32xi32, #tpu.memory_space<vmem>>) target_semaphore(%run_scoped3A : memref<!tpu.dma_semaphore, #tpu.memory_space<semaphore_mem>>)
      %dma_wait3A_76 = tpu.memref_slice %arg4[%mul3A_60] : memref<4096xi32, #tpu.memory_space<hbm>> -> memref<32xi32, #tpu.memory_space<hbm>>
      %dma_wait3A_77 = tpu.memref_slice %arg4[%mul3A_60] : memref<4096xi32, #tpu.memory_space<hbm>> -> memref<32xi32, #tpu.memory_space<hbm>>
      tpu.wait_dma2 semaphore(%run_scoped3A : memref<!tpu.dma_semaphore, #tpu.memory_space<semaphore_mem>>) src(%dma_wait3A_77 : memref<32xi32, #tpu.memory_space<hbm>>) dst(%arg6 : memref<32xi32, #tpu.memory_space<vmem>>)
      tpu.yield
    }) : () -> ()
    %dma_start3A_61 = arith.constant 0 : i32
    %dma_start3A_62 = arith.constant 0 : i32
    %dma_start3A_63 = tpu.memref_slice %arg3[%dma_start3A_61, %dma_start3A_62] : memref<6144x1024xf32, #tpu.memory_space<hbm>> -> memref<6144x1024xf32, #tpu.memory_space<hbm>>
    tpu.enqueue_indirect_dma source(%dma_start3A_63 : memref<6144x1024xf32, #tpu.memory_space<hbm>>) target(%arg7 : memref<32x1024xf32, #tpu.memory_space<vmem>>) offsets(%arg6 : memref<32xi32, #tpu.memory_space<vmem>>) semaphore(%arg9 : memref<!tpu.dma_semaphore, #tpu.memory_space<semaphore_mem>>)
    %dma_wait3A_64 = arith.constant 0 : i32
    %dma_wait3A_65 = arith.constant 0 : i32
    %dma_wait3A_66 = tpu.memref_slice %arg3[%dma_wait3A_64, %dma_wait3A_65] : memref<6144x1024xf32, #tpu.memory_space<hbm>> -> memref<6144x1024xf32, #tpu.memory_space<hbm>>
    tpu.wait_indirect_dma semaphore(%arg9 : memref<!tpu.dma_semaphore, #tpu.memory_space<semaphore_mem>>) src(%dma_wait3A_66 : memref<6144x1024xf32, #tpu.memory_space<hbm>>) dst(%arg7 : memref<32x1024xf32, #tpu.memory_space<vmem>>)
    "tpu.region"() ({
      %run_scoped3A = tpu.sem_alloc : memref<!tpu.dma_semaphore, #tpu.memory_space<semaphore_mem>>
      %dma_start3A_74 = arith.constant 0 : i32
      %dma_start3A_75 = tpu.memref_slice %arg2[%add3A_58, %dma_start3A_74] : memref<2048x1024xf32, #tpu.memory_space<hbm>> -> memref<16x1024xf32, #tpu.memory_space<hbm>>
      %dma_start3A_76 = arith.constant 0 : i32
      %dma_start3A_77 = tpu.memref_slice %arg2[%add3A_58, %dma_start3A_76] : memref<2048x1024xf32, #tpu.memory_space<hbm>> -> memref<16x1024xf32, #tpu.memory_space<hbm>>
      tpu.enqueue_dma source(%dma_start3A_77 : memref<16x1024xf32, #tpu.memory_space<hbm>>) target(%arg8 : memref<16x1024xf32, #tpu.memory_space<vmem>>) target_semaphore(%run_scoped3A : memref<!tpu.dma_semaphore, #tpu.memory_space<semaphore_mem>>)
      %dma_wait3A_78 = arith.constant 0 : i32
      %dma_wait3A_79 = tpu.memref_slice %arg2[%add3A_58, %dma_wait3A_78] : memref<2048x1024xf32, #tpu.memory_space<hbm>> -> memref<16x1024xf32, #tpu.memory_space<hbm>>
      %dma_wait3A_80 = arith.constant 0 : i32
      %dma_wait3A_81 = tpu.memref_slice %arg2[%add3A_58, %dma_wait3A_80] : memref<2048x1024xf32, #tpu.memory_space<hbm>> -> memref<16x1024xf32, #tpu.memory_space<hbm>>
      tpu.wait_dma2 semaphore(%run_scoped3A : memref<!tpu.dma_semaphore, #tpu.memory_space<semaphore_mem>>) src(%dma_wait3A_81 : memref<16x1024xf32, #tpu.memory_space<hbm>>) dst(%arg8 : memref<16x1024xf32, #tpu.memory_space<vmem>>)
      tpu.yield
    }) : () -> ()
    %scan3A_67 = arith.constant 0 : i32
    %scan3A_68 = arith.constant 0 : i32
    %scan3A_69 = arith.constant 16 : i32
    %scan3A_70 = arith.addi %scan3A_68, %scan3A_69 : i32
    %scan3A_71 = arith.constant 1 : i32
    %scan3A_72 = scf.for %scan3A_74 = %scan3A_68 to %scan3A_70 step %scan3A_71 iter_args(%scan3A_75 = %scan3A_67) -> (i32)  : i32 {
      %scan3A_76 = arith.constant 0 : i32
      %scan3A_77 = arith.constant 0 : i32
      %scan3A_78 = arith.constant 64 : i32
      %scan3A_79 = arith.addi %scan3A_77, %scan3A_78 : i32
      %scan3A_80 = arith.constant 1 : i32
      %scan3A_81 = scf.for %scan3A_83 = %scan3A_77 to %scan3A_79 step %scan3A_80 iter_args(%scan3A_84 = %scan3A_76) -> (i32)  : i32 {
        %mul3A_85 = arith.constant 16 : i32
        %mul3A_86 = arith.muli %scan3A_83, %mul3A_85 : i32
        %get3A = arith.index_cast %scan3A_74 : i32 to index
        %get3A_87 = arith.index_cast %mul3A_86 : i32 to index
        %get3A_88 = tpu.vector_load %arg8[%get3A, %get3A_87] {strides = array<i32>} : memref<16x1024xf32, #tpu.memory_space<vmem>>, vector<1x16xf32>,
        %get3A_89 = vector.shape_cast %get3A_88 : vector<1x16xf32> to vector<16xf32>
        %mul3A_90 = arith.constant 2 : i32
        %mul3A_91 = arith.muli %mul3A_90, %scan3A_74 : i32
        %get3A_92 = arith.index_cast %mul3A_91 : i32 to index
        %get3A_93 = arith.index_cast %mul3A_86 : i32 to index
        %get3A_94 = tpu.vector_load %arg7[%get3A_92, %get3A_93] {strides = array<i32>} : memref<32x1024xf32, #tpu.memory_space<vmem>>, vector<1x16xf32>,
        %get3A_95 = vector.shape_cast %get3A_94 : vector<1x16xf32> to vector<16xf32>
        %add3A_96 = arith.addf %get3A_89, %get3A_95 : vector<16xf32>
        %mul3A_97 = arith.constant 2 : i32
        %mul3A_98 = arith.muli %mul3A_97, %scan3A_74 : i32
        %add3A_99 = arith.constant 1 : i32
        %add3A_100 = arith.addi %mul3A_98, %add3A_99 : i32
        %get3A_101 = arith.index_cast %add3A_100 : i32 to index
        %get3A_102 = arith.index_cast %mul3A_86 : i32 to index
        %get3A_103 = tpu.vector_load %arg7[%get3A_101, %get3A_102] {strides = array<i32>} : memref<32x1024xf32, #tpu.memory_space<vmem>>, vector<1x16xf32>,
        %get3A_104 = vector.shape_cast %get3A_103 : vector<1x16xf32> to vector<16xf32>
        %add3A_105 = arith.addf %add3A_96, %get3A_104 : vector<16xf32>
        %swap3A = arith.index_cast %scan3A_74 : i32 to index
        %swap3A_106 = arith.index_cast %mul3A_86 : i32 to index
        %swap3A_107 = tpu.vector_load %arg8[%swap3A, %swap3A_106] {strides = array<i32>} : memref<16x1024xf32, #tpu.memory_space<vmem>>, vector<1x16xf32>,
        %swap3A_108 = vector.shape_cast %swap3A_107 : vector<1x16xf32> to vector<16xf32>
        %swap3A_109 = vector.shape_cast %add3A_105 : vector<16xf32> to vector<1x16xf32>
        tpu.vector_store %arg8[%swap3A, %swap3A_106], %swap3A_109 {strides = array<i32>} : memref<16x1024xf32, #tpu.memory_space<vmem>>, vector<1x16xf32>,
        %scan3A_110 = arith.constant 0 : i32
        scf.yield %scan3A_110 : i32
      }
      %scan3A_82 = arith.constant 64 : i32
      scf.yield %scan3A_81 : i32
    }
    %scan3A_73 = arith.constant 16 : i32
    "tpu.region"() ({
      %run_scoped3A = tpu.sem_alloc : memref<!tpu.dma_semaphore, #tpu.memory_space<semaphore_mem>>
      %dma_start3A_74 = arith.constant 0 : i32
      %dma_start3A_75 = tpu.memref_slice %arg5[%add3A_58, %dma_start3A_74] : memref<2048x1024xf32, #tpu.memory_space<hbm>> -> memref<16x1024xf32, #tpu.memory_space<hbm>>
      %dma_start3A_76 = arith.constant 0 : i32
      %dma_start3A_77 = tpu.memref_slice %arg5[%add3A_58, %dma_start3A_76] : memref<2048x1024xf32, #tpu.memory_space<hbm>> -> memref<16x1024xf32, #tpu.memory_space<hbm>>
      tpu.enqueue_dma source(%arg8 : memref<16x1024xf32, #tpu.memory_space<vmem>>) target(%dma_start3A_77 : memref<16x1024xf32, #tpu.memory_space<hbm>>) target_semaphore(%run_scoped3A : memref<!tpu.dma_semaphore, #tpu.memory_space<semaphore_mem>>)
      %dma_wait3A_78 = arith.constant 0 : i32
      %dma_wait3A_79 = tpu.memref_slice %arg5[%add3A_58, %dma_wait3A_78] : memref<2048x1024xf32, #tpu.memory_space<hbm>> -> memref<16x1024xf32, #tpu.memory_space<hbm>>
      %dma_wait3A_80 = arith.constant 0 : i32
      %dma_wait3A_81 = tpu.memref_slice %arg5[%add3A_58, %dma_wait3A_80] : memref<2048x1024xf32, #tpu.memory_space<hbm>> -> memref<16x1024xf32, #tpu.memory_space<hbm>>
      tpu.wait_dma2 semaphore(%run_scoped3A : memref<!tpu.dma_semaphore, #tpu.memory_space<semaphore_mem>>) src(%arg8 : memref<16x1024xf32, #tpu.memory_space<vmem>>) dst(%dma_wait3A_81 : memref<16x1024xf32, #tpu.memory_space<hbm>>)
      tpu.yield
    }) : () -> ()
    return
  }
}

module attributes {stable_mosaic.version = 14 : i64} {
  func.func @_qkv_body(%arg0: i32, %arg1: memref<256x1024xf32, #tpu.memory_space<vmem>>, %arg2: memref<1x1024xf32, #tpu.memory_space<vmem>>, %arg3: memref<1024x3072xbf16, #tpu.memory_space<vmem>>, %arg4: memref<24x128xf32, #tpu.memory_space<vmem>>, %arg5: memref<256x128xf32, #tpu.memory_space<vmem>>, %arg6: memref<256x128xf32, #tpu.memory_space<vmem>>, %arg7: memref<256x2048xbf16, #tpu.memory_space<vmem>>, %arg8: memref<256x512xbf16, #tpu.memory_space<vmem>>, %arg9: memref<256x512xbf16, #tpu.memory_space<vmem>>) attributes {dimension_semantics = [#tpu.dimension_semantics<arbitrary>], iteration_bounds = array<i64: 8>, scalar_prefetch = 0 : i64, scratch_operands = 0 : i64, tpu.core_type = #tpu.core_type<tc>, window_params = [{transform_indices = @transform_0, window_bounds = array<i64: 256, 1024>}, {pipeline_mode = #tpu.pipeline_mode<synchronous>, transform_indices = @transform_1, window_bounds = array<i64: 1, 1024>}, {pipeline_mode = #tpu.pipeline_mode<synchronous>, transform_indices = @transform_2, window_bounds = array<i64: 1024, 3072>}, {pipeline_mode = #tpu.pipeline_mode<synchronous>, transform_indices = @transform_3, window_bounds = array<i64: 24, 128>}, {transform_indices = @transform_4, window_bounds = array<i64: 256, 128>}, {transform_indices = @transform_5, window_bounds = array<i64: 256, 128>}, {transform_indices = @transform_6, window_bounds = array<i64: 256, 2048>}, {transform_indices = @transform_7, window_bounds = array<i64: 256, 512>}, {transform_indices = @transform_8, window_bounds = array<i64: 256, 512>}]} {
    %get3A = arith.constant 0 : index
    %get3A_0 = arith.constant 0 : index
    %get3A_1 = vector.load %arg1[%get3A, %get3A_0] : memref<256x1024xf32, #tpu.memory_space<vmem>>, vector<256x1024xf32>
    %mul3A = arith.mulf %get3A_1, %get3A_1 : vector<256x1024xf32>
    %reduce_sum3A = arith.constant dense<0.000000e+00> : vector<256xf32>
    %reduce_sum3A_2 = vector.multi_reduction <add>, %mul3A, %reduce_sum3A [1] : vector<256x1024xf32> to vector<256xf32>
    %broadcast_in_dim3A = vector.shape_cast %reduce_sum3A_2 : vector<256xf32> to vector<256x1xf32>
    %div3A = arith.constant 1.024000e+03 : f32
    %div3A_3 = vector.broadcast %div3A : f32 to vector<256x1xf32>
    %div3A_4 = arith.divf %broadcast_in_dim3A, %div3A_3 : vector<256x1xf32>
    %add3A = arith.constant 9.99999997E-7 : f32
    %add3A_5 = vector.broadcast %add3A : f32 to vector<256x1xf32>
    %add3A_6 = arith.addf %div3A_4, %add3A_5 : vector<256x1xf32>
    %rsqrt3A = math.rsqrt %add3A_6 : vector<256x1xf32>
    %mul3A_7 = vector.broadcast %rsqrt3A : vector<256x1xf32> to vector<256x1024xf32>
    %mul3A_8 = arith.mulf %get3A_1, %mul3A_7 : vector<256x1024xf32>
    %get3A_9 = arith.constant 0 : index
    %get3A_10 = arith.constant 0 : index
    %get3A_11 = vector.load %arg2[%get3A_9, %get3A_10] : memref<1x1024xf32, #tpu.memory_space<vmem>>, vector<1x1024xf32>
    %mul3A_12 = vector.broadcast %get3A_11 : vector<1x1024xf32> to vector<256x1024xf32>
    %mul3A_13 = arith.mulf %mul3A_8, %mul3A_12 : vector<256x1024xf32>
    %convert_element_type3A = arith.truncf %mul3A_13 : vector<256x1024xf32> to vector<256x1024xbf16>
    %get3A_14 = arith.constant 0 : index
    %get3A_15 = arith.constant 0 : index
    %get3A_16 = vector.load %arg3[%get3A_14, %get3A_15] : memref<1024x3072xbf16, #tpu.memory_space<vmem>>, vector<1024x3072xbf16>
    %dot_general3A = arith.constant dense<0.000000e+00> : vector<256x3072xf32>
    %dot_general3A_17 = tpu.matmul %convert_element_type3A, %get3A_16, %dot_general3A {dimension_numbers = #tpu.dot_dimension_numbers<[1], [0], [0], [1], [0, 0, 1, 1], [], []>, transpose_lhs_hint = false} : vector<256x1024xbf16>, vector<1024x3072xbf16>, vector<256x3072xf32> -> vector<256x3072xf32>
    %reshape3A = vector.shape_cast %dot_general3A_17 : vector<256x3072xf32> to vector<256x24x128xf32>
    %mul3A_18 = arith.mulf %reshape3A, %reshape3A : vector<256x24x128xf32>
    %reduce_sum3A_19 = arith.constant dense<0.000000e+00> : vector<256x24xf32>
    %reduce_sum3A_20 = vector.multi_reduction <add>, %mul3A_18, %reduce_sum3A_19 [2] : vector<256x24x128xf32> to vector<256x24xf32>
    %broadcast_in_dim3A_21 = vector.shape_cast %reduce_sum3A_20 : vector<256x24xf32> to vector<256x24x1xf32>
    %div3A_22 = arith.constant 1.280000e+02 : f32
    %div3A_23 = vector.broadcast %div3A_22 : f32 to vector<256x24x1xf32>
    %div3A_24 = arith.divf %broadcast_in_dim3A_21, %div3A_23 : vector<256x24x1xf32>
    %add3A_25 = arith.constant 9.99999997E-7 : f32
    %add3A_26 = vector.broadcast %add3A_25 : f32 to vector<256x24x1xf32>
    %add3A_27 = arith.addf %div3A_24, %add3A_26 : vector<256x24x1xf32>
    %rsqrt3A_28 = math.rsqrt %add3A_27 : vector<256x24x1xf32>
    %mul3A_29 = vector.broadcast %rsqrt3A_28 : vector<256x24x1xf32> to vector<256x24x128xf32>
    %mul3A_30 = arith.mulf %reshape3A, %mul3A_29 : vector<256x24x128xf32>
    %get3A_31 = arith.constant 0 : index
    %get3A_32 = arith.constant 0 : index
    %get3A_33 = vector.load %arg4[%get3A_31, %get3A_32] : memref<24x128xf32, #tpu.memory_space<vmem>>, vector<24x128xf32>
    %broadcast_in_dim3A_34 = vector.shape_cast %get3A_33 : vector<24x128xf32> to vector<1x24x128xf32>
    %mul3A_35 = vector.broadcast %broadcast_in_dim3A_34 : vector<1x24x128xf32> to vector<256x24x128xf32>
    %mul3A_36 = arith.mulf %mul3A_30, %mul3A_35 : vector<256x24x128xf32>
    %iota3A = tpu.iota {dimensions = array<i32: 1>} : vector<1x24x1xi32>
    %lt3A = arith.constant 20 : i32
    %lt3A_37 = vector.broadcast %lt3A : i32 to vector<1x24x1xi32>
    %lt3A_38 = arith.cmpi slt, %iota3A, %lt3A_37 : vector<1x24x1xi32>
    %broadcast_in_dim3A_39 = vector.shape_cast %lt3A_38 : vector<1x24x1xi1> to vector<1x24x1xi1>
    %broadcast_in_dim3A_40 = vector.broadcast %broadcast_in_dim3A_39 : vector<1x24x1xi1> to vector<256x24x128xi1>
    %select_n3A = arith.select %broadcast_in_dim3A_40, %mul3A_36, %reshape3A : vector<256x24x128xi1>, vector<256x24x128xf32>
    %get3A_41 = arith.constant 0 : index
    %get3A_42 = arith.constant 0 : index
    %get3A_43 = vector.load %arg5[%get3A_41, %get3A_42] : memref<256x128xf32, #tpu.memory_space<vmem>>, vector<256x128xf32>
    %broadcast_in_dim3A_44 = vector.shape_cast %get3A_43 : vector<256x128xf32> to vector<256x1x128xf32>
    %get3A_45 = arith.constant 0 : index
    %get3A_46 = arith.constant 0 : index
    %get3A_47 = vector.load %arg6[%get3A_45, %get3A_46] : memref<256x128xf32, #tpu.memory_space<vmem>>, vector<256x128xf32>
    %broadcast_in_dim3A_48 = vector.shape_cast %get3A_47 : vector<256x128xf32> to vector<256x1x128xf32>
    %slice3A = vector.extract_strided_slice %select_n3A {offsets = [0, 0, 0], sizes = [256, 24, 64], strides = [1, 1, 1]} : vector<256x24x128xf32> to vector<256x24x64xf32>
    %slice3A_49 = vector.extract_strided_slice %select_n3A {offsets = [0, 0, 64], sizes = [256, 24, 64], strides = [1, 1, 1]} : vector<256x24x128xf32> to vector<256x24x64xf32>
    %neg3A = arith.constant 0.000000e+00 : f32
    %neg3A_50 = vector.broadcast %neg3A : f32 to vector<256x24x64xf32>
    %neg3A_51 = arith.subf %neg3A_50, %slice3A_49 : vector<256x24x64xf32>
    %concatenate3A = tpu.concatenate %neg3A_51, %slice3A in 2 : vector<256x24x64xf32>, vector<256x24x64xf32> -> vector<256x24x128xf32>
    %mul3A_52 = vector.broadcast %broadcast_in_dim3A_44 : vector<256x1x128xf32> to vector<256x24x128xf32>
    %mul3A_53 = arith.mulf %mul3A_52, %select_n3A : vector<256x24x128xf32>
    %mul3A_54 = vector.broadcast %broadcast_in_dim3A_48 : vector<256x1x128xf32> to vector<256x24x128xf32>
    %mul3A_55 = arith.mulf %mul3A_54, %concatenate3A : vector<256x24x128xf32>
    %add3A_56 = arith.addf %mul3A_53, %mul3A_55 : vector<256x24x128xf32>
    %broadcast_in_dim3A_57 = vector.shape_cast %lt3A_38 : vector<1x24x1xi1> to vector<1x24x1xi1>
    %broadcast_in_dim3A_58 = vector.broadcast %broadcast_in_dim3A_57 : vector<1x24x1xi1> to vector<256x24x128xi1>
    %select_n3A_59 = arith.select %broadcast_in_dim3A_58, %add3A_56, %select_n3A : vector<256x24x128xi1>, vector<256x24x128xf32>
    %slice3A_60 = vector.extract_strided_slice %select_n3A_59 {offsets = [0, 0, 0], sizes = [256, 16, 128], strides = [1, 1, 1]} : vector<256x24x128xf32> to vector<256x16x128xf32>
    %reshape3A_61 = vector.shape_cast %slice3A_60 : vector<256x16x128xf32> to vector<256x2048xf32>
    %convert_element_type3A_62 = arith.truncf %reshape3A_61 : vector<256x2048xf32> to vector<256x2048xbf16>
    %swap3A = arith.constant 0 : index
    %swap3A_63 = arith.constant 0 : index
    %swap3A_64 = vector.load %arg7[%swap3A, %swap3A_63] : memref<256x2048xbf16, #tpu.memory_space<vmem>>, vector<256x2048xbf16>
    tpu.vector_store %arg7[%swap3A, %swap3A_63], %convert_element_type3A_62 {strides = array<i32>} : memref<256x2048xbf16, #tpu.memory_space<vmem>>, vector<256x2048xbf16>,
    %slice3A_65 = vector.extract_strided_slice %select_n3A_59 {offsets = [0, 16, 0], sizes = [256, 4, 128], strides = [1, 1, 1]} : vector<256x24x128xf32> to vector<256x4x128xf32>
    %reshape3A_66 = vector.shape_cast %slice3A_65 : vector<256x4x128xf32> to vector<256x512xf32>
    %convert_element_type3A_67 = arith.truncf %reshape3A_66 : vector<256x512xf32> to vector<256x512xbf16>
    %swap3A_68 = arith.constant 0 : index
    %swap3A_69 = arith.constant 0 : index
    %swap3A_70 = vector.load %arg8[%swap3A_68, %swap3A_69] : memref<256x512xbf16, #tpu.memory_space<vmem>>, vector<256x512xbf16>
    tpu.vector_store %arg8[%swap3A_68, %swap3A_69], %convert_element_type3A_67 {strides = array<i32>} : memref<256x512xbf16, #tpu.memory_space<vmem>>, vector<256x512xbf16>,
    %slice3A_71 = vector.extract_strided_slice %select_n3A_59 {offsets = [0, 20, 0], sizes = [256, 4, 128], strides = [1, 1, 1]} : vector<256x24x128xf32> to vector<256x4x128xf32>
    %reshape3A_72 = vector.shape_cast %slice3A_71 : vector<256x4x128xf32> to vector<256x512xf32>
    %convert_element_type3A_73 = arith.truncf %reshape3A_72 : vector<256x512xf32> to vector<256x512xbf16>
    %swap3A_74 = arith.constant 0 : index
    %swap3A_75 = arith.constant 0 : index
    %swap3A_76 = vector.load %arg9[%swap3A_74, %swap3A_75] : memref<256x512xbf16, #tpu.memory_space<vmem>>, vector<256x512xbf16>
    tpu.vector_store %arg9[%swap3A_74, %swap3A_75], %convert_element_type3A_73 {strides = array<i32>} : memref<256x512xbf16, #tpu.memory_space<vmem>>, vector<256x512xbf16>,
    return
  }
  func.func @transform_0(%arg0: i32) -> (i32, i32) {
    %c0_i32 = arith.constant 0 : i32
    %c0_i32_0 = arith.constant 0 : i32
    return %arg0, %c0_i32 : i32, i32
  }
  func.func @transform_1(%arg0: i32) -> (i32, i32) {
    %c0_i32 = arith.constant 0 : i32
    %c0_i32_0 = arith.constant 0 : i32
    %c0_i32_1 = arith.constant 0 : i32
    return %c0_i32, %c0_i32_0 : i32, i32
  }
  func.func @transform_2(%arg0: i32) -> (i32, i32) {
    %c0_i32 = arith.constant 0 : i32
    %c0_i32_0 = arith.constant 0 : i32
    %c0_i32_1 = arith.constant 0 : i32
    return %c0_i32, %c0_i32_0 : i32, i32
  }
  func.func @transform_3(%arg0: i32) -> (i32, i32) {
    %c0_i32 = arith.constant 0 : i32
    %c0_i32_0 = arith.constant 0 : i32
    %c0_i32_1 = arith.constant 0 : i32
    return %c0_i32, %c0_i32_0 : i32, i32
  }
  func.func @transform_4(%arg0: i32) -> (i32, i32) {
    %c0_i32 = arith.constant 0 : i32
    %c0_i32_0 = arith.constant 0 : i32
    return %arg0, %c0_i32 : i32, i32
  }
  func.func @transform_5(%arg0: i32) -> (i32, i32) {
    %c0_i32 = arith.constant 0 : i32
    %c0_i32_0 = arith.constant 0 : i32
    return %arg0, %c0_i32 : i32, i32
  }
  func.func @transform_6(%arg0: i32) -> (i32, i32) {
    %c0_i32 = arith.constant 0 : i32
    %c0_i32_0 = arith.constant 0 : i32
    return %arg0, %c0_i32 : i32, i32
  }
  func.func @transform_7(%arg0: i32) -> (i32, i32) {
    %c0_i32 = arith.constant 0 : i32
    %c0_i32_0 = arith.constant 0 : i32
    return %arg0, %c0_i32 : i32, i32
  }
  func.func @transform_8(%arg0: i32) -> (i32, i32) {
    %c0_i32 = arith.constant 0 : i32
    %c0_i32_0 = arith.constant 0 : i32
    return %arg0, %c0_i32 : i32, i32
  }
}

module attributes {stable_mosaic.version = 14 : i64} {
  func.func @_attn_body(%arg0: i32, %arg1: i32, %arg2: memref<256x128xbf16, #tpu.memory_space<vmem>>, %arg3: memref<2048x128xbf16, #tpu.memory_space<vmem>>, %arg4: memref<2048x128xbf16, #tpu.memory_space<vmem>>, %arg5: memref<256x128xbf16, #tpu.memory_space<vmem>>) attributes {dimension_semantics = [#tpu.dimension_semantics<arbitrary>, #tpu.dimension_semantics<arbitrary>], iteration_bounds = array<i64: 16, 8>, scalar_prefetch = 0 : i64, scratch_operands = 0 : i64, tpu.core_type = #tpu.core_type<tc>, window_params = [{transform_indices = @transform_0, window_bounds = array<i64: 256, 128>}, {transform_indices = @transform_1, window_bounds = array<i64: 2048, 128>}, {transform_indices = @transform_2, window_bounds = array<i64: 2048, 128>}, {transform_indices = @transform_3, window_bounds = array<i64: 256, 128>}]} {
    %get3A = arith.constant 0 : index
    %get3A_0 = arith.constant 0 : index
    %get3A_1 = vector.load %arg2[%get3A, %get3A_0] : memref<256x128xbf16, #tpu.memory_space<vmem>>, vector<256x128xbf16>
    %eq3A = arith.constant 0 : i32
    %eq3A_2 = arith.cmpi eq, %arg1, %eq3A : i32
    %convert_element_type3A = arith.extui %eq3A_2 : i1 to i32
    %cond3A = arith.constant 0 : i32
    %cond3A_3 = arith.cmpi ne, %convert_element_type3A, %cond3A : i32
    scf.if %cond3A_3 {
      %get3A_39 = arith.constant 0 : index
      %get3A_40 = arith.constant 0 : index
      %get3A_41 = vector.load %arg3[%get3A_39, %get3A_40] : memref<2048x128xbf16, #tpu.memory_space<vmem>>, vector<256x128xbf16>
      %dot_general3A = arith.constant dense<0.000000e+00> : vector<256x256xf32>
      %dot_general3A_42 = tpu.matmul %get3A_1, %get3A_41, %dot_general3A {dimension_numbers = #tpu.dot_dimension_numbers<[1], [1], [0], [0], [0, 0, 1, 0], [], []>, transpose_lhs_hint = false} : vector<256x128xbf16>, vector<256x128xbf16>, vector<256x256xf32> -> vector<256x256xf32>
      %mul3A = arith.constant 0.0883883461 : f32
      %mul3A_43 = vector.broadcast %mul3A : f32 to vector<256x256xf32>
      %mul3A_44 = arith.mulf %dot_general3A_42, %mul3A_43 : vector<256x256xf32>
      %iota3A = tpu.iota {dimensions = array<i32: 0>} : vector<256x256xi32>
      %add3A = arith.constant 0 : i32
      %add3A_45 = vector.broadcast %add3A : i32 to vector<256x256xi32>
      %add3A_46 = arith.addi %add3A_45, %iota3A : vector<256x256xi32>
      %iota3A_47 = tpu.iota {dimensions = array<i32: 1>} : vector<256x256xi32>
      %le3A = arith.cmpi sle, %iota3A_47, %add3A_46 : vector<256x256xi32>
      %jit3A = arith.constant -1.000000e+09 : f32
      %broadcast_in_dim3A = vector.broadcast %jit3A : f32 to vector<256x256xf32>
      %select_n3A = arith.select %le3A, %mul3A_44, %broadcast_in_dim3A : vector<256x256xi1>, vector<256x256xf32>
      %reduce_max3A = arith.constant dense<0xFF800000> : vector<256xf32>
      %reduce_max3A_48 = vector.multi_reduction <maximumf>, %select_n3A, %reduce_max3A [1] : vector<256x256xf32> to vector<256xf32>
      %broadcast_in_dim3A_49 = vector.shape_cast %reduce_max3A_48 : vector<256xf32> to vector<256x1xf32>
      %sub3A = vector.broadcast %broadcast_in_dim3A_49 : vector<256x1xf32> to vector<256x256xf32>
      %sub3A_50 = arith.subf %select_n3A, %sub3A : vector<256x256xf32>
      %exp3A = math.exp %sub3A_50 : vector<256x256xf32>
      %reduce_sum3A = arith.constant dense<0.000000e+00> : vector<256xf32>
      %reduce_sum3A_51 = vector.multi_reduction <add>, %exp3A, %reduce_sum3A [1] : vector<256x256xf32> to vector<256xf32>
      %broadcast_in_dim3A_52 = vector.shape_cast %reduce_sum3A_51 : vector<256xf32> to vector<256x1xf32>
      %convert_element_type3A_53 = arith.truncf %exp3A : vector<256x256xf32> to vector<256x256xbf16>
      %get3A_54 = arith.constant 0 : index
      %get3A_55 = arith.constant 0 : index
      %get3A_56 = vector.load %arg4[%get3A_54, %get3A_55] : memref<2048x128xbf16, #tpu.memory_space<vmem>>, vector<256x128xbf16>
      %dot_general3A_57 = arith.constant dense<0.000000e+00> : vector<256x128xf32>
      %dot_general3A_58 = tpu.matmul %convert_element_type3A_53, %get3A_56, %dot_general3A_57 {dimension_numbers = #tpu.dot_dimension_numbers<[1], [0], [0], [1], [0, 0, 1, 1], [], []>, transpose_lhs_hint = false} : vector<256x256xbf16>, vector<256x128xbf16>, vector<256x128xf32> -> vector<256x128xf32>
      %div3A = vector.broadcast %broadcast_in_dim3A_52 : vector<256x1xf32> to vector<256x128xf32>
      %div3A_59 = arith.divf %dot_general3A_58, %div3A : vector<256x128xf32>
      %convert_element_type3A_60 = arith.truncf %div3A_59 : vector<256x128xf32> to vector<256x128xbf16>
      %swap3A = arith.constant 0 : index
      %swap3A_61 = arith.constant 0 : index
      %swap3A_62 = vector.load %arg5[%swap3A, %swap3A_61] : memref<256x128xbf16, #tpu.memory_space<vmem>>, vector<256x128xbf16>
      tpu.vector_store %arg5[%swap3A, %swap3A_61], %convert_element_type3A_60 {strides = array<i32>} : memref<256x128xbf16, #tpu.memory_space<vmem>>, vector<256x128xbf16>,
    } else {
    }
    %eq3A_4 = arith.constant 1 : i32
    %eq3A_5 = arith.cmpi eq, %arg1, %eq3A_4 : i32
    %convert_element_type3A_6 = arith.extui %eq3A_5 : i1 to i32
    %cond3A_7 = arith.constant 0 : i32
    %cond3A_8 = arith.cmpi ne, %convert_element_type3A_6, %cond3A_7 : i32
    scf.if %cond3A_8 {
      %get3A_39 = arith.constant 0 : index
      %get3A_40 = arith.constant 0 : index
      %get3A_41 = vector.load %arg3[%get3A_39, %get3A_40] : memref<2048x128xbf16, #tpu.memory_space<vmem>>, vector<512x128xbf16>
      %dot_general3A = arith.constant dense<0.000000e+00> : vector<256x512xf32>
      %dot_general3A_42 = tpu.matmul %get3A_1, %get3A_41, %dot_general3A {dimension_numbers = #tpu.dot_dimension_numbers<[1], [1], [0], [0], [0, 0, 1, 0], [], []>, transpose_lhs_hint = false} : vector<256x128xbf16>, vector<512x128xbf16>, vector<256x512xf32> -> vector<256x512xf32>
      %mul3A = arith.constant 0.0883883461 : f32
      %mul3A_43 = vector.broadcast %mul3A : f32 to vector<256x512xf32>
      %mul3A_44 = arith.mulf %dot_general3A_42, %mul3A_43 : vector<256x512xf32>
      %iota3A = tpu.iota {dimensions = array<i32: 0>} : vector<256x512xi32>
      %add3A = arith.constant 256 : i32
      %add3A_45 = vector.broadcast %add3A : i32 to vector<256x512xi32>
      %add3A_46 = arith.addi %add3A_45, %iota3A : vector<256x512xi32>
      %iota3A_47 = tpu.iota {dimensions = array<i32: 1>} : vector<256x512xi32>
      %le3A = arith.cmpi sle, %iota3A_47, %add3A_46 : vector<256x512xi32>
      %jit3A = arith.constant -1.000000e+09 : f32
      %broadcast_in_dim3A = vector.broadcast %jit3A : f32 to vector<256x512xf32>
      %select_n3A = arith.select %le3A, %mul3A_44, %broadcast_in_dim3A : vector<256x512xi1>, vector<256x512xf32>
      %reduce_max3A = arith.constant dense<0xFF800000> : vector<256xf32>
      %reduce_max3A_48 = vector.multi_reduction <maximumf>, %select_n3A, %reduce_max3A [1] : vector<256x512xf32> to vector<256xf32>
      %broadcast_in_dim3A_49 = vector.shape_cast %reduce_max3A_48 : vector<256xf32> to vector<256x1xf32>
      %sub3A = vector.broadcast %broadcast_in_dim3A_49 : vector<256x1xf32> to vector<256x512xf32>
      %sub3A_50 = arith.subf %select_n3A, %sub3A : vector<256x512xf32>
      %exp3A = math.exp %sub3A_50 : vector<256x512xf32>
      %reduce_sum3A = arith.constant dense<0.000000e+00> : vector<256xf32>
      %reduce_sum3A_51 = vector.multi_reduction <add>, %exp3A, %reduce_sum3A [1] : vector<256x512xf32> to vector<256xf32>
      %broadcast_in_dim3A_52 = vector.shape_cast %reduce_sum3A_51 : vector<256xf32> to vector<256x1xf32>
      %convert_element_type3A_53 = arith.truncf %exp3A : vector<256x512xf32> to vector<256x512xbf16>
      %get3A_54 = arith.constant 0 : index
      %get3A_55 = arith.constant 0 : index
      %get3A_56 = vector.load %arg4[%get3A_54, %get3A_55] : memref<2048x128xbf16, #tpu.memory_space<vmem>>, vector<512x128xbf16>
      %dot_general3A_57 = arith.constant dense<0.000000e+00> : vector<256x128xf32>
      %dot_general3A_58 = tpu.matmul %convert_element_type3A_53, %get3A_56, %dot_general3A_57 {dimension_numbers = #tpu.dot_dimension_numbers<[1], [0], [0], [1], [0, 0, 1, 1], [], []>, transpose_lhs_hint = false} : vector<256x512xbf16>, vector<512x128xbf16>, vector<256x128xf32> -> vector<256x128xf32>
      %div3A = vector.broadcast %broadcast_in_dim3A_52 : vector<256x1xf32> to vector<256x128xf32>
      %div3A_59 = arith.divf %dot_general3A_58, %div3A : vector<256x128xf32>
      %convert_element_type3A_60 = arith.truncf %div3A_59 : vector<256x128xf32> to vector<256x128xbf16>
      %swap3A = arith.constant 0 : index
      %swap3A_61 = arith.constant 0 : index
      %swap3A_62 = vector.load %arg5[%swap3A, %swap3A_61] : memref<256x128xbf16, #tpu.memory_space<vmem>>, vector<256x128xbf16>
      tpu.vector_store %arg5[%swap3A, %swap3A_61], %convert_element_type3A_60 {strides = array<i32>} : memref<256x128xbf16, #tpu.memory_space<vmem>>, vector<256x128xbf16>,
    } else {
    }
    %eq3A_9 = arith.constant 2 : i32
    %eq3A_10 = arith.cmpi eq, %arg1, %eq3A_9 : i32
    %convert_element_type3A_11 = arith.extui %eq3A_10 : i1 to i32
    %cond3A_12 = arith.constant 0 : i32
    %cond3A_13 = arith.cmpi ne, %convert_element_type3A_11, %cond3A_12 : i32
    scf.if %cond3A_13 {
      %get3A_39 = arith.constant 0 : index
      %get3A_40 = arith.constant 0 : index
      %get3A_41 = vector.load %arg3[%get3A_39, %get3A_40] : memref<2048x128xbf16, #tpu.memory_space<vmem>>, vector<768x128xbf16>
      %dot_general3A = arith.constant dense<0.000000e+00> : vector<256x768xf32>
      %dot_general3A_42 = tpu.matmul %get3A_1, %get3A_41, %dot_general3A {dimension_numbers = #tpu.dot_dimension_numbers<[1], [1], [0], [0], [0, 0, 1, 0], [], []>, transpose_lhs_hint = false} : vector<256x128xbf16>, vector<768x128xbf16>, vector<256x768xf32> -> vector<256x768xf32>
      %mul3A = arith.constant 0.0883883461 : f32
      %mul3A_43 = vector.broadcast %mul3A : f32 to vector<256x768xf32>
      %mul3A_44 = arith.mulf %dot_general3A_42, %mul3A_43 : vector<256x768xf32>
      %iota3A = tpu.iota {dimensions = array<i32: 0>} : vector<256x768xi32>
      %add3A = arith.constant 512 : i32
      %add3A_45 = vector.broadcast %add3A : i32 to vector<256x768xi32>
      %add3A_46 = arith.addi %add3A_45, %iota3A : vector<256x768xi32>
      %iota3A_47 = tpu.iota {dimensions = array<i32: 1>} : vector<256x768xi32>
      %le3A = arith.cmpi sle, %iota3A_47, %add3A_46 : vector<256x768xi32>
      %jit3A = arith.constant -1.000000e+09 : f32
      %broadcast_in_dim3A = vector.broadcast %jit3A : f32 to vector<256x768xf32>
      %select_n3A = arith.select %le3A, %mul3A_44, %broadcast_in_dim3A : vector<256x768xi1>, vector<256x768xf32>
      %reduce_max3A = arith.constant dense<0xFF800000> : vector<256xf32>
      %reduce_max3A_48 = vector.multi_reduction <maximumf>, %select_n3A, %reduce_max3A [1] : vector<256x768xf32> to vector<256xf32>
      %broadcast_in_dim3A_49 = vector.shape_cast %reduce_max3A_48 : vector<256xf32> to vector<256x1xf32>
      %sub3A = vector.broadcast %broadcast_in_dim3A_49 : vector<256x1xf32> to vector<256x768xf32>
      %sub3A_50 = arith.subf %select_n3A, %sub3A : vector<256x768xf32>
      %exp3A = math.exp %sub3A_50 : vector<256x768xf32>
      %reduce_sum3A = arith.constant dense<0.000000e+00> : vector<256xf32>
      %reduce_sum3A_51 = vector.multi_reduction <add>, %exp3A, %reduce_sum3A [1] : vector<256x768xf32> to vector<256xf32>
      %broadcast_in_dim3A_52 = vector.shape_cast %reduce_sum3A_51 : vector<256xf32> to vector<256x1xf32>
      %convert_element_type3A_53 = arith.truncf %exp3A : vector<256x768xf32> to vector<256x768xbf16>
      %get3A_54 = arith.constant 0 : index
      %get3A_55 = arith.constant 0 : index
      %get3A_56 = vector.load %arg4[%get3A_54, %get3A_55] : memref<2048x128xbf16, #tpu.memory_space<vmem>>, vector<768x128xbf16>
      %dot_general3A_57 = arith.constant dense<0.000000e+00> : vector<256x128xf32>
      %dot_general3A_58 = tpu.matmul %convert_element_type3A_53, %get3A_56, %dot_general3A_57 {dimension_numbers = #tpu.dot_dimension_numbers<[1], [0], [0], [1], [0, 0, 1, 1], [], []>, transpose_lhs_hint = false} : vector<256x768xbf16>, vector<768x128xbf16>, vector<256x128xf32> -> vector<256x128xf32>
      %div3A = vector.broadcast %broadcast_in_dim3A_52 : vector<256x1xf32> to vector<256x128xf32>
      %div3A_59 = arith.divf %dot_general3A_58, %div3A : vector<256x128xf32>
      %convert_element_type3A_60 = arith.truncf %div3A_59 : vector<256x128xf32> to vector<256x128xbf16>
      %swap3A = arith.constant 0 : index
      %swap3A_61 = arith.constant 0 : index
      %swap3A_62 = vector.load %arg5[%swap3A, %swap3A_61] : memref<256x128xbf16, #tpu.memory_space<vmem>>, vector<256x128xbf16>
      tpu.vector_store %arg5[%swap3A, %swap3A_61], %convert_element_type3A_60 {strides = array<i32>} : memref<256x128xbf16, #tpu.memory_space<vmem>>, vector<256x128xbf16>,
    } else {
    }
    %eq3A_14 = arith.constant 3 : i32
    %eq3A_15 = arith.cmpi eq, %arg1, %eq3A_14 : i32
    %convert_element_type3A_16 = arith.extui %eq3A_15 : i1 to i32
    %cond3A_17 = arith.constant 0 : i32
    %cond3A_18 = arith.cmpi ne, %convert_element_type3A_16, %cond3A_17 : i32
    scf.if %cond3A_18 {
      %get3A_39 = arith.constant 0 : index
      %get3A_40 = arith.constant 0 : index
      %get3A_41 = vector.load %arg3[%get3A_39, %get3A_40] : memref<2048x128xbf16, #tpu.memory_space<vmem>>, vector<1024x128xbf16>
      %dot_general3A = arith.constant dense<0.000000e+00> : vector<256x1024xf32>
      %dot_general3A_42 = tpu.matmul %get3A_1, %get3A_41, %dot_general3A {dimension_numbers = #tpu.dot_dimension_numbers<[1], [1], [0], [0], [0, 0, 1, 0], [], []>, transpose_lhs_hint = false} : vector<256x128xbf16>, vector<1024x128xbf16>, vector<256x1024xf32> -> vector<256x1024xf32>
      %mul3A = arith.constant 0.0883883461 : f32
      %mul3A_43 = vector.broadcast %mul3A : f32 to vector<256x1024xf32>
      %mul3A_44 = arith.mulf %dot_general3A_42, %mul3A_43 : vector<256x1024xf32>
      %iota3A = tpu.iota {dimensions = array<i32: 0>} : vector<256x1024xi32>
      %add3A = arith.constant 768 : i32
      %add3A_45 = vector.broadcast %add3A : i32 to vector<256x1024xi32>
      %add3A_46 = arith.addi %add3A_45, %iota3A : vector<256x1024xi32>
      %iota3A_47 = tpu.iota {dimensions = array<i32: 1>} : vector<256x1024xi32>
      %le3A = arith.cmpi sle, %iota3A_47, %add3A_46 : vector<256x1024xi32>
      %jit3A = arith.constant -1.000000e+09 : f32
      %broadcast_in_dim3A = vector.broadcast %jit3A : f32 to vector<256x1024xf32>
      %select_n3A = arith.select %le3A, %mul3A_44, %broadcast_in_dim3A : vector<256x1024xi1>, vector<256x1024xf32>
      %reduce_max3A = arith.constant dense<0xFF800000> : vector<256xf32>
      %reduce_max3A_48 = vector.multi_reduction <maximumf>, %select_n3A, %reduce_max3A [1] : vector<256x1024xf32> to vector<256xf32>
      %broadcast_in_dim3A_49 = vector.shape_cast %reduce_max3A_48 : vector<256xf32> to vector<256x1xf32>
      %sub3A = vector.broadcast %broadcast_in_dim3A_49 : vector<256x1xf32> to vector<256x1024xf32>
      %sub3A_50 = arith.subf %select_n3A, %sub3A : vector<256x1024xf32>
      %exp3A = math.exp %sub3A_50 : vector<256x1024xf32>
      %reduce_sum3A = arith.constant dense<0.000000e+00> : vector<256xf32>
      %reduce_sum3A_51 = vector.multi_reduction <add>, %exp3A, %reduce_sum3A [1] : vector<256x1024xf32> to vector<256xf32>
      %broadcast_in_dim3A_52 = vector.shape_cast %reduce_sum3A_51 : vector<256xf32> to vector<256x1xf32>
      %convert_element_type3A_53 = arith.truncf %exp3A : vector<256x1024xf32> to vector<256x1024xbf16>
      %get3A_54 = arith.constant 0 : index
      %get3A_55 = arith.constant 0 : index
      %get3A_56 = vector.load %arg4[%get3A_54, %get3A_55] : memref<2048x128xbf16, #tpu.memory_space<vmem>>, vector<1024x128xbf16>
      %dot_general3A_57 = arith.constant dense<0.000000e+00> : vector<256x128xf32>
      %dot_general3A_58 = tpu.matmul %convert_element_type3A_53, %get3A_56, %dot_general3A_57 {dimension_numbers = #tpu.dot_dimension_numbers<[1], [0], [0], [1], [0, 0, 1, 1], [], []>, transpose_lhs_hint = false} : vector<256x1024xbf16>, vector<1024x128xbf16>, vector<256x128xf32> -> vector<256x128xf32>
      %div3A = vector.broadcast %broadcast_in_dim3A_52 : vector<256x1xf32> to vector<256x128xf32>
      %div3A_59 = arith.divf %dot_general3A_58, %div3A : vector<256x128xf32>
      %convert_element_type3A_60 = arith.truncf %div3A_59 : vector<256x128xf32> to vector<256x128xbf16>
      %swap3A = arith.constant 0 : index
      %swap3A_61 = arith.constant 0 : index
      %swap3A_62 = vector.load %arg5[%swap3A, %swap3A_61] : memref<256x128xbf16, #tpu.memory_space<vmem>>, vector<256x128xbf16>
      tpu.vector_store %arg5[%swap3A, %swap3A_61], %convert_element_type3A_60 {strides = array<i32>} : memref<256x128xbf16, #tpu.memory_space<vmem>>, vector<256x128xbf16>,
    } else {
    }
    %eq3A_19 = arith.constant 4 : i32
    %eq3A_20 = arith.cmpi eq, %arg1, %eq3A_19 : i32
    %convert_element_type3A_21 = arith.extui %eq3A_20 : i1 to i32
    %cond3A_22 = arith.constant 0 : i32
    %cond3A_23 = arith.cmpi ne, %convert_element_type3A_21, %cond3A_22 : i32
    scf.if %cond3A_23 {
      %get3A_39 = arith.constant 0 : index
      %get3A_40 = arith.constant 0 : index
      %get3A_41 = vector.load %arg3[%get3A_39, %get3A_40] : memref<2048x128xbf16, #tpu.memory_space<vmem>>, vector<1280x128xbf16>
      %dot_general3A = arith.constant dense<0.000000e+00> : vector<256x1280xf32>
      %dot_general3A_42 = tpu.matmul %get3A_1, %get3A_41, %dot_general3A {dimension_numbers = #tpu.dot_dimension_numbers<[1], [1], [0], [0], [0, 0, 1, 0], [], []>, transpose_lhs_hint = false} : vector<256x128xbf16>, vector<1280x128xbf16>, vector<256x1280xf32> -> vector<256x1280xf32>
      %mul3A = arith.constant 0.0883883461 : f32
      %mul3A_43 = vector.broadcast %mul3A : f32 to vector<256x1280xf32>
      %mul3A_44 = arith.mulf %dot_general3A_42, %mul3A_43 : vector<256x1280xf32>
      %iota3A = tpu.iota {dimensions = array<i32: 0>} : vector<256x1280xi32>
      %add3A = arith.constant 1024 : i32
      %add3A_45 = vector.broadcast %add3A : i32 to vector<256x1280xi32>
      %add3A_46 = arith.addi %add3A_45, %iota3A : vector<256x1280xi32>
      %iota3A_47 = tpu.iota {dimensions = array<i32: 1>} : vector<256x1280xi32>
      %le3A = arith.cmpi sle, %iota3A_47, %add3A_46 : vector<256x1280xi32>
      %jit3A = arith.constant -1.000000e+09 : f32
      %broadcast_in_dim3A = vector.broadcast %jit3A : f32 to vector<256x1280xf32>
      %select_n3A = arith.select %le3A, %mul3A_44, %broadcast_in_dim3A : vector<256x1280xi1>, vector<256x1280xf32>
      %reduce_max3A = arith.constant dense<0xFF800000> : vector<256xf32>
      %reduce_max3A_48 = vector.multi_reduction <maximumf>, %select_n3A, %reduce_max3A [1] : vector<256x1280xf32> to vector<256xf32>
      %broadcast_in_dim3A_49 = vector.shape_cast %reduce_max3A_48 : vector<256xf32> to vector<256x1xf32>
      %sub3A = vector.broadcast %broadcast_in_dim3A_49 : vector<256x1xf32> to vector<256x1280xf32>
      %sub3A_50 = arith.subf %select_n3A, %sub3A : vector<256x1280xf32>
      %exp3A = math.exp %sub3A_50 : vector<256x1280xf32>
      %reduce_sum3A = arith.constant dense<0.000000e+00> : vector<256xf32>
      %reduce_sum3A_51 = vector.multi_reduction <add>, %exp3A, %reduce_sum3A [1] : vector<256x1280xf32> to vector<256xf32>
      %broadcast_in_dim3A_52 = vector.shape_cast %reduce_sum3A_51 : vector<256xf32> to vector<256x1xf32>
      %convert_element_type3A_53 = arith.truncf %exp3A : vector<256x1280xf32> to vector<256x1280xbf16>
      %get3A_54 = arith.constant 0 : index
      %get3A_55 = arith.constant 0 : index
      %get3A_56 = vector.load %arg4[%get3A_54, %get3A_55] : memref<2048x128xbf16, #tpu.memory_space<vmem>>, vector<1280x128xbf16>
      %dot_general3A_57 = arith.constant dense<0.000000e+00> : vector<256x128xf32>
      %dot_general3A_58 = tpu.matmul %convert_element_type3A_53, %get3A_56, %dot_general3A_57 {dimension_numbers = #tpu.dot_dimension_numbers<[1], [0], [0], [1], [0, 0, 1, 1], [], []>, transpose_lhs_hint = false} : vector<256x1280xbf16>, vector<1280x128xbf16>, vector<256x128xf32> -> vector<256x128xf32>
      %div3A = vector.broadcast %broadcast_in_dim3A_52 : vector<256x1xf32> to vector<256x128xf32>
      %div3A_59 = arith.divf %dot_general3A_58, %div3A : vector<256x128xf32>
      %convert_element_type3A_60 = arith.truncf %div3A_59 : vector<256x128xf32> to vector<256x128xbf16>
      %swap3A = arith.constant 0 : index
      %swap3A_61 = arith.constant 0 : index
      %swap3A_62 = vector.load %arg5[%swap3A, %swap3A_61] : memref<256x128xbf16, #tpu.memory_space<vmem>>, vector<256x128xbf16>
      tpu.vector_store %arg5[%swap3A, %swap3A_61], %convert_element_type3A_60 {strides = array<i32>} : memref<256x128xbf16, #tpu.memory_space<vmem>>, vector<256x128xbf16>,
    } else {
    }
    %eq3A_24 = arith.constant 5 : i32
    %eq3A_25 = arith.cmpi eq, %arg1, %eq3A_24 : i32
    %convert_element_type3A_26 = arith.extui %eq3A_25 : i1 to i32
    %cond3A_27 = arith.constant 0 : i32
    %cond3A_28 = arith.cmpi ne, %convert_element_type3A_26, %cond3A_27 : i32
    scf.if %cond3A_28 {
      %get3A_39 = arith.constant 0 : index
      %get3A_40 = arith.constant 0 : index
      %get3A_41 = vector.load %arg3[%get3A_39, %get3A_40] : memref<2048x128xbf16, #tpu.memory_space<vmem>>, vector<1536x128xbf16>
      %dot_general3A = arith.constant dense<0.000000e+00> : vector<256x1536xf32>
      %dot_general3A_42 = tpu.matmul %get3A_1, %get3A_41, %dot_general3A {dimension_numbers = #tpu.dot_dimension_numbers<[1], [1], [0], [0], [0, 0, 1, 0], [], []>, transpose_lhs_hint = false} : vector<256x128xbf16>, vector<1536x128xbf16>, vector<256x1536xf32> -> vector<256x1536xf32>
      %mul3A = arith.constant 0.0883883461 : f32
      %mul3A_43 = vector.broadcast %mul3A : f32 to vector<256x1536xf32>
      %mul3A_44 = arith.mulf %dot_general3A_42, %mul3A_43 : vector<256x1536xf32>
      %iota3A = tpu.iota {dimensions = array<i32: 0>} : vector<256x1536xi32>
      %add3A = arith.constant 1280 : i32
      %add3A_45 = vector.broadcast %add3A : i32 to vector<256x1536xi32>
      %add3A_46 = arith.addi %add3A_45, %iota3A : vector<256x1536xi32>
      %iota3A_47 = tpu.iota {dimensions = array<i32: 1>} : vector<256x1536xi32>
      %le3A = arith.cmpi sle, %iota3A_47, %add3A_46 : vector<256x1536xi32>
      %jit3A = arith.constant -1.000000e+09 : f32
      %broadcast_in_dim3A = vector.broadcast %jit3A : f32 to vector<256x1536xf32>
      %select_n3A = arith.select %le3A, %mul3A_44, %broadcast_in_dim3A : vector<256x1536xi1>, vector<256x1536xf32>
      %reduce_max3A = arith.constant dense<0xFF800000> : vector<256xf32>
      %reduce_max3A_48 = vector.multi_reduction <maximumf>, %select_n3A, %reduce_max3A [1] : vector<256x1536xf32> to vector<256xf32>
      %broadcast_in_dim3A_49 = vector.shape_cast %reduce_max3A_48 : vector<256xf32> to vector<256x1xf32>
      %sub3A = vector.broadcast %broadcast_in_dim3A_49 : vector<256x1xf32> to vector<256x1536xf32>
      %sub3A_50 = arith.subf %select_n3A, %sub3A : vector<256x1536xf32>
      %exp3A = math.exp %sub3A_50 : vector<256x1536xf32>
      %reduce_sum3A = arith.constant dense<0.000000e+00> : vector<256xf32>
      %reduce_sum3A_51 = vector.multi_reduction <add>, %exp3A, %reduce_sum3A [1] : vector<256x1536xf32> to vector<256xf32>
      %broadcast_in_dim3A_52 = vector.shape_cast %reduce_sum3A_51 : vector<256xf32> to vector<256x1xf32>
      %convert_element_type3A_53 = arith.truncf %exp3A : vector<256x1536xf32> to vector<256x1536xbf16>
      %get3A_54 = arith.constant 0 : index
      %get3A_55 = arith.constant 0 : index
      %get3A_56 = vector.load %arg4[%get3A_54, %get3A_55] : memref<2048x128xbf16, #tpu.memory_space<vmem>>, vector<1536x128xbf16>
      %dot_general3A_57 = arith.constant dense<0.000000e+00> : vector<256x128xf32>
      %dot_general3A_58 = tpu.matmul %convert_element_type3A_53, %get3A_56, %dot_general3A_57 {dimension_numbers = #tpu.dot_dimension_numbers<[1], [0], [0], [1], [0, 0, 1, 1], [], []>, transpose_lhs_hint = false} : vector<256x1536xbf16>, vector<1536x128xbf16>, vector<256x128xf32> -> vector<256x128xf32>
      %div3A = vector.broadcast %broadcast_in_dim3A_52 : vector<256x1xf32> to vector<256x128xf32>
      %div3A_59 = arith.divf %dot_general3A_58, %div3A : vector<256x128xf32>
      %convert_element_type3A_60 = arith.truncf %div3A_59 : vector<256x128xf32> to vector<256x128xbf16>
      %swap3A = arith.constant 0 : index
      %swap3A_61 = arith.constant 0 : index
      %swap3A_62 = vector.load %arg5[%swap3A, %swap3A_61] : memref<256x128xbf16, #tpu.memory_space<vmem>>, vector<256x128xbf16>
      tpu.vector_store %arg5[%swap3A, %swap3A_61], %convert_element_type3A_60 {strides = array<i32>} : memref<256x128xbf16, #tpu.memory_space<vmem>>, vector<256x128xbf16>,
    } else {
    }
    %eq3A_29 = arith.constant 6 : i32
    %eq3A_30 = arith.cmpi eq, %arg1, %eq3A_29 : i32
    %convert_element_type3A_31 = arith.extui %eq3A_30 : i1 to i32
    %cond3A_32 = arith.constant 0 : i32
    %cond3A_33 = arith.cmpi ne, %convert_element_type3A_31, %cond3A_32 : i32
    scf.if %cond3A_33 {
      %get3A_39 = arith.constant 0 : index
      %get3A_40 = arith.constant 0 : index
      %get3A_41 = vector.load %arg3[%get3A_39, %get3A_40] : memref<2048x128xbf16, #tpu.memory_space<vmem>>, vector<1792x128xbf16>
      %dot_general3A = arith.constant dense<0.000000e+00> : vector<256x1792xf32>
      %dot_general3A_42 = tpu.matmul %get3A_1, %get3A_41, %dot_general3A {dimension_numbers = #tpu.dot_dimension_numbers<[1], [1], [0], [0], [0, 0, 1, 0], [], []>, transpose_lhs_hint = false} : vector<256x128xbf16>, vector<1792x128xbf16>, vector<256x1792xf32> -> vector<256x1792xf32>
      %mul3A = arith.constant 0.0883883461 : f32
      %mul3A_43 = vector.broadcast %mul3A : f32 to vector<256x1792xf32>
      %mul3A_44 = arith.mulf %dot_general3A_42, %mul3A_43 : vector<256x1792xf32>
      %iota3A = tpu.iota {dimensions = array<i32: 0>} : vector<256x1792xi32>
      %add3A = arith.constant 1536 : i32
      %add3A_45 = vector.broadcast %add3A : i32 to vector<256x1792xi32>
      %add3A_46 = arith.addi %add3A_45, %iota3A : vector<256x1792xi32>
      %iota3A_47 = tpu.iota {dimensions = array<i32: 1>} : vector<256x1792xi32>
      %le3A = arith.cmpi sle, %iota3A_47, %add3A_46 : vector<256x1792xi32>
      %jit3A = arith.constant -1.000000e+09 : f32
      %broadcast_in_dim3A = vector.broadcast %jit3A : f32 to vector<256x1792xf32>
      %select_n3A = arith.select %le3A, %mul3A_44, %broadcast_in_dim3A : vector<256x1792xi1>, vector<256x1792xf32>
      %reduce_max3A = arith.constant dense<0xFF800000> : vector<256xf32>
      %reduce_max3A_48 = vector.multi_reduction <maximumf>, %select_n3A, %reduce_max3A [1] : vector<256x1792xf32> to vector<256xf32>
      %broadcast_in_dim3A_49 = vector.shape_cast %reduce_max3A_48 : vector<256xf32> to vector<256x1xf32>
      %sub3A = vector.broadcast %broadcast_in_dim3A_49 : vector<256x1xf32> to vector<256x1792xf32>
      %sub3A_50 = arith.subf %select_n3A, %sub3A : vector<256x1792xf32>
      %exp3A = math.exp %sub3A_50 : vector<256x1792xf32>
      %reduce_sum3A = arith.constant dense<0.000000e+00> : vector<256xf32>
      %reduce_sum3A_51 = vector.multi_reduction <add>, %exp3A, %reduce_sum3A [1] : vector<256x1792xf32> to vector<256xf32>
      %broadcast_in_dim3A_52 = vector.shape_cast %reduce_sum3A_51 : vector<256xf32> to vector<256x1xf32>
      %convert_element_type3A_53 = arith.truncf %exp3A : vector<256x1792xf32> to vector<256x1792xbf16>
      %get3A_54 = arith.constant 0 : index
      %get3A_55 = arith.constant 0 : index
      %get3A_56 = vector.load %arg4[%get3A_54, %get3A_55] : memref<2048x128xbf16, #tpu.memory_space<vmem>>, vector<1792x128xbf16>
      %dot_general3A_57 = arith.constant dense<0.000000e+00> : vector<256x128xf32>
      %dot_general3A_58 = tpu.matmul %convert_element_type3A_53, %get3A_56, %dot_general3A_57 {dimension_numbers = #tpu.dot_dimension_numbers<[1], [0], [0], [1], [0, 0, 1, 1], [], []>, transpose_lhs_hint = false} : vector<256x1792xbf16>, vector<1792x128xbf16>, vector<256x128xf32> -> vector<256x128xf32>
      %div3A = vector.broadcast %broadcast_in_dim3A_52 : vector<256x1xf32> to vector<256x128xf32>
      %div3A_59 = arith.divf %dot_general3A_58, %div3A : vector<256x128xf32>
      %convert_element_type3A_60 = arith.truncf %div3A_59 : vector<256x128xf32> to vector<256x128xbf16>
      %swap3A = arith.constant 0 : index
      %swap3A_61 = arith.constant 0 : index
      %swap3A_62 = vector.load %arg5[%swap3A, %swap3A_61] : memref<256x128xbf16, #tpu.memory_space<vmem>>, vector<256x128xbf16>
      tpu.vector_store %arg5[%swap3A, %swap3A_61], %convert_element_type3A_60 {strides = array<i32>} : memref<256x128xbf16, #tpu.memory_space<vmem>>, vector<256x128xbf16>,
    } else {
    }
    %eq3A_34 = arith.constant 7 : i32
    %eq3A_35 = arith.cmpi eq, %arg1, %eq3A_34 : i32
    %convert_element_type3A_36 = arith.extui %eq3A_35 : i1 to i32
    %cond3A_37 = arith.constant 0 : i32
    %cond3A_38 = arith.cmpi ne, %convert_element_type3A_36, %cond3A_37 : i32
    scf.if %cond3A_38 {
      %get3A_39 = arith.constant 0 : index
      %get3A_40 = arith.constant 0 : index
      %get3A_41 = vector.load %arg3[%get3A_39, %get3A_40] : memref<2048x128xbf16, #tpu.memory_space<vmem>>, vector<2048x128xbf16>
      %dot_general3A = arith.constant dense<0.000000e+00> : vector<256x2048xf32>
      %dot_general3A_42 = tpu.matmul %get3A_1, %get3A_41, %dot_general3A {dimension_numbers = #tpu.dot_dimension_numbers<[1], [1], [0], [0], [0, 0, 1, 0], [], []>, transpose_lhs_hint = false} : vector<256x128xbf16>, vector<2048x128xbf16>, vector<256x2048xf32> -> vector<256x2048xf32>
      %mul3A = arith.constant 0.0883883461 : f32
      %mul3A_43 = vector.broadcast %mul3A : f32 to vector<256x2048xf32>
      %mul3A_44 = arith.mulf %dot_general3A_42, %mul3A_43 : vector<256x2048xf32>
      %iota3A = tpu.iota {dimensions = array<i32: 0>} : vector<256x2048xi32>
      %add3A = arith.constant 1792 : i32
      %add3A_45 = vector.broadcast %add3A : i32 to vector<256x2048xi32>
      %add3A_46 = arith.addi %add3A_45, %iota3A : vector<256x2048xi32>
      %iota3A_47 = tpu.iota {dimensions = array<i32: 1>} : vector<256x2048xi32>
      %le3A = arith.cmpi sle, %iota3A_47, %add3A_46 : vector<256x2048xi32>
      %jit3A = arith.constant -1.000000e+09 : f32
      %broadcast_in_dim3A = vector.broadcast %jit3A : f32 to vector<256x2048xf32>
      %select_n3A = arith.select %le3A, %mul3A_44, %broadcast_in_dim3A : vector<256x2048xi1>, vector<256x2048xf32>
      %reduce_max3A = arith.constant dense<0xFF800000> : vector<256xf32>
      %reduce_max3A_48 = vector.multi_reduction <maximumf>, %select_n3A, %reduce_max3A [1] : vector<256x2048xf32> to vector<256xf32>
      %broadcast_in_dim3A_49 = vector.shape_cast %reduce_max3A_48 : vector<256xf32> to vector<256x1xf32>
      %sub3A = vector.broadcast %broadcast_in_dim3A_49 : vector<256x1xf32> to vector<256x2048xf32>
      %sub3A_50 = arith.subf %select_n3A, %sub3A : vector<256x2048xf32>
      %exp3A = math.exp %sub3A_50 : vector<256x2048xf32>
      %reduce_sum3A = arith.constant dense<0.000000e+00> : vector<256xf32>
      %reduce_sum3A_51 = vector.multi_reduction <add>, %exp3A, %reduce_sum3A [1] : vector<256x2048xf32> to vector<256xf32>
      %broadcast_in_dim3A_52 = vector.shape_cast %reduce_sum3A_51 : vector<256xf32> to vector<256x1xf32>
      %convert_element_type3A_53 = arith.truncf %exp3A : vector<256x2048xf32> to vector<256x2048xbf16>
      %get3A_54 = arith.constant 0 : index
      %get3A_55 = arith.constant 0 : index
      %get3A_56 = vector.load %arg4[%get3A_54, %get3A_55] : memref<2048x128xbf16, #tpu.memory_space<vmem>>, vector<2048x128xbf16>
      %dot_general3A_57 = arith.constant dense<0.000000e+00> : vector<256x128xf32>
      %dot_general3A_58 = tpu.matmul %convert_element_type3A_53, %get3A_56, %dot_general3A_57 {dimension_numbers = #tpu.dot_dimension_numbers<[1], [0], [0], [1], [0, 0, 1, 1], [], []>, transpose_lhs_hint = false} : vector<256x2048xbf16>, vector<2048x128xbf16>, vector<256x128xf32> -> vector<256x128xf32>
      %div3A = vector.broadcast %broadcast_in_dim3A_52 : vector<256x1xf32> to vector<256x128xf32>
      %div3A_59 = arith.divf %dot_general3A_58, %div3A : vector<256x128xf32>
      %convert_element_type3A_60 = arith.truncf %div3A_59 : vector<256x128xf32> to vector<256x128xbf16>
      %swap3A = arith.constant 0 : index
      %swap3A_61 = arith.constant 0 : index
      %swap3A_62 = vector.load %arg5[%swap3A, %swap3A_61] : memref<256x128xbf16, #tpu.memory_space<vmem>>, vector<256x128xbf16>
      tpu.vector_store %arg5[%swap3A, %swap3A_61], %convert_element_type3A_60 {strides = array<i32>} : memref<256x128xbf16, #tpu.memory_space<vmem>>, vector<256x128xbf16>,
    } else {
    }
    return
  }
  func.func @transform_0(%arg0: i32, %arg1: i32) -> (i32, i32) {
    %c0_i32 = arith.constant 0 : i32
    return %arg1, %arg0 : i32, i32
  }
  func.func @transform_1(%arg0: i32, %arg1: i32) -> (i32, i32) {
    %jit3A = arith.constant 4 : i32
    %div3A = arith.divsi %arg0, %jit3A : i32
    %sign3A = arith.constant 0 : i32
    %sign3A_0 = arith.cmpi sgt, %arg0, %sign3A : i32
    %sign3A_1 = arith.extui %sign3A_0 : i1 to i32
    %sign3A_2 = arith.constant 0 : i32
    %sign3A_3 = arith.cmpi slt, %arg0, %sign3A_2 : i32
    %sign3A_4 = arith.extui %sign3A_3 : i1 to i32
    %sign3A_5 = arith.subi %sign3A_1, %sign3A_4 : i32
    %sign3A_6 = arith.constant 0 : i32
    %sign3A_7 = arith.cmpi sgt, %jit3A, %sign3A_6 : i32
    %sign3A_8 = arith.extui %sign3A_7 : i1 to i32
    %sign3A_9 = arith.constant 0 : i32
    %sign3A_10 = arith.cmpi slt, %jit3A, %sign3A_9 : i32
    %sign3A_11 = arith.extui %sign3A_10 : i1 to i32
    %sign3A_12 = arith.subi %sign3A_8, %sign3A_11 : i32
    %ne3A = arith.cmpi ne, %sign3A_5, %sign3A_12 : i32
    %rem3A = arith.remsi %arg0, %jit3A : i32
    %ne3A_13 = arith.constant 0 : i32
    %ne3A_14 = arith.cmpi ne, %rem3A, %ne3A_13 : i32
    %and3A = arith.andi %ne3A, %ne3A_14 : i1
    %sub3A = arith.constant 1 : i32
    %sub3A_15 = arith.subi %div3A, %sub3A : i32
    %select_n3A = arith.select %and3A, %sub3A_15, %div3A : i32
    %c0_i32 = arith.constant 0 : i32
    %c0_i32_16 = arith.constant 0 : i32
    return %c0_i32, %select_n3A : i32, i32
  }
  func.func @transform_2(%arg0: i32, %arg1: i32) -> (i32, i32) {
    %jit3A = arith.constant 4 : i32
    %div3A = arith.divsi %arg0, %jit3A : i32
    %sign3A = arith.constant 0 : i32
    %sign3A_0 = arith.cmpi sgt, %arg0, %sign3A : i32
    %sign3A_1 = arith.extui %sign3A_0 : i1 to i32
    %sign3A_2 = arith.constant 0 : i32
    %sign3A_3 = arith.cmpi slt, %arg0, %sign3A_2 : i32
    %sign3A_4 = arith.extui %sign3A_3 : i1 to i32
    %sign3A_5 = arith.subi %sign3A_1, %sign3A_4 : i32
    %sign3A_6 = arith.constant 0 : i32
    %sign3A_7 = arith.cmpi sgt, %jit3A, %sign3A_6 : i32
    %sign3A_8 = arith.extui %sign3A_7 : i1 to i32
    %sign3A_9 = arith.constant 0 : i32
    %sign3A_10 = arith.cmpi slt, %jit3A, %sign3A_9 : i32
    %sign3A_11 = arith.extui %sign3A_10 : i1 to i32
    %sign3A_12 = arith.subi %sign3A_8, %sign3A_11 : i32
    %ne3A = arith.cmpi ne, %sign3A_5, %sign3A_12 : i32
    %rem3A = arith.remsi %arg0, %jit3A : i32
    %ne3A_13 = arith.constant 0 : i32
    %ne3A_14 = arith.cmpi ne, %rem3A, %ne3A_13 : i32
    %and3A = arith.andi %ne3A, %ne3A_14 : i1
    %sub3A = arith.constant 1 : i32
    %sub3A_15 = arith.subi %div3A, %sub3A : i32
    %select_n3A = arith.select %and3A, %sub3A_15, %div3A : i32
    %c0_i32 = arith.constant 0 : i32
    %c0_i32_16 = arith.constant 0 : i32
    return %c0_i32, %select_n3A : i32, i32
  }
  func.func @transform_3(%arg0: i32, %arg1: i32) -> (i32, i32) {
    %c0_i32 = arith.constant 0 : i32
    return %arg1, %arg0 : i32, i32
  }
}

module attributes {stable_mosaic.version = 14 : i64} {
  func.func @_oproj_body(%arg0: i32, %arg1: memref<256x2048xbf16, #tpu.memory_space<vmem>>, %arg2: memref<2048x1024xbf16, #tpu.memory_space<vmem>>, %arg3: memref<256x1024xf32, #tpu.memory_space<vmem>>, %arg4: memref<1x1024xf32, #tpu.memory_space<vmem>>, %arg5: memref<1024x8xf32, #tpu.memory_space<vmem>>, %arg6: memref<256x1024xf32, #tpu.memory_space<vmem>>, %arg7: memref<256x1024xf32, #tpu.memory_space<vmem>>, %arg8: memref<256x8xf32, #tpu.memory_space<vmem>>) attributes {dimension_semantics = [#tpu.dimension_semantics<arbitrary>], iteration_bounds = array<i64: 8>, scalar_prefetch = 0 : i64, scratch_operands = 0 : i64, tpu.core_type = #tpu.core_type<tc>, window_params = [{transform_indices = @transform_0, window_bounds = array<i64: 256, 2048>}, {pipeline_mode = #tpu.pipeline_mode<synchronous>, transform_indices = @transform_1, window_bounds = array<i64: 2048, 1024>}, {transform_indices = @transform_2, window_bounds = array<i64: 256, 1024>}, {pipeline_mode = #tpu.pipeline_mode<synchronous>, transform_indices = @transform_3, window_bounds = array<i64: 1, 1024>}, {pipeline_mode = #tpu.pipeline_mode<synchronous>, transform_indices = @transform_4, window_bounds = array<i64: 1024, 8>}, {transform_indices = @transform_5, window_bounds = array<i64: 256, 1024>}, {transform_indices = @transform_6, window_bounds = array<i64: 256, 1024>}, {transform_indices = @transform_7, window_bounds = array<i64: 256, 8>}]} {
    %get3A = arith.constant 0 : index
    %get3A_0 = arith.constant 0 : index
    %get3A_1 = vector.load %arg1[%get3A, %get3A_0] : memref<256x2048xbf16, #tpu.memory_space<vmem>>, vector<256x2048xbf16>
    %get3A_2 = arith.constant 0 : index
    %get3A_3 = arith.constant 0 : index
    %get3A_4 = vector.load %arg3[%get3A_2, %get3A_3] : memref<256x1024xf32, #tpu.memory_space<vmem>>, vector<256x1024xf32>
    %get3A_5 = arith.constant 0 : index
    %get3A_6 = arith.constant 0 : index
    %get3A_7 = vector.load %arg2[%get3A_5, %get3A_6] : memref<2048x1024xbf16, #tpu.memory_space<vmem>>, vector<2048x1024xbf16>
    %dot_general3A = arith.constant dense<0.000000e+00> : vector<256x1024xf32>
    %dot_general3A_8 = tpu.matmul %get3A_1, %get3A_7, %dot_general3A {dimension_numbers = #tpu.dot_dimension_numbers<[1], [0], [0], [1], [0, 0, 1, 1], [], []>, transpose_lhs_hint = false} : vector<256x2048xbf16>, vector<2048x1024xbf16>, vector<256x1024xf32> -> vector<256x1024xf32>
    %add3A = arith.addf %get3A_4, %dot_general3A_8 : vector<256x1024xf32>
    %swap3A = arith.constant 0 : index
    %swap3A_9 = arith.constant 0 : index
    %swap3A_10 = vector.load %arg6[%swap3A, %swap3A_9] : memref<256x1024xf32, #tpu.memory_space<vmem>>, vector<256x1024xf32>
    tpu.vector_store %arg6[%swap3A, %swap3A_9], %add3A {strides = array<i32>} : memref<256x1024xf32, #tpu.memory_space<vmem>>, vector<256x1024xf32>,
    %mul3A = arith.mulf %add3A, %add3A : vector<256x1024xf32>
    %reduce_sum3A = arith.constant dense<0.000000e+00> : vector<256xf32>
    %reduce_sum3A_11 = vector.multi_reduction <add>, %mul3A, %reduce_sum3A [1] : vector<256x1024xf32> to vector<256xf32>
    %broadcast_in_dim3A = vector.shape_cast %reduce_sum3A_11 : vector<256xf32> to vector<256x1xf32>
    %div3A = arith.constant 1.024000e+03 : f32
    %div3A_12 = vector.broadcast %div3A : f32 to vector<256x1xf32>
    %div3A_13 = arith.divf %broadcast_in_dim3A, %div3A_12 : vector<256x1xf32>
    %add3A_14 = arith.constant 9.99999997E-7 : f32
    %add3A_15 = vector.broadcast %add3A_14 : f32 to vector<256x1xf32>
    %add3A_16 = arith.addf %div3A_13, %add3A_15 : vector<256x1xf32>
    %rsqrt3A = math.rsqrt %add3A_16 : vector<256x1xf32>
    %mul3A_17 = vector.broadcast %rsqrt3A : vector<256x1xf32> to vector<256x1024xf32>
    %mul3A_18 = arith.mulf %add3A, %mul3A_17 : vector<256x1024xf32>
    %get3A_19 = arith.constant 0 : index
    %get3A_20 = arith.constant 0 : index
    %get3A_21 = vector.load %arg4[%get3A_19, %get3A_20] : memref<1x1024xf32, #tpu.memory_space<vmem>>, vector<1x1024xf32>
    %mul3A_22 = vector.broadcast %get3A_21 : vector<1x1024xf32> to vector<256x1024xf32>
    %mul3A_23 = arith.mulf %mul3A_18, %mul3A_22 : vector<256x1024xf32>
    %swap3A_24 = arith.constant 0 : index
    %swap3A_25 = arith.constant 0 : index
    %swap3A_26 = vector.load %arg7[%swap3A_24, %swap3A_25] : memref<256x1024xf32, #tpu.memory_space<vmem>>, vector<256x1024xf32>
    tpu.vector_store %arg7[%swap3A_24, %swap3A_25], %mul3A_23 {strides = array<i32>} : memref<256x1024xf32, #tpu.memory_space<vmem>>, vector<256x1024xf32>,
    %get3A_27 = arith.constant 0 : index
    %get3A_28 = arith.constant 0 : index
    %get3A_29 = vector.load %arg5[%get3A_27, %get3A_28] : memref<1024x8xf32, #tpu.memory_space<vmem>>, vector<1024x8xf32>
    %dot_general3A_30 = arith.constant dense<0.000000e+00> : vector<256x8xf32>
    %dot_general3A_31 = tpu.matmul %mul3A_23, %get3A_29, %dot_general3A_30 {dimension_numbers = #tpu.dot_dimension_numbers<[1], [0], [0], [1], [0, 0, 1, 1], [], []>, transpose_lhs_hint = false} : vector<256x1024xf32>, vector<1024x8xf32>, vector<256x8xf32> -> vector<256x8xf32>
    %iota3A = tpu.iota {dimensions = array<i32: 1>} : vector<256x8xi32>
    %reduce_max3A = arith.constant dense<0xFF800000> : vector<256xf32>
    %reduce_max3A_32 = vector.multi_reduction <maximumf>, %dot_general3A_31, %reduce_max3A [1] : vector<256x8xf32> to vector<256xf32>
    %broadcast_in_dim3A_33 = vector.shape_cast %reduce_max3A_32 : vector<256xf32> to vector<256x1xf32>
    %eq3A = vector.broadcast %broadcast_in_dim3A_33 : vector<256x1xf32> to vector<256x8xf32>
    %eq3A_34 = arith.cmpf oeq, %dot_general3A_31, %eq3A : vector<256x8xf32>
    %jit3A = arith.constant 8 : i32
    %broadcast_in_dim3A_35 = vector.broadcast %jit3A : i32 to vector<256x8xi32>
    %select_n3A = arith.select %eq3A_34, %iota3A, %broadcast_in_dim3A_35 : vector<256x8xi1>, vector<256x8xi32>
    %reduce_min3A = arith.constant dense<2147483647> : vector<256xi32>
    %reduce_min3A_36 = vector.multi_reduction <minsi>, %select_n3A, %reduce_min3A [1] : vector<256x8xi32> to vector<256xi32>
    %broadcast_in_dim3A_37 = vector.shape_cast %reduce_min3A_36 : vector<256xi32> to vector<256x1xi32>
    %eq3A_38 = vector.broadcast %broadcast_in_dim3A_37 : vector<256x1xi32> to vector<256x8xi32>
    %eq3A_39 = arith.cmpi eq, %iota3A, %eq3A_38 : vector<256x8xi32>
    %jit3A_40 = arith.constant 0xFF800000 : f32
    %broadcast_in_dim3A_41 = vector.broadcast %jit3A_40 : f32 to vector<256x8xf32>
    %select_n3A_42 = arith.select %eq3A_39, %broadcast_in_dim3A_41, %dot_general3A_31 : vector<256x8xi1>, vector<256x8xf32>
    %reduce_max3A_43 = arith.constant dense<0xFF800000> : vector<256xf32>
    %reduce_max3A_44 = vector.multi_reduction <maximumf>, %select_n3A_42, %reduce_max3A_43 [1] : vector<256x8xf32> to vector<256xf32>
    %broadcast_in_dim3A_45 = vector.shape_cast %reduce_max3A_44 : vector<256xf32> to vector<256x1xf32>
    %eq3A_46 = vector.broadcast %broadcast_in_dim3A_45 : vector<256x1xf32> to vector<256x8xf32>
    %eq3A_47 = arith.cmpf oeq, %select_n3A_42, %eq3A_46 : vector<256x8xf32>
    %jit3A_48 = arith.constant 8 : i32
    %broadcast_in_dim3A_49 = vector.broadcast %jit3A_48 : i32 to vector<256x8xi32>
    %select_n3A_50 = arith.select %eq3A_47, %iota3A, %broadcast_in_dim3A_49 : vector<256x8xi1>, vector<256x8xi32>
    %reduce_min3A_51 = arith.constant dense<2147483647> : vector<256xi32>
    %reduce_min3A_52 = vector.multi_reduction <minsi>, %select_n3A_50, %reduce_min3A_51 [1] : vector<256x8xi32> to vector<256xi32>
    %broadcast_in_dim3A_53 = vector.shape_cast %reduce_min3A_52 : vector<256xi32> to vector<256x1xi32>
    %eq3A_54 = vector.broadcast %broadcast_in_dim3A_53 : vector<256x1xi32> to vector<256x8xi32>
    %eq3A_55 = arith.cmpi eq, %iota3A, %eq3A_54 : vector<256x8xi32>
    %sub3A = arith.subf %broadcast_in_dim3A_45, %broadcast_in_dim3A_33 : vector<256x1xf32>
    %exp3A = math.exp %sub3A : vector<256x1xf32>
    %add3A_56 = arith.constant 1.000000e+00 : f32
    %add3A_57 = vector.broadcast %add3A_56 : f32 to vector<256x1xf32>
    %add3A_58 = arith.addf %add3A_57, %exp3A : vector<256x1xf32>
    %div3A_59 = arith.constant 1.000000e+00 : f32
    %div3A_60 = vector.broadcast %div3A_59 : f32 to vector<256x1xf32>
    %div3A_61 = arith.divf %div3A_60, %add3A_58 : vector<256x1xf32>
    %jit3A_62 = arith.constant 0.000000e+00 : f32
    %broadcast_in_dim3A_63 = vector.shape_cast %div3A_61 : vector<256x1xf32> to vector<256x1xf32>
    %broadcast_in_dim3A_64 = vector.broadcast %broadcast_in_dim3A_63 : vector<256x1xf32> to vector<256x8xf32>
    %broadcast_in_dim3A_65 = vector.broadcast %jit3A_62 : f32 to vector<256x8xf32>
    %select_n3A_66 = arith.select %eq3A_39, %broadcast_in_dim3A_64, %broadcast_in_dim3A_65 : vector<256x8xi1>, vector<256x8xf32>
    %sub3A_67 = arith.constant 1.000000e+00 : f32
    %sub3A_68 = vector.broadcast %sub3A_67 : f32 to vector<256x1xf32>
    %sub3A_69 = arith.subf %sub3A_68, %div3A_61 : vector<256x1xf32>
    %jit3A_70 = arith.constant 0.000000e+00 : f32
    %broadcast_in_dim3A_71 = vector.shape_cast %sub3A_69 : vector<256x1xf32> to vector<256x1xf32>
    %broadcast_in_dim3A_72 = vector.broadcast %broadcast_in_dim3A_71 : vector<256x1xf32> to vector<256x8xf32>
    %broadcast_in_dim3A_73 = vector.broadcast %jit3A_70 : f32 to vector<256x8xf32>
    %select_n3A_74 = arith.select %eq3A_55, %broadcast_in_dim3A_72, %broadcast_in_dim3A_73 : vector<256x8xi1>, vector<256x8xf32>
    %add3A_75 = arith.addf %select_n3A_66, %select_n3A_74 : vector<256x8xf32>
    %swap3A_76 = arith.constant 0 : index
    %swap3A_77 = arith.constant 0 : index
    %swap3A_78 = vector.load %arg8[%swap3A_76, %swap3A_77] : memref<256x8xf32, #tpu.memory_space<vmem>>, vector<256x8xf32>
    tpu.vector_store %arg8[%swap3A_76, %swap3A_77], %add3A_75 {strides = array<i32>} : memref<256x8xf32, #tpu.memory_space<vmem>>, vector<256x8xf32>,
    return
  }
  func.func @transform_0(%arg0: i32) -> (i32, i32) {
    %c0_i32 = arith.constant 0 : i32
    %c0_i32_0 = arith.constant 0 : i32
    return %arg0, %c0_i32 : i32, i32
  }
  func.func @transform_1(%arg0: i32) -> (i32, i32) {
    %c0_i32 = arith.constant 0 : i32
    %c0_i32_0 = arith.constant 0 : i32
    %c0_i32_1 = arith.constant 0 : i32
    return %c0_i32, %c0_i32_0 : i32, i32
  }
  func.func @transform_2(%arg0: i32) -> (i32, i32) {
    %c0_i32 = arith.constant 0 : i32
    %c0_i32_0 = arith.constant 0 : i32
    return %arg0, %c0_i32 : i32, i32
  }
  func.func @transform_3(%arg0: i32) -> (i32, i32) {
    %c0_i32 = arith.constant 0 : i32
    %c0_i32_0 = arith.constant 0 : i32
    %c0_i32_1 = arith.constant 0 : i32
    return %c0_i32, %c0_i32_0 : i32, i32
  }
  func.func @transform_4(%arg0: i32) -> (i32, i32) {
    %c0_i32 = arith.constant 0 : i32
    %c0_i32_0 = arith.constant 0 : i32
    %c0_i32_1 = arith.constant 0 : i32
    return %c0_i32, %c0_i32_0 : i32, i32
  }
  func.func @transform_5(%arg0: i32) -> (i32, i32) {
    %c0_i32 = arith.constant 0 : i32
    %c0_i32_0 = arith.constant 0 : i32
    return %arg0, %c0_i32 : i32, i32
  }
  func.func @transform_6(%arg0: i32) -> (i32, i32) {
    %c0_i32 = arith.constant 0 : i32
    %c0_i32_0 = arith.constant 0 : i32
    return %arg0, %c0_i32 : i32, i32
  }
  func.func @transform_7(%arg0: i32) -> (i32, i32) {
    %c0_i32 = arith.constant 0 : i32
    %c0_i32_0 = arith.constant 0 : i32
    return %arg0, %c0_i32 : i32, i32
  }
}

module attributes {stable_mosaic.version = 14 : i64} {
  func.func @_ffn_body(%arg0: i32, %arg1: memref<24xi32, #tpu.memory_space<smem>>, %arg2: memref<256x1024xf32, #tpu.memory_space<vmem>>, %arg3: memref<256x128xf32, #tpu.memory_space<vmem>>, %arg4: memref<1x1024x768xbf16, #tpu.memory_space<vmem>>, %arg5: memref<1x1024x768xbf16, #tpu.memory_space<vmem>>, %arg6: memref<1x768x1024xbf16, #tpu.memory_space<vmem>>, %arg7: memref<256x1024xf32, #tpu.memory_space<vmem>>) attributes {dimension_semantics = [#tpu.dimension_semantics<arbitrary>], iteration_bounds = array<i64: 24>, scalar_prefetch = 1 : i64, scratch_operands = 0 : i64, tpu.core_type = #tpu.core_type<tc>, window_params = [{transform_indices = @transform_0, window_bounds = array<i64: 256, 1024>}, {transform_indices = @transform_1, window_bounds = array<i64: 256, 128>}, {transform_indices = @transform_2, window_bounds = array<i64: 1, 1024, 768>}, {transform_indices = @transform_3, window_bounds = array<i64: 1, 1024, 768>}, {transform_indices = @transform_4, window_bounds = array<i64: 1, 768, 1024>}, {transform_indices = @transform_5, window_bounds = array<i64: 256, 1024>}]} {
    %get3A = arith.index_cast %arg0 : i32 to index
    %get3A_0 = memref.load %arg1[%get3A] : memref<24xi32, #tpu.memory_space<smem>>
    %lt3A = arith.constant 8 : i32
    %lt3A_1 = arith.cmpi slt, %get3A_0, %lt3A : i32
    %convert_element_type3A = arith.extui %lt3A_1 : i1 to i32
    %cond3A = arith.constant 0 : i32
    %cond3A_2 = arith.cmpi ne, %convert_element_type3A, %cond3A : i32
    scf.if %cond3A_2 {
      %get3A_3 = arith.constant 0 : index
      %get3A_4 = arith.constant 0 : index
      %get3A_5 = vector.load %arg2[%get3A_3, %get3A_4] : memref<256x1024xf32, #tpu.memory_space<vmem>>, vector<256x1024xf32>
      %convert_element_type3A_6 = arith.truncf %get3A_5 : vector<256x1024xf32> to vector<256x1024xbf16>
      %get3A_7 = arith.constant 0 : index
      %get3A_8 = arith.constant 0 : index
      %get3A_9 = arith.constant 0 : index
      %get3A_10 = vector.load %arg4[%get3A_7, %get3A_8, %get3A_9] : memref<1x1024x768xbf16, #tpu.memory_space<vmem>>, vector<1x1024x768xbf16>
      %get3A_11 = vector.shape_cast %get3A_10 : vector<1x1024x768xbf16> to vector<1024x768xbf16>
      %dot_general3A = arith.constant dense<0.000000e+00> : vector<256x768xf32>
      %dot_general3A_12 = tpu.matmul %convert_element_type3A_6, %get3A_11, %dot_general3A {dimension_numbers = #tpu.dot_dimension_numbers<[1], [0], [0], [1], [0, 0, 1, 1], [], []>, transpose_lhs_hint = false} : vector<256x1024xbf16>, vector<1024x768xbf16>, vector<256x768xf32> -> vector<256x768xf32>
      %get3A_13 = arith.constant 0 : index
      %get3A_14 = arith.constant 0 : index
      %get3A_15 = arith.constant 0 : index
      %get3A_16 = vector.load %arg5[%get3A_13, %get3A_14, %get3A_15] : memref<1x1024x768xbf16, #tpu.memory_space<vmem>>, vector<1x1024x768xbf16>
      %get3A_17 = vector.shape_cast %get3A_16 : vector<1x1024x768xbf16> to vector<1024x768xbf16>
      %dot_general3A_18 = arith.constant dense<0.000000e+00> : vector<256x768xf32>
      %dot_general3A_19 = tpu.matmul %convert_element_type3A_6, %get3A_17, %dot_general3A_18 {dimension_numbers = #tpu.dot_dimension_numbers<[1], [0], [0], [1], [0, 0, 1, 1], [], []>, transpose_lhs_hint = false} : vector<256x1024xbf16>, vector<1024x768xbf16>, vector<256x768xf32> -> vector<256x768xf32>
      %logistic3A = arith.negf %dot_general3A_12 : vector<256x768xf32>
      %logistic3A_20 = math.exp %logistic3A : vector<256x768xf32>
      %logistic3A_21 = arith.constant 1.000000e+00 : f32
      %logistic3A_22 = vector.broadcast %logistic3A_21 : f32 to vector<256x768xf32>
      %logistic3A_23 = arith.addf %logistic3A_22, %logistic3A_20 : vector<256x768xf32>
      %logistic3A_24 = arith.divf %logistic3A_22, %logistic3A_23 : vector<256x768xf32>
      %mul3A = arith.mulf %dot_general3A_12, %logistic3A_24 : vector<256x768xf32>
      %mul3A_25 = arith.mulf %mul3A, %dot_general3A_19 : vector<256x768xf32>
      %convert_element_type3A_26 = arith.truncf %mul3A_25 : vector<256x768xf32> to vector<256x768xbf16>
      %get3A_27 = arith.constant 0 : index
      %get3A_28 = arith.constant 0 : index
      %get3A_29 = arith.constant 0 : index
      %get3A_30 = vector.load %arg6[%get3A_27, %get3A_28, %get3A_29] : memref<1x768x1024xbf16, #tpu.memory_space<vmem>>, vector<1x768x1024xbf16>
      %get3A_31 = vector.shape_cast %get3A_30 : vector<1x768x1024xbf16> to vector<768x1024xbf16>
      %dot_general3A_32 = arith.constant dense<0.000000e+00> : vector<256x1024xf32>
      %dot_general3A_33 = tpu.matmul %convert_element_type3A_26, %get3A_31, %dot_general3A_32 {dimension_numbers = #tpu.dot_dimension_numbers<[1], [0], [0], [1], [0, 0, 1, 1], [], []>, transpose_lhs_hint = false} : vector<256x768xbf16>, vector<768x1024xbf16>, vector<256x1024xf32> -> vector<256x1024xf32>
      %get3A_34 = arith.constant 0 : index
      %get3A_35 = arith.constant 0 : index
      %get3A_36 = vector.load %arg3[%get3A_34, %get3A_35] : memref<256x128xf32, #tpu.memory_space<vmem>>, vector<256x1xf32>
      %mul3A_37 = vector.broadcast %get3A_36 : vector<256x1xf32> to vector<256x1024xf32>
      %mul3A_38 = arith.mulf %dot_general3A_33, %mul3A_37 : vector<256x1024xf32>
      %swap3A = arith.constant 0 : index
      %swap3A_39 = arith.constant 0 : index
      %swap3A_40 = vector.load %arg7[%swap3A, %swap3A_39] : memref<256x1024xf32, #tpu.memory_space<vmem>>, vector<256x1024xf32>
      tpu.vector_store %arg7[%swap3A, %swap3A_39], %mul3A_38 {strides = array<i32>} : memref<256x1024xf32, #tpu.memory_space<vmem>>, vector<256x1024xf32>,
    } else {
    }
    return
  }
  func.func @transform_0(%arg0: i32, %arg1: memref<24xi32, #tpu.memory_space<smem>>) -> (i32, i32) {
    %c0_i32 = arith.constant 0 : i32
    %c0_i32_0 = arith.constant 0 : i32
    return %arg0, %c0_i32 : i32, i32
  }
  func.func @transform_1(%arg0: i32, %arg1: memref<24xi32, #tpu.memory_space<smem>>) -> (i32, i32) {
    %c0_i32 = arith.constant 0 : i32
    %c0_i32_0 = arith.constant 0 : i32
    return %arg0, %c0_i32 : i32, i32
  }
  func.func @transform_2(%arg0: i32, %arg1: memref<24xi32, #tpu.memory_space<smem>>) -> (i32, i32, i32) {
    %get3A = arith.index_cast %arg0 : i32 to index
    %get3A_0 = memref.load %arg1[%get3A] : memref<24xi32, #tpu.memory_space<smem>>
    %min3A = arith.constant 7 : i32
    %min3A_1 = arith.minsi %get3A_0, %min3A : i32
    %c0_i32 = arith.constant 0 : i32
    %c0_i32_2 = arith.constant 0 : i32
    %c0_i32_3 = arith.constant 0 : i32
    return %min3A_1, %c0_i32, %c0_i32_2 : i32, i32, i32
  }
  func.func @transform_3(%arg0: i32, %arg1: memref<24xi32, #tpu.memory_space<smem>>) -> (i32, i32, i32) {
    %get3A = arith.index_cast %arg0 : i32 to index
    %get3A_0 = memref.load %arg1[%get3A] : memref<24xi32, #tpu.memory_space<smem>>
    %min3A = arith.constant 7 : i32
    %min3A_1 = arith.minsi %get3A_0, %min3A : i32
    %c0_i32 = arith.constant 0 : i32
    %c0_i32_2 = arith.constant 0 : i32
    %c0_i32_3 = arith.constant 0 : i32
    return %min3A_1, %c0_i32, %c0_i32_2 : i32, i32, i32
  }
  func.func @transform_4(%arg0: i32, %arg1: memref<24xi32, #tpu.memory_space<smem>>) -> (i32, i32, i32) {
    %get3A = arith.index_cast %arg0 : i32 to index
    %get3A_0 = memref.load %arg1[%get3A] : memref<24xi32, #tpu.memory_space<smem>>
    %min3A = arith.constant 7 : i32
    %min3A_1 = arith.minsi %get3A_0, %min3A : i32
    %c0_i32 = arith.constant 0 : i32
    %c0_i32_2 = arith.constant 0 : i32
    %c0_i32_3 = arith.constant 0 : i32
    return %min3A_1, %c0_i32, %c0_i32_2 : i32, i32, i32
  }
  func.func @transform_5(%arg0: i32, %arg1: memref<24xi32, #tpu.memory_space<smem>>) -> (i32, i32) {
    %c0_i32 = arith.constant 0 : i32
    %c0_i32_0 = arith.constant 0 : i32
    return %arg0, %c0_i32 : i32, i32
  }
}

</mosaic_0001>

<sc_bundles>
// kernel: kernel.11.cloned.1.call-start
scs
__scs_entry_jumppad:
0x0: {  	(pc) =	sbr.rel $0x88, $3  }
0x1: {  	(tag) =	ssettag $0x0;
	lr =	simm.s32 $0x1  }
0x2: {  	[smem:$0x3F95] =	sst lr;
	_ =	strace $0xD0000000  }
0x3: {  	_ = 	snop  }
0x4: {  	_ = 	snop  }
0x5: {  	_ = 	snop  }
0x6: {  	_ = 	snop  }
0x7: {  	_ = 	snop  }
__scs_overlays_trampoline_lowered:
0x8: {  	[smem:$0x3FA4] =	sst s0  }
0x9: {  	[smem:$0x3FA5] =	sst s1  }
0xa: {  	[smem:$0x3FA6] =	sst s2  }
0xb: {  	[smem:$0x3FA7] =	sst s3  }
0xc: {  	[smem:$0x3FA8] =	sst s4  }
0xd: {  	[smem:$0x3FA9] =	sst s5  }
0xe: {  	[smem:$0x3FAA] =	sst s6  }
0xf: {  	[smem:$0x3FAB] =	sst s7  }
0x10: {  	[smem:$0x3FAC] =	sst s8  }
0x11: {  	[smem:$0x3FAD] =	sst s9;
	s0 =	simm.s32 @!p0 $0x0  }
0x12: {  	s1 =	sld [smem:$0x3F93];
	s0 =	simm.s32 @p0 $0x1  }
0x13: {  	[smem:$0x3FAE] =	sst s0;
	s0 =	simm.s32 @!p1 $0x0  }
0x14: {  	s2 =	sld [smem:$0x3F92];
	s0 =	simm.s32 @p1 $0x1  }
0x15: {  	[smem:$0x3FAF] =	sst s0;
	s0 =	simm.s32 @!p2 $0x0  }
0x16: {  	s3 =	sld [smem:$0x3FDB];
	s0 =	simm.s32 @p2 $0x1  }
0x17: {  	s4 =	simm.s32 $0x1BF5;
	[smem:$0x3FB1] =	sst s0  }
0x18: {  	s0 =	sld [smem:$0x3F94];
	_ =	swait.ge [sflag:s4], $0x0  }
0x19: {  	s7 =	sld [smem:$0x3F95]  }
0x1a: {  	s8 =	sadd.s32 $0xFFFFE003, lr  }
0x1b: {  	s9 =	sadd.s32 $0xFFFFFEF7, lr;
	s5 =	simm.s32 $0xFFFFFFFF;
	p2 =	slt.u32 s8, $0xFFFFF086  }
0x1c: {  	p1 =	slt.u32 s9, $0xF7A;
	s5 =	simm.s32 @!p2 $0x0  }
0x1d: {  	s5 =	simm.s32 @p1 $0x1;
	p0 =	seq.s32 s7, s2  }
0x1e: {  	s7 =	smul.u32 @!p0 $0xF7A, s2;
	p2 =	seq.s32 @!p0 s5, $0x0  }
0x1f: {  	s9 =	smul.u32 $0xF7A, s1;
	s8 =	simm.s32 @!p0 $0x1BF5;
	p2 =	por !p2, p0  }
0x20: {  	[sflag:s8] =	ssyncset.s32 @!p0 $0xFFFFF086;
	s6 =	sadd.s32 @!p0 s3, s7;
	s7 =	simm.s32 @!p0 $0x108  }
0x21: {  	s3 =	sadd.s32 s3, s9;
	s6 =	sadd.s32 @!p0 $0x88, s6;
	s7 =	simm.s32 @p2 $0x1082  }
0x22: {  	[simem:s7], [sflag:s8] =	dma.local @!p0 [hbm:s6], $0xF7A  }
0x23: {  	s9 =	sor.u32 $0xD0000000, s2;
	s6 =	simm.s32 $0x108;
	_ =	swait.ge @!p0 [sflag:s8], $0x0  }
0x24: {  	s3 =	sadd.s32 $0x88, s3;
	s6 =	simm.s32 @!p1 $0x1082;
	[sflag:s4] =	ssyncset.s32 $0xFFFFF086  }
0x25: {  	[simem:s6], [sflag:s4] =	dma.local [hbm:s3], $0xF7A  }
0x26: {  	[smem:$0x3F95] =	sst s1;
	(tag) =	ssettag s2;
	_ =	strace s9  }
0x27: {  	s1 =	sld [smem:$0x3FA5]  }
0x28: {  	s2 =	sld [smem:$0x3FA6]  }
0x29: {  	s4 =	sld [smem:$0x3FA8]  }
0x2a: {  	p0 =	seq.s32 s5, $0x0;
	s5 =	sld [smem:$0x3FA9]  }
0x2b: {  	s6 =	sld [smem:$0x3FAA]  }
0x2c: {  	s7 =	sld [smem:$0x3FAB]  }
0x2d: {  	s3 =	simm.s32 $0x108;
	s8 =	sld [smem:$0x3FAC]  }
0x2e: {  	s3 =	simm.s32 @!p0 $0x1082;
	s9 =	sld [smem:$0x3FAD]  }
0x2f: {  	lr =	sadd.s32 s0, s3;
	s0 =	sld [smem:$0x3FA4]  }
0x30: {  	s3 =	sld [smem:$0x3FA7]  }
0x31: {  	[smem:$0x3FB0] =	sst s10  }
0x32: {  	s10 =	sld [smem:$0x3FAE];
	_ =	sdelay $0x3  }
0x33: {  	p0 =	seq.s32 s10, $0x1;
	s10 =	sld [smem:$0x3FB0];
	_ =	sdelay $0x3  }
0x34: {  	[smem:$0x3FB0] =	sst s10  }
0x35: {  	s10 =	sld [smem:$0x3FAF];
	_ =	sdelay $0x3  }
0x36: {  	p1 =	seq.s32 s10, $0x1;
	s10 =	sld [smem:$0x3FB0];
	_ =	sdelay $0x3  }
0x37: {  	[smem:$0x3FB0] =	sst s10  }
0x38: {  	s10 =	sld [smem:$0x3FB1]  }
0x39: {  	_ = 	snop;
	(pc) =	sbr.ind lr, $3  }
0x3a: {  	_ = 	snop  }
0x3b: {  	_ = 	snop  }
0x3c: {  	p2 =	seq.s32 s10, $0x1;
	s10 =	sld [smem:$0x3FB0]  }
0x3d: {  	_ =	shalt  }
0x3e: {  	_ =	shalt  }
0x3f: {  	_ =	shalt  }
0x40: {  	_ =	shalt  }
0x41: {  	_ =	shalt  }
0x42: {  	_ =	shalt  }
0x43: {  	_ =	shalt  }
0x44: {  	_ =	shalt  }
0x45: {  	_ =	shalt  }
0x46: {  	_ =	shalt  }
0x47: {  	_ =	shalt  }
0x48: {  	_ =	shalt  }
0x49: {  	_ =	shalt  }
0x4a: {  	_ =	shalt  }
0x4b: {  	_ =	shalt  }
0x4c: {  	_ =	shalt  }
0x4d: {  	_ =	shalt  }
0x4e: {  	_ =	shalt  }
0x4f: {  	_ =	shalt  }
0x50: {  	_ =	shalt  }
0x51: {  	_ =	shalt  }
0x52: {  	_ =	shalt  }
0x53: {  	_ =	shalt  }
0x54: {  	_ =	shalt  }
0x55: {  	_ =	shalt  }
0x56: {  	_ =	shalt  }
0x57: {  	_ =	shalt  }
0x58: {  	_ =	shalt  }
0x59: {  	_ =	shalt  }
0x5a: {  	_ =	shalt  }
0x5b: {  	_ =	shalt  }
0x5c: {  	_ =	shalt  }
0x5d: {  	_ =	shalt  }
0x5e: {  	_ =	shalt  }
0x5f: {  	_ =	shalt  }
0x60: {  	_ =	shalt  }
0x61: {  	_ =	shalt  }
0x62: {  	_ =	shalt  }
0x63: {  	_ =	shalt  }
0x64: {  	_ =	shalt  }
0x65: {  	_ =	shalt  }
0x66: {  	_ =	shalt  }
0x67: {  	_ =	shalt  }
0x68: {  	_ =	shalt  }
0x69: {  	_ =	shalt  }
0x6a: {  	_ =	shalt  }
0x6b: {  	_ =	shalt  }
0x6c: {  	_ =	shalt  }
0x6d: {  	_ =	shalt  }
0x6e: {  	_ =	shalt  }
0x6f: {  	_ =	shalt  }
0x70: {  	_ =	shalt  }
0x71: {  	_ =	shalt  }
0x72: {  	_ =	shalt  }
0x73: {  	_ =	shalt  }
0x74: {  	_ =	shalt  }
0x75: {  	_ =	shalt  }
0x76: {  	_ =	shalt  }
0x77: {  	_ =	shalt  }
0x78: {  	_ =	shalt  }
0x79: {  	_ =	shalt  }
0x7a: {  	_ =	shalt  }
0x7b: {  	_ =	shalt  }
0x7c: {  	_ =	shalt  }
0x7d: {  	_ =	shalt  }
0x7e: {  	_ =	shalt  }
0x7f: {  	_ =	shalt  }
0x80: {  	_ =	shalt  }
0x81: {  	_ =	shalt  }
0x82: {  	_ =	shalt  }
0x83: {  	_ =	shalt  }
0x84: {  	_ =	shalt  }
0x85: {  	_ =	shalt  }
0x86: {  	_ =	shalt  }
0x87: {  	_ =	shalt  }
.Lfunc_end0:
.L_simem_size_0:
called_computation.1_lowered:
.L_overlay_start_0:
0x88: {  	s2 =	sld [smem:$0x3FD9]  }
0x89: {  	s3 =	sld [smem:$0x3FFE];
	_ =	sdelay $0x1  }
0x8a: {  	s1 =	srdreg.scid  }
0x8b: {  	s0 =	sand.u32 $0x1, s1  }
0x8c: {  	s17 =	sshll.u32 s0, $0xA;
	s2 =	sadd.s32 s3, s2  }
0x8d: {  	s2 =	sadd.s32 s2, s17  }
0x8e: {  	[smem:$0x3FBC] =	sst s2  }
0x8f: {  	_ = 	snop  }
0x90: {  	s2 =	sld [smem:$0x3FD0];
	(tm) =	ssettm $0x1  }
0x91: {  	s18 =	sld [smem:$0x3FFB];
	_ =	sdelay $0x3  }
0x92: {  	_ =	strace s18  }
0x93: {  	s3 =	sld [smem:$0x3FFC];
	_ =	sdelay $0x3  }
0x94: {  	_ =	strace s3  }
0x95: {  	s3 =	sld [smem:$0x3FFD];
	_ =	sdelay $0x3  }
0x96: {  	_ =	strace s3  }
0x97: {  	_ =	strace $0x8FFFFFFF  }
0x98: {  	s19 =	sld [smem:$0x3FDB];
	_ =	sdelay $0x1  }
0x99: {  	s4 =	simm.s32 $_scs_section_size  }
0x9a: {  	s5 =	simm.s32 $_size__tile_overlayer_lowered;
	s6 =	simm.s32 $_tile_overlayer_lowered  }
0x9b: {  	s22 =	simm.s32 $0x1BFF;
	s21 =	sshll.u32 s6, $0x1;
	s3 =	sadd.s32 s4, s19  }
0x9c: {  	s7 =	simm.s32 $0x0;
	s20 =	sshll.u32 s5, $0x1;
	s5 =	sadd.s32 s21, s3  }
0x9d: {  	[timem:s7], [sflag:s22] =	dma.local [hbm:s5], s20  }
0x9e: {  	_ =	swait.ge [sflag:s22], s20  }
0x9f: {  	s4 =	ssub.s32 $0x0, s20;
	[sflag:s22] =	ssyncset.done $0x0  }
0xa0: {  	[sflag:s22] =	ssyncadd.s32 s4;
	_ =	sdelay $0x1  }
0xa1: {  	s23 =	simm.s32 $0x1B8B  }
0xa2: {  	_ =	swait.ge [sflag:s23], $0x1  }
0xa3: {  	[sflag:s23] =	ssyncset.done $0x0  }
0xa4: {  	s25 =	simm.s32 $0x1B8E;
	s24 =	sld [smem:$0x3FFE];
	[sflag:s23] =	ssyncadd.s32 $0xFFFFFFFF  }
0xa5: {  	s26 =	simm.s32 $execute0_lowered;
	[smem:$0x3FD2] =	sst s25  }
0xa6: {  	s5 =	sshll.u32 s26, $0x1;
	_ =	strace $0x80000049;
	[dreg:$0x1] =	wrdreg $0xFFFFFFFF  }
0xa7: {  	s28 =	simm.s32 $_size_execute0_lowered;
	s3 =	sadd.s32 s3, s5;
	[dreg:$0x0] =	wrdreg $0x0  }
0xa8: {  	s5 =	sshll.u32 s28, $0x1;
	[dreg:$0x2] =	wrdreg s3  }
0xa9: {  	[dreg:$0x3] =	wrdreg s5  }
0xaa: {  	[dreg:$0x4] =	wrdreg $0xC0  }
0xab: {  	_ =	task [dreg:s7], $0x5FFFF  }
0xac: {  	[dreg:$0x1] =	wrdreg $0xFFFFFFFF  }
0xad: {  	[dreg:$0x0] =	wrdreg $0x60  }
0xae: {  	[dreg:$0x2] =	wrdreg s24  }
0xaf: {  	[dreg:$0x3] =	wrdreg s2  }
0xb0: {  	[dreg:$0x4] =	wrdreg $0x9  }
0xb1: {  	_ =	task.clear_ibuf [dreg:s7], $0x5FFFF;
	_ =	strace $0x90000049  }
0xb2: {  	s29 =	simm.s32 $0x9;
	_ =	strace $0x8000004B  }
0xb3: {  	_ =	swait.ge [sflag:s29], $0x1  }
0xb4: {  	[sflag:s29] =	ssyncadd.s32 $0xFFFFFFFF  }
0xb5: {  	_ =	strace $0x9000004B  }
0xb6: {  	_ =	sfence  }
0xb7: {  	s30 =	sld [smem:$0x0];
	_ =	sdelay $0x2  }
0xb8: {  	s31 =	sshll.u32 s1, $0xD;
	s1 =	sshrl.u32 s1, $0x2  }
0xb9: {  	s3 =	sand.u32 $0x4000, s31;
	s1 =	sadd.s32 s1, s30  }
0xba: {  	s0 =	sor.u32 s3, s0;
	s1 =	sshll.u32 s1, $0x11  }
0xbb: {  	s0 =	sor.u32 s1, s0  }
0xbc: {  	s0 =	sadd.s32 $0x8F2B, s0  }
0xbd: {  	[sflag:s0] =	ssyncadd.remote.s32 $0x1  }
0xbe: {  	_ =	sfence.sel $0xFFFF  }
0xbf: {  	[dreg:$0x0] =	wrdreg $0xFFFFFFFF;
	(pc) =	sbr.abs _section_cstart, $3  }
0xc0: {  	[dreg:$0x1] =	wrdreg $0xFFFFFFFF  }
0xc1: {  	_ =	task.clear_ibuf [dreg:s7], $0x2FFFF;
	_ =	strace $0x9FFFFFFF  }
0xc2: {  	(tm) =	ssettm $0x7FFFFFFF  }
0xc3: {  	_ =	shalt  }
tec
execute0_lowered:
.L_overlay_start_1:
0x0: {  	(tag) =	ssettag $0x1  }
0x1: {  	s0 =	rddreg [dreg:$0x0]  }
0x2: {  	s2 =	rddreg [dreg:$0x1];
	s1 =	simm.s32 $0x0  }
0x3: {  	s3 =	srdreg.scid;
	s7 =	stileid.u32;
	s28 =	simm.s32 $0x3080  }
0x4: {  	s29 =	simm.s32 $0x3880;
	s30 =	simm.s32 $0x4080;
	s31 =	simm.s32 $0x4880  }
0x5: {  	s12 =	simm.s32 $0x8080;
	s13 =	simm.s32 $0x0;
	[smem:$0x7FF] =	sst s1  }
0x6: {  	s4 =	sand.u32 $0x1, s3;
	s3 =	sadd.s32 $0x1C0600, s0;
	s7 =	sshll.u32 s7, $0x1  }
0x7: {  	s8 =	sadd.s32 $0x1C0400, s0;
	_ =	strace $0x8000004A;
	s5 =	ssub.s32 $0x2, s4  }
0x8: {  	s7 =	sor.u32 s4, s7;
	s4 =	sadd.s32 $0x1C0700, s0;
	s6 =	sshrl.u32 s5, $0x1  }
0x9: {  	s9 =	sshll.u32 s7, $0x6;
	s17 =	sshll.u32 s7, $0x4;
	s10 =	sshll.u32 s7, $0xD  }
0xa: {  	s7 =	sadd.s32 $0x1C0900, s0;
	s5 =	ssub.s32 s5, s6;
	s6 =	sadd.s32 s8, s17  }
0xb: {  	s11 =	sadd.s32 s0, s10;
	s18 =	sor.u32 $0x10, s9;
	[dreg:$0x3] =	wrdreg s6  }
0xc: {  	s10 =	sadd.s32 s2, s10;
	s21 =	sor.u32 $0x20, s9;
	[dreg:$0x4] =	wrdreg s11  }
0xd: {  	s9 =	sor.u32 $0x30, s9;
	s6 =	sadd.s32 $0x1C0800, s0;
	[dreg:$0x5] =	wrdreg s10  }
0xe: {  	s19 =	sshrl.u32 s18, $0x2;
	s11 =	sshll.u32 s18, $0x7;
	s22 =	sshrl.u32 s21, $0x2  }
0xf: {  	s24 =	sshrl.u32 s9, $0x2;
	s9 =	sshll.u32 s9, $0x7;
	s26 =	smax.u32 s5, $0x1  }
0x10: {  	s5 =	simm.s32 $0x6080;
	s10 =	sadd.s32 s8, s19;
	[dreg:$0xf] =	wrdreg s26  }
0x11: {  	s20 =	sadd.s32 s0, s11;
	s11 =	sadd.s32 s2, s11;
	[dreg:$0x6] =	wrdreg s10  }
0x12: {  	s25 =	sadd.s32 s2, s9;
	s26 =	simm.s32 $0x2880;
	[dreg:$0x7] =	wrdreg s20  }
0x13: {  	[dreg:$0x8] =	wrdreg s11;
	s10 =	sshll.u32 s21, $0x7;
	s11 =	sadd.s32 s8, s22  }
0x14: {  	s8 =	sadd.s32 s8, s24;
	[dreg:$0xe] =	wrdreg s25;
	s20 =	simm.s32 $0x2  }
0x15: {  	s25 =	simm.s32 $0x2080;
	[dreg:$0x9] =	wrdreg s11;
	s23 =	sadd.s32 s0, s10  }
0x16: {  	s10 =	sadd.s32 s2, s10;
	[dreg:$0xc] =	wrdreg s8;
	s0 =	sadd.s32 s0, s9  }
0x17: {  	v2 =	vlaneseq.u32;
	s2 =	simm.s32 $0x5880;
	s8 =	simm.s32 $0x6880;
	[dreg:$0xa] =	wrdreg s23  }
0x18: {  	vm0 =	vmmov $0xffff;
	v1 =	vshrl.u32 v2, $0x3;
	s9 =	simm.s32 $0x7080;
	s11 =	simm.s32 $0x1;
	[dreg:$0xb] =	wrdreg s10  }
0x19: {  	v0 =	vand.u32 $0x7, v2;
	v2 =	vor.u32 $0x8, v2;
	v1 =	vmul.u32 $0x8, v1;
	[dreg:$0xd] =	wrdreg s0;
	s0 =	simm.s32 $0x5080;
	s10 =	simm.s32 $0x7880  }
.LBB2_1:
0x1a: {  	s14 =	rddreg [dreg:$0x3]  }
0x1b: {  	[tilespmem:s1], [sflag:$0x2] =	stream.linear.gather [hbm4b:s14+s1], $0x20, $0x38;
	[tilespmem:$0xC080] =	vst v63  }
0x1c: {  	_ =	swait.ge [sflag:s20], $0x20  }
0x1d: {  	[sflag:s20] =	ssyncset.done $0x0  }
0x1e: {  	[sflag:s20] =	ssyncadd.s32 $0xFFFFFFE0  }
0x1f: {  	v3 =	vld [tilespmem:$0x0];
	_ =	sdelay $0x4  }
0x20: {  	v4 =	vshll.u32 v3, $0x3  }
0x21: {  	v3 =	vand.u32 $0x7, v3;
	v4 =	vand.u32 $0xFFFFFFC0, v4  }
0x22: {  	v3 =	vor.u32 v3, v4  }
0x23: {  	v4 =	vperm.xlane v3, v0;
	_ =	sdelay $0x1  }
0x24: {  	v4 =	vadd.s32 v1, v4;
	_ =	sdelay $0x3  }
0x25: {  	s19 =	simm.s32 $0x80  }
0x26: {  	[tilespmem:s19], [sflag:$0x1] =	stream.indirect_vreg.gather [hbm4b:s3+s1], $0x80, v4, vm0, $0xb8;
	[tilespmem:$0xC080] =	vst v63  }
0x27: {  	s21 =	simm.s32 $0x880;
	v3 =	vperm.xlane v3, v2  }
0x28: {  	[tilespmem:s21], [sflag:$0x1] =	stream.indirect_vreg.gather [hbm4b:s4+s1], $0x80, v4, vm0, $0xb8;
	[tilespmem:$0xC080] =	vst v63  }
0x29: {  	s22 =	simm.s32 $0x1080;
	v3 =	vadd.s32 v1, v3  }
0x2a: {  	[tilespmem:s22], [sflag:$0x1] =	stream.indirect_vreg.gather [hbm4b:s6+s1], $0x80, v4, vm0, $0xb8;
	[tilespmem:$0xC080] =	vst v63  }
0x2b: {  	s23 =	simm.s32 $0x1880  }
0x2c: {  	[tilespmem:s23], [sflag:$0x1] =	stream.indirect_vreg.gather [hbm4b:s7+s1], $0x80, v4, vm0, $0xb8;
	[tilespmem:$0xC080] =	vst v63  }
0x2d: {  	_ = 	snop  }
0x2e: {  	[tilespmem:s25], [sflag:$0x1] =	stream.indirect_vreg.gather [hbm4b:s3+s1], $0x80, v3, vm0, $0xb8;
	[tilespmem:$0xC080] =	vst v63  }
0x2f: {  	_ = 	snop  }
0x30: {  	[tilespmem:s26], [sflag:$0x1] =	stream.indirect_vreg.gather [hbm4b:s4+s1], $0x80, v3, vm0, $0xb8;
	[tilespmem:$0xC080] =	vst v63  }
0x31: {  	_ = 	snop  }
0x32: {  	[tilespmem:s28], [sflag:$0x1] =	stream.indirect_vreg.gather [hbm4b:s6+s1], $0x80, v3, vm0, $0xb8;
	[tilespmem:$0xC080] =	vst v63  }
0x33: {  	_ = 	snop  }
0x34: {  	[tilespmem:s29], [sflag:$0x1] =	stream.indirect_vreg.gather [hbm4b:s7+s1], $0x80, v3, vm0, $0xb8;
	[tilespmem:$0xC080] =	vst v63  }
0x35: {  	v3 =	vld [tilespmem:$0x10];
	_ =	sdelay $0x4  }
0x36: {  	v63 =	vshll.u32 v3, $0x3  }
0x37: {  	v3 =	vand.u32 $0x7, v3;
	v4 =	vand.u32 $0xFFFFFFC0, v63  }
0x38: {  	v3 =	vor.u32 v3, v4  }
0x39: {  	v4 =	vperm.xlane v3, v0;
	_ =	sdelay $0x1  }
0x3a: {  	v4 =	vadd.s32 v1, v4;
	_ =	sdelay $0x4  }
0x3b: {  	[tilespmem:s30], [sflag:$0x1] =	stream.indirect_vreg.gather [hbm4b:s3+s1], $0x80, v4, vm0, $0xb8;
	[tilespmem:$0xC080] =	vst v63  }
0x3c: {  	v3 =	vperm.xlane v3, v2  }
0x3d: {  	[tilespmem:s31], [sflag:$0x1] =	stream.indirect_vreg.gather [hbm4b:s4+s1], $0x80, v4, vm0, $0xb8;
	[tilespmem:$0xC080] =	vst v63  }
0x3e: {  	v3 =	vadd.s32 v1, v3  }
0x3f: {  	[tilespmem:s0], [sflag:$0x1] =	stream.indirect_vreg.gather [hbm4b:s6+s1], $0x80, v4, vm0, $0xb8;
	[tilespmem:$0xC080] =	vst v63  }
0x40: {  	_ = 	snop  }
0x41: {  	[tilespmem:s2], [sflag:$0x1] =	stream.indirect_vreg.gather [hbm4b:s7+s1], $0x80, v4, vm0, $0xb8;
	[tilespmem:$0xC080] =	vst v63  }
0x42: {  	_ = 	snop  }
0x43: {  	[tilespmem:s5], [sflag:$0x1] =	stream.indirect_vreg.gather [hbm4b:s3+s1], $0x80, v3, vm0, $0xb8;
	[tilespmem:$0xC080] =	vst v63  }
0x44: {  	_ = 	snop  }
0x45: {  	[tilespmem:s8], [sflag:$0x1] =	stream.indirect_vreg.gather [hbm4b:s4+s1], $0x80, v3, vm0, $0xb8;
	[tilespmem:$0xC080] =	vst v63  }
0x46: {  	_ = 	snop  }
0x47: {  	[tilespmem:s9], [sflag:$0x1] =	stream.indirect_vreg.gather [hbm4b:s6+s1], $0x80, v3, vm0, $0xb8;
	[tilespmem:$0xC080] =	vst v63  }
0x48: {  	_ = 	snop  }
0x49: {  	[tilespmem:s10], [sflag:$0x1] =	stream.indirect_vreg.gather [hbm4b:s7+s1], $0x80, v3, vm0, $0xb8;
	[tilespmem:$0xC080] =	vst v63  }
0x4a: {  	_ =	swait.ge [sflag:s11], $0x8000  }
0x4b: {  	[sflag:s11] =	ssyncset.done $0x0  }
0x4c: {  	s24 =	rddreg [dreg:$0x4];
	[sflag:s11] =	ssyncadd.s32 $0xFFFF8000  }
0x4d: {  	[tilespmem:s12], [sflag:$0x2] =	stream.linear.gather [hbm4b:s24+s1], $0x4000, $0x38;
	[tilespmem:$0xC080] =	vst v63  }
0x4e: {  	_ =	swait.ge [sflag:s20], $0x4000  }
0x4f: {  	[sflag:s20] =	ssyncset.done $0x0  }
0x50: {  	s14 =	simm.s32 $0x0;
	[sflag:s20] =	ssyncadd.s32 $0xFFFFC000  }
.LBB2_2:
0x51: {  	s15 =	sshll.u32 s14, $0xA  }
0x52: {  	s16 =	sshll.u32 s14, $0x8;
	s17 =	sshll.u32 s14, $0xB;
	s18 =	sshll.u32 s14, $0x7  }
0x53: {  	s22 =	simm.s32 $0x0;
	s17 =	sand.u32 $0x6000, s17;
	s16 =	sand.u32 $0x300, s16  }
0x54: {  	s15 =	sand.u32 $0x2000, s15;
	s18 =	sand.u32 $0x380, s18;
	s16 =	sor.u32 s16, s17  }
0x55: {  	s19 =	sand.u32 $0x1C00, s22;
	s18 =	sor.u32 s18, s15;
	s15 =	sor.u32 $0x80, s16  }
0x56: {  	s17 =	sand.u32 $0x70, s22;
	s16 =	sadd.s32 $0x8080, s18;
	s23 =	sadd.s32 s19, s15  }
0x57: {  	s19 =	sadd.s32 s19, s16;
	s18 =	sadd.s32 s17, s23  }
0x58: {  	s17 =	sadd.s32 s17, s19;
	v3 =	vld [tilespmem:s18+$0x0]  }
0x59: {  	v4 =	vld [tilespmem:s17+$0x0];
	_ =	sdelay $0x1  }
0x5a: {  	v5 =	vld [tilespmem:s18+$0x80];
	_ =	sdelay $0x2  }
0x5b: {  	v3 =	vadd.f32 v3, v4  }
0x5c: {  	s18 =	simm.s32 $0x80  }
0x5d: {  	s24 =	simm.s32 $0x10;
	s22 =	sand.u32 $0x1C00, s18;
	v3 =	vadd.f32 v5, v3  }
0x5e: {  	s21 =	sand.u32 $0x70, s24;
	s19 =	simm.s32 $0x20;
	s23 =	sadd.s32 s22, s15  }
.LBB2_3:
0x5f: {  	p0 =	sne.s32 s19, $0x3F0;
	s22 =	sadd.s32 s22, s16;
	s23 =	sadd.s32 s21, s23;
	[tilespmem:s17+$0x0] =	vst v3  }
0x60: {  	s17 =	sadd.s32 s21, s22;
	v3 =	vld [tilespmem:s23+$0x0]  }
0x61: {  	v4 =	vld [tilespmem:s17+$0x0];
	_ =	sdelay $0x1  }
0x62: {  	v5 =	vld [tilespmem:s23+$0x80];
	_ =	sdelay $0x1  }
.Ltmp0:
0x63: {  	(pc) =	sbr.rel @p0 .LBB2_3-.Ltmp0, $4  }
0x64: {  	v3 =	vadd.f32 v3, v4  }
0x65: {  	s18 =	sadd.s32 $0x80, s18  }
0x66: {  	s22 =	sand.u32 $0x1C00, s18;
	v3 =	vadd.f32 v5, v3  }
0x67: {  	s21 =	sand.u32 $0x70, s19;
	s19 =	sadd.s32 $0x10, s19;
	s23 =	sadd.s32 s22, s15  }
0x68: {  	s15 =	sadd.s32 s22, s16;
	s24 =	sadd.s32 s21, s23;
	[tilespmem:s17+$0x0] =	vst v3  }
0x69: {  	s15 =	sadd.s32 s21, s15;
	v3 =	vld [tilespmem:s24+$0x0]  }
0x6a: {  	v4 =	vld [tilespmem:s15+$0x0];
	_ =	sdelay $0x1  }
0x6b: {  	v5 =	vld [tilespmem:s24+$0x80]  }
0x6c: {  	s14 =	sadd.s32 $0x1, s14  }
0x6d: {  	p0 =	sne.s32 s14, $0x10  }
.Ltmp1:
0x6e: {  	v3 =	vadd.f32 v3, v4;
	(pc) =	sbr.rel @p0 .LBB2_2-.Ltmp1, $3  }
0x6f: {  	_ = 	snop  }
0x70: {  	v3 =	vadd.f32 v5, v3;
	_ =	sdelay $0x1  }
0x71: {  	[tilespmem:s15+$0x0] =	vst v3  }
0x72: {  	s14 =	simm.s32 $0x0;
	s15 =	rddreg [dreg:$0x5]  }
0x73: {  	[hbm4b:s15+s14] =	stream.linear.scatter [tilespmem:s12], [sflag:$0x2], $0x4000, $0x38;
	[tilespmem:$0xC080] =	vst v63  }
0x74: {  	_ =	swait.ge [sflag:s20], $0x4000  }
0x75: {  	[sflag:s20] =	ssyncset.done $0x0  }
0x76: {  	s18 =	rddreg [dreg:$0x6];
	[sflag:s20] =	ssyncadd.s32 $0xFFFFC000  }
0x77: {  	[tilespmem:s14], [sflag:$0x2] =	stream.linear.gather [hbm4b:s18+s14], $0x20, $0x38;
	[tilespmem:$0xC080] =	vst v63  }
0x78: {  	_ =	swait.ge [sflag:s20], $0x20  }
0x79: {  	[sflag:s20] =	ssyncset.done $0x0  }
0x7a: {  	[sflag:s20] =	ssyncadd.s32 $0xFFFFFFE0  }
0x7b: {  	v3 =	vld [tilespmem:$0x0];
	_ =	sdelay $0x4  }
0x7c: {  	v4 =	vshll.u32 v3, $0x3  }
0x7d: {  	v3 =	vand.u32 $0x7, v3;
	v4 =	vand.u32 $0xFFFFFFC0, v4  }
0x7e: {  	v3 =	vor.u32 v3, v4  }
0x7f: {  	v4 =	vperm.xlane v3, v0;
	_ =	sdelay $0x1  }
0x80: {  	v4 =	vadd.s32 v1, v4;
	_ =	sdelay $0x3  }
0x81: {  	s19 =	simm.s32 $0x80  }
0x82: {  	[tilespmem:s19], [sflag:$0x1] =	stream.indirect_vreg.gather [hbm4b:s3+s14], $0x80, v4, vm0, $0xb8;
	[tilespmem:$0xC080] =	vst v63  }
0x83: {  	s21 =	simm.s32 $0x880;
	v3 =	vperm.xlane v3, v2  }
0x84: {  	[tilespmem:s21], [sflag:$0x1] =	stream.indirect_vreg.gather [hbm4b:s4+s14], $0x80, v4, vm0, $0xb8;
	[tilespmem:$0xC080] =	vst v63  }
0x85: {  	s22 =	simm.s32 $0x1080;
	v3 =	vadd.s32 v1, v3  }
0x86: {  	[tilespmem:s22], [sflag:$0x1] =	stream.indirect_vreg.gather [hbm4b:s6+s14], $0x80, v4, vm0, $0xb8;
	[tilespmem:$0xC080] =	vst v63  }
0x87: {  	s23 =	simm.s32 $0x1880  }
0x88: {  	[tilespmem:s23], [sflag:$0x1] =	stream.indirect_vreg.gather [hbm4b:s7+s14], $0x80, v4, vm0, $0xb8;
	[tilespmem:$0xC080] =	vst v63  }
0x89: {  	_ = 	snop  }
0x8a: {  	[tilespmem:s25], [sflag:$0x1] =	stream.indirect_vreg.gather [hbm4b:s3+s14], $0x80, v3, vm0, $0xb8;
	[tilespmem:$0xC080] =	vst v63  }
0x8b: {  	_ = 	snop  }
0x8c: {  	[tilespmem:s26], [sflag:$0x1] =	stream.indirect_vreg.gather [hbm4b:s4+s14], $0x80, v3, vm0, $0xb8;
	[tilespmem:$0xC080] =	vst v63  }
0x8d: {  	_ = 	snop  }
0x8e: {  	[tilespmem:s28], [sflag:$0x1] =	stream.indirect_vreg.gather [hbm4b:s6+s14], $0x80, v3, vm0, $0xb8;
	[tilespmem:$0xC080] =	vst v63  }
0x8f: {  	_ = 	snop  }
0x90: {  	[tilespmem:s29], [sflag:$0x1] =	stream.indirect_vreg.gather [hbm4b:s7+s14], $0x80, v3, vm0, $0xb8;
	[tilespmem:$0xC080] =	vst v63  }
0x91: {  	v3 =	vld [tilespmem:$0x10];
	_ =	sdelay $0x4  }
0x92: {  	v63 =	vshll.u32 v3, $0x3  }
0x93: {  	v3 =	vand.u32 $0x7, v3;
	v4 =	vand.u32 $0xFFFFFFC0, v63  }
0x94: {  	v3 =	vor.u32 v3, v4  }
0x95: {  	v4 =	vperm.xlane v3, v0;
	_ =	sdelay $0x1  }
0x96: {  	v4 =	vadd.s32 v1, v4;
	_ =	sdelay $0x4  }
0x97: {  	[tilespmem:s30], [sflag:$0x1] =	stream.indirect_vreg.gather [hbm4b:s3+s14], $0x80, v4, vm0, $0xb8;
	[tilespmem:$0xC080] =	vst v63  }
0x98: {  	v3 =	vperm.xlane v3, v2  }
0x99: {  	[tilespmem:s31], [sflag:$0x1] =	stream.indirect_vreg.gather [hbm4b:s4+s14], $0x80, v4, vm0, $0xb8;
	[tilespmem:$0xC080] =	vst v63  }
0x9a: {  	v3 =	vadd.s32 v1, v3  }
0x9b: {  	[tilespmem:s0], [sflag:$0x1] =	stream.indirect_vreg.gather [hbm4b:s6+s14], $0x80, v4, vm0, $0xb8;
	[tilespmem:$0xC080] =	vst v63  }
0x9c: {  	_ = 	snop  }
0x9d: {  	[tilespmem:s2], [sflag:$0x1] =	stream.indirect_vreg.gather [hbm4b:s7+s14], $0x80, v4, vm0, $0xb8;
	[tilespmem:$0xC080] =	vst v63  }
0x9e: {  	_ = 	snop  }
0x9f: {  	[tilespmem:s5], [sflag:$0x1] =	stream.indirect_vreg.gather [hbm4b:s3+s14], $0x80, v3, vm0, $0xb8;
	[tilespmem:$0xC080] =	vst v63  }
0xa0: {  	_ = 	snop  }
0xa1: {  	[tilespmem:s8], [sflag:$0x1] =	stream.indirect_vreg.gather [hbm4b:s4+s14], $0x80, v3, vm0, $0xb8;
	[tilespmem:$0xC080] =	vst v63  }
0xa2: {  	_ = 	snop  }
0xa3: {  	[tilespmem:s9], [sflag:$0x1] =	stream.indirect_vreg.gather [hbm4b:s6+s14], $0x80, v3, vm0, $0xb8;
	[tilespmem:$0xC080] =	vst v63  }
0xa4: {  	_ = 	snop  }
0xa5: {  	[tilespmem:s10], [sflag:$0x1] =	stream.indirect_vreg.gather [hbm4b:s7+s14], $0x80, v3, vm0, $0xb8;
	[tilespmem:$0xC080] =	vst v63  }
0xa6: {  	_ =	swait.ge [sflag:s11], $0x8000  }
0xa7: {  	[sflag:s11] =	ssyncset.done $0x0  }
0xa8: {  	s24 =	rddreg [dreg:$0x7];
	[sflag:s11] =	ssyncadd.s32 $0xFFFF8000  }
0xa9: {  	[tilespmem:s12], [sflag:$0x2] =	stream.linear.gather [hbm4b:s24+s14], $0x4000, $0x38;
	[tilespmem:$0xC080] =	vst v63  }
0xaa: {  	_ =	swait.ge [sflag:s20], $0x4000  }
0xab: {  	[sflag:s20] =	ssyncset.done $0x0  }
0xac: {  	s15 =	simm.s32 $0x0;
	[sflag:s20] =	ssyncadd.s32 $0xFFFFC000  }
.LBB2_6:
0xad: {  	s16 =	sshll.u32 s15, $0xA;
	s17 =	sshll.u32 s15, $0x8;
	s18 =	sshll.u32 s15, $0xB  }
0xae: {  	s19 =	sshll.u32 s15, $0x7;
	s18 =	sand.u32 $0x6000, s18;
	s17 =	sand.u32 $0x300, s17  }
0xaf: {  	s16 =	sand.u32 $0x2000, s16;
	s19 =	sand.u32 $0x380, s19;
	s17 =	sor.u32 s17, s18  }
0xb0: {  	s22 =	sand.u32 $0x1C00, s14;
	s21 =	sor.u32 s19, s16;
	s16 =	sor.u32 $0x80, s17  }
0xb1: {  	s23 =	sand.u32 $0x70, s14;
	s17 =	sadd.s32 $0x8080, s21;
	s21 =	sadd.s32 s22, s16  }
0xb2: {  	s19 =	sadd.s32 s22, s17;
	s21 =	sadd.s32 s23, s21  }
0xb3: {  	s18 =	sadd.s32 s23, s19;
	v3 =	vld [tilespmem:s21+$0x0]  }
0xb4: {  	v4 =	vld [tilespmem:s18+$0x0];
	_ =	sdelay $0x1  }
0xb5: {  	v5 =	vld [tilespmem:s21+$0x80];
	_ =	sdelay $0x2  }
0xb6: {  	v3 =	vadd.f32 v3, v4  }
0xb7: {  	s19 =	simm.s32 $0x80  }
0xb8: {  	s24 =	simm.s32 $0x10;
	s23 =	sand.u32 $0x1C00, s19;
	v3 =	vadd.f32 v5, v3  }
0xb9: {  	s22 =	sand.u32 $0x70, s24;
	s21 =	simm.s32 $0x20;
	s24 =	sadd.s32 s23, s16  }
.LBB2_7:
0xba: {  	p0 =	sne.s32 s21, $0x3F0;
	s23 =	sadd.s32 s23, s17;
	s24 =	sadd.s32 s22, s24;
	[tilespmem:s18+$0x0] =	vst v3  }
0xbb: {  	s18 =	sadd.s32 s22, s23;
	v3 =	vld [tilespmem:s24+$0x0]  }
0xbc: {  	v4 =	vld [tilespmem:s18+$0x0];
	_ =	sdelay $0x1  }
0xbd: {  	v5 =	vld [tilespmem:s24+$0x80];
	_ =	sdelay $0x1  }
.Ltmp2:
0xbe: {  	(pc) =	sbr.rel @p0 .LBB2_7-.Ltmp2, $4  }
0xbf: {  	v3 =	vadd.f32 v3, v4  }
0xc0: {  	s19 =	sadd.s32 $0x80, s19  }
0xc1: {  	s23 =	sand.u32 $0x1C00, s19;
	v3 =	vadd.f32 v5, v3  }
0xc2: {  	s22 =	sand.u32 $0x70, s21;
	s21 =	sadd.s32 $0x10, s21;
	s24 =	sadd.s32 s23, s16  }
0xc3: {  	s16 =	sadd.s32 s23, s17;
	s24 =	sadd.s32 s22, s24;
	[tilespmem:s18+$0x0] =	vst v3  }
0xc4: {  	s16 =	sadd.s32 s22, s16;
	v3 =	vld [tilespmem:s24+$0x0]  }
0xc5: {  	v4 =	vld [tilespmem:s16+$0x0];
	_ =	sdelay $0x1  }
0xc6: {  	v5 =	vld [tilespmem:s24+$0x80]  }
0xc7: {  	s15 =	sadd.s32 $0x1, s15  }
0xc8: {  	p0 =	sne.s32 s15, $0x10  }
.Ltmp3:
0xc9: {  	v3 =	vadd.f32 v3, v4;
	(pc) =	sbr.rel @p0 .LBB2_6-.Ltmp3, $3  }
0xca: {  	_ = 	snop  }
0xcb: {  	v3 =	vadd.f32 v5, v3;
	_ =	sdelay $0x1  }
0xcc: {  	[tilespmem:s16+$0x0] =	vst v3  }
0xcd: {  	s14 =	simm.s32 $0x0;
	s15 =	rddreg [dreg:$0x8]  }
0xce: {  	[hbm4b:s15+s14] =	stream.linear.scatter [tilespmem:s12], [sflag:$0x2], $0x4000, $0x38;
	[tilespmem:$0xC080] =	vst v63  }
0xcf: {  	_ =	swait.ge [sflag:s20], $0x4000  }
0xd0: {  	[sflag:s20] =	ssyncset.done $0x0  }
0xd1: {  	s18 =	rddreg [dreg:$0x9];
	[sflag:s20] =	ssyncadd.s32 $0xFFFFC000  }
0xd2: {  	[tilespmem:s14], [sflag:$0x2] =	stream.linear.gather [hbm4b:s18+s14], $0x20, $0x38;
	[tilespmem:$0xC080] =	vst v63  }
0xd3: {  	_ =	swait.ge [sflag:s20], $0x20  }
0xd4: {  	[sflag:s20] =	ssyncset.done $0x0  }
0xd5: {  	[sflag:s20] =	ssyncadd.s32 $0xFFFFFFE0  }
0xd6: {  	v3 =	vld [tilespmem:$0x0];
	_ =	sdelay $0x4  }
0xd7: {  	v4 =	vshll.u32 v3, $0x3  }
0xd8: {  	v3 =	vand.u32 $0x7, v3;
	v4 =	vand.u32 $0xFFFFFFC0, v4  }
0xd9: {  	v3 =	vor.u32 v3, v4  }
0xda: {  	v4 =	vperm.xlane v3, v0;
	_ =	sdelay $0x1  }
0xdb: {  	v4 =	vadd.s32 v1, v4;
	_ =	sdelay $0x3  }
0xdc: {  	s19 =	simm.s32 $0x80  }
0xdd: {  	[tilespmem:s19], [sflag:$0x1] =	stream.indirect_vreg.gather [hbm4b:s3+s14], $0x80, v4, vm0, $0xb8;
	[tilespmem:$0xC080] =	vst v63  }
0xde: {  	s21 =	simm.s32 $0x880;
	v3 =	vperm.xlane v3, v2  }
0xdf: {  	[tilespmem:s21], [sflag:$0x1] =	stream.indirect_vreg.gather [hbm4b:s4+s14], $0x80, v4, vm0, $0xb8;
	[tilespmem:$0xC080] =	vst v63  }
0xe0: {  	s22 =	simm.s32 $0x1080;
	v3 =	vadd.s32 v1, v3  }
0xe1: {  	[tilespmem:s22], [sflag:$0x1] =	stream.indirect_vreg.gather [hbm4b:s6+s14], $0x80, v4, vm0, $0xb8;
	[tilespmem:$0xC080] =	vst v63  }
0xe2: {  	s23 =	simm.s32 $0x1880  }
0xe3: {  	[tilespmem:s23], [sflag:$0x1] =	stream.indirect_vreg.gather [hbm4b:s7+s14], $0x80, v4, vm0, $0xb8;
	[tilespmem:$0xC080] =	vst v63  }
0xe4: {  	_ = 	snop  }
0xe5: {  	[tilespmem:s25], [sflag:$0x1] =	stream.indirect_vreg.gather [hbm4b:s3+s14], $0x80, v3, vm0, $0xb8;
	[tilespmem:$0xC080] =	vst v63  }
0xe6: {  	_ = 	snop  }
0xe7: {  	[tilespmem:s26], [sflag:$0x1] =	stream.indirect_vreg.gather [hbm4b:s4+s14], $0x80, v3, vm0, $0xb8;
	[tilespmem:$0xC080] =	vst v63  }
0xe8: {  	_ = 	snop  }
0xe9: {  	[tilespmem:s28], [sflag:$0x1] =	stream.indirect_vreg.gather [hbm4b:s6+s14], $0x80, v3, vm0, $0xb8;
	[tilespmem:$0xC080] =	vst v63  }
0xea: {  	_ = 	snop  }
0xeb: {  	[tilespmem:s29], [sflag:$0x1] =	stream.indirect_vreg.gather [hbm4b:s7+s14], $0x80, v3, vm0, $0xb8;
	[tilespmem:$0xC080] =	vst v63  }
0xec: {  	v3 =	vld [tilespmem:$0x10];
	_ =	sdelay $0x4  }
0xed: {  	v63 =	vshll.u32 v3, $0x3  }
0xee: {  	v3 =	vand.u32 $0x7, v3;
	v4 =	vand.u32 $0xFFFFFFC0, v63  }
0xef: {  	v3 =	vor.u32 v3, v4  }
0xf0: {  	v4 =	vperm.xlane v3, v0;
	_ =	sdelay $0x1  }
0xf1: {  	v4 =	vadd.s32 v1, v4;
	_ =	sdelay $0x4  }
0xf2: {  	[tilespmem:s30], [sflag:$0x1] =	stream.indirect_vreg.gather [hbm4b:s3+s14], $0x80, v4, vm0, $0xb8;
	[tilespmem:$0xC080] =	vst v63  }
0xf3: {  	v3 =	vperm.xlane v3, v2  }
0xf4: {  	[tilespmem:s31], [sflag:$0x1] =	stream.indirect_vreg.gather [hbm4b:s4+s14], $0x80, v4, vm0, $0xb8;
	[tilespmem:$0xC080] =	vst v63  }
0xf5: {  	v3 =	vadd.s32 v1, v3  }
0xf6: {  	[tilespmem:s0], [sflag:$0x1] =	stream.indirect_vreg.gather [hbm4b:s6+s14], $0x80, v4, vm0, $0xb8;
	[tilespmem:$0xC080] =	vst v63  }
0xf7: {  	_ = 	snop  }
0xf8: {  	[tilespmem:s2], [sflag:$0x1] =	stream.indirect_vreg.gather [hbm4b:s7+s14], $0x80, v4, vm0, $0xb8;
	[tilespmem:$0xC080] =	vst v63  }
0xf9: {  	_ = 	snop  }
0xfa: {  	[tilespmem:s5], [sflag:$0x1] =	stream.indirect_vreg.gather [hbm4b:s3+s14], $0x80, v3, vm0, $0xb8;
	[tilespmem:$0xC080] =	vst v63  }
0xfb: {  	_ = 	snop  }
0xfc: {  	[tilespmem:s8], [sflag:$0x1] =	stream.indirect_vreg.gather [hbm4b:s4+s14], $0x80, v3, vm0, $0xb8;
	[tilespmem:$0xC080] =	vst v63  }
0xfd: {  	_ = 	snop  }
0xfe: {  	[tilespmem:s9], [sflag:$0x1] =	stream.indirect_vreg.gather [hbm4b:s6+s14], $0x80, v3, vm0, $0xb8;
	[tilespmem:$0xC080] =	vst v63  }
0xff: {  	_ = 	snop  }
0x100: {  	[tilespmem:s10], [sflag:$0x1] =	stream.indirect_vreg.gather [hbm4b:s7+s14], $0x80, v3, vm0, $0xb8;
	[tilespmem:$0xC080] =	vst v63  }
0x101: {  	_ =	swait.ge [sflag:s11], $0x8000  }
0x102: {  	[sflag:s11] =	ssyncset.done $0x0  }
0x103: {  	s24 =	rddreg [dreg:$0xa];
	[sflag:s11] =	ssyncadd.s32 $0xFFFF8000  }
0x104: {  	[tilespmem:s12], [sflag:$0x2] =	stream.linear.gather [hbm4b:s24+s14], $0x4000, $0x38;
	[tilespmem:$0xC080] =	vst v63  }
0x105: {  	_ =	swait.ge [sflag:s20], $0x4000  }
0x106: {  	[sflag:s20] =	ssyncset.done $0x0  }
0x107: {  	s15 =	simm.s32 $0x0;
	[sflag:s20] =	ssyncadd.s32 $0xFFFFC000  }
.LBB2_10:
0x108: {  	s16 =	sshll.u32 s15, $0xA;
	s17 =	sshll.u32 s15, $0x8;
	s18 =	sshll.u32 s15, $0xB  }
0x109: {  	s19 =	sshll.u32 s15, $0x7;
	s18 =	sand.u32 $0x6000, s18;
	s17 =	sand.u32 $0x300, s17  }
0x10a: {  	s16 =	sand.u32 $0x2000, s16;
	s19 =	sand.u32 $0x380, s19;
	s17 =	sor.u32 s17, s18  }
0x10b: {  	s22 =	sand.u32 $0x1C00, s14;
	s21 =	sor.u32 s19, s16;
	s16 =	sor.u32 $0x80, s17  }
0x10c: {  	s23 =	sand.u32 $0x70, s14;
	s17 =	sadd.s32 $0x8080, s21;
	s21 =	sadd.s32 s22, s16  }
0x10d: {  	s19 =	sadd.s32 s22, s17;
	s21 =	sadd.s32 s23, s21  }
0x10e: {  	s18 =	sadd.s32 s23, s19;
	v3 =	vld [tilespmem:s21+$0x0]  }
0x10f: {  	v4 =	vld [tilespmem:s18+$0x0];
	_ =	sdelay $0x1  }
0x110: {  	v5 =	vld [tilespmem:s21+$0x80];
	_ =	sdelay $0x2  }
0x111: {  	v3 =	vadd.f32 v3, v4  }
0x112: {  	s19 =	simm.s32 $0x80  }
0x113: {  	s24 =	simm.s32 $0x10;
	s23 =	sand.u32 $0x1C00, s19;
	v3 =	vadd.f32 v5, v3  }
0x114: {  	s22 =	sand.u32 $0x70, s24;
	s21 =	simm.s32 $0x20;
	s24 =	sadd.s32 s23, s16  }
.LBB2_11:
0x115: {  	p0 =	sne.s32 s21, $0x3F0;
	s23 =	sadd.s32 s23, s17;
	s24 =	sadd.s32 s22, s24;
	[tilespmem:s18+$0x0] =	vst v3  }
0x116: {  	s18 =	sadd.s32 s22, s23;
	v3 =	vld [tilespmem:s24+$0x0]  }
0x117: {  	v4 =	vld [tilespmem:s18+$0x0];
	_ =	sdelay $0x1  }
0x118: {  	v5 =	vld [tilespmem:s24+$0x80];
	_ =	sdelay $0x1  }
.Ltmp4:
0x119: {  	(pc) =	sbr.rel @p0 .LBB2_11-.Ltmp4, $4  }
0x11a: {  	v3 =	vadd.f32 v3, v4  }
0x11b: {  	s19 =	sadd.s32 $0x80, s19  }
0x11c: {  	s23 =	sand.u32 $0x1C00, s19;
	v3 =	vadd.f32 v5, v3  }
0x11d: {  	s22 =	sand.u32 $0x70, s21;
	s21 =	sadd.s32 $0x10, s21;
	s24 =	sadd.s32 s23, s16  }
0x11e: {  	s16 =	sadd.s32 s23, s17;
	s24 =	sadd.s32 s22, s24;
	[tilespmem:s18+$0x0] =	vst v3  }
0x11f: {  	s16 =	sadd.s32 s22, s16;
	v3 =	vld [tilespmem:s24+$0x0]  }
0x120: {  	v4 =	vld [tilespmem:s16+$0x0];
	_ =	sdelay $0x1  }
0x121: {  	v5 =	vld [tilespmem:s24+$0x80]  }
0x122: {  	s15 =	sadd.s32 $0x1, s15  }
0x123: {  	p0 =	sne.s32 s15, $0x10  }
.Ltmp5:
0x124: {  	v3 =	vadd.f32 v3, v4;
	(pc) =	sbr.rel @p0 .LBB2_10-.Ltmp5, $3  }
0x125: {  	_ = 	snop  }
0x126: {  	v3 =	vadd.f32 v5, v3;
	_ =	sdelay $0x1  }
0x127: {  	[tilespmem:s16+$0x0] =	vst v3  }
0x128: {  	s14 =	simm.s32 $0x0;
	s15 =	rddreg [dreg:$0xb]  }
0x129: {  	[hbm4b:s15+s14] =	stream.linear.scatter [tilespmem:s12], [sflag:$0x2], $0x4000, $0x38;
	[tilespmem:$0xC080] =	vst v63  }
0x12a: {  	_ =	swait.ge [sflag:s20], $0x4000  }
0x12b: {  	[sflag:s20] =	ssyncset.done $0x0  }
0x12c: {  	s18 =	rddreg [dreg:$0xc];
	[sflag:s20] =	ssyncadd.s32 $0xFFFFC000  }
0x12d: {  	[tilespmem:s14], [sflag:$0x2] =	stream.linear.gather [hbm4b:s18+s14], $0x20, $0x38;
	[tilespmem:$0xC080] =	vst v63  }
0x12e: {  	_ =	swait.ge [sflag:s20], $0x20  }
0x12f: {  	[sflag:s20] =	ssyncset.done $0x0  }
0x130: {  	[sflag:s20] =	ssyncadd.s32 $0xFFFFFFE0  }
0x131: {  	v3 =	vld [tilespmem:$0x0];
	_ =	sdelay $0x4  }
0x132: {  	v4 =	vshll.u32 v3, $0x3  }
0x133: {  	v3 =	vand.u32 $0x7, v3;
	v4 =	vand.u32 $0xFFFFFFC0, v4  }
0x134: {  	v3 =	vor.u32 v3, v4  }
0x135: {  	v4 =	vperm.xlane v3, v0;
	_ =	sdelay $0x1  }
0x136: {  	v4 =	vadd.s32 v1, v4;
	_ =	sdelay $0x3  }
0x137: {  	s19 =	simm.s32 $0x80  }
0x138: {  	[tilespmem:s19], [sflag:$0x1] =	stream.indirect_vreg.gather [hbm4b:s3+s14], $0x80, v4, vm0, $0xb8;
	[tilespmem:$0xC080] =	vst v63  }
0x139: {  	s21 =	simm.s32 $0x880;
	v3 =	vperm.xlane v3, v2  }
0x13a: {  	[tilespmem:s21], [sflag:$0x1] =	stream.indirect_vreg.gather [hbm4b:s4+s14], $0x80, v4, vm0, $0xb8;
	[tilespmem:$0xC080] =	vst v63  }
0x13b: {  	s22 =	simm.s32 $0x1080;
	v3 =	vadd.s32 v1, v3  }
0x13c: {  	[tilespmem:s22], [sflag:$0x1] =	stream.indirect_vreg.gather [hbm4b:s6+s14], $0x80, v4, vm0, $0xb8;
	[tilespmem:$0xC080] =	vst v63  }
0x13d: {  	s23 =	simm.s32 $0x1880  }
0x13e: {  	[tilespmem:s23], [sflag:$0x1] =	stream.indirect_vreg.gather [hbm4b:s7+s14], $0x80, v4, vm0, $0xb8;
	[tilespmem:$0xC080] =	vst v63  }
0x13f: {  	_ = 	snop  }
0x140: {  	[tilespmem:s25], [sflag:$0x1] =	stream.indirect_vreg.gather [hbm4b:s3+s14], $0x80, v3, vm0, $0xb8;
	[tilespmem:$0xC080] =	vst v63  }
0x141: {  	_ = 	snop  }
0x142: {  	[tilespmem:s26], [sflag:$0x1] =	stream.indirect_vreg.gather [hbm4b:s4+s14], $0x80, v3, vm0, $0xb8;
	[tilespmem:$0xC080] =	vst v63  }
0x143: {  	_ = 	snop  }
0x144: {  	[tilespmem:s28], [sflag:$0x1] =	stream.indirect_vreg.gather [hbm4b:s6+s14], $0x80, v3, vm0, $0xb8;
	[tilespmem:$0xC080] =	vst v63  }
0x145: {  	_ = 	snop  }
0x146: {  	[tilespmem:s29], [sflag:$0x1] =	stream.indirect_vreg.gather [hbm4b:s7+s14], $0x80, v3, vm0, $0xb8;
	[tilespmem:$0xC080] =	vst v63  }
0x147: {  	v3 =	vld [tilespmem:$0x10];
	_ =	sdelay $0x4  }
0x148: {  	v63 =	vshll.u32 v3, $0x3  }
0x149: {  	v3 =	vand.u32 $0x7, v3;
	v4 =	vand.u32 $0xFFFFFFC0, v63  }
0x14a: {  	v3 =	vor.u32 v3, v4  }
0x14b: {  	v4 =	vperm.xlane v3, v0;
	_ =	sdelay $0x1  }
0x14c: {  	v4 =	vadd.s32 v1, v4;
	_ =	sdelay $0x4  }
0x14d: {  	[tilespmem:s30], [sflag:$0x1] =	stream.indirect_vreg.gather [hbm4b:s3+s14], $0x80, v4, vm0, $0xb8;
	[tilespmem:$0xC080] =	vst v63  }
0x14e: {  	v3 =	vperm.xlane v3, v2  }
0x14f: {  	[tilespmem:s31], [sflag:$0x1] =	stream.indirect_vreg.gather [hbm4b:s4+s14], $0x80, v4, vm0, $0xb8;
	[tilespmem:$0xC080] =	vst v63  }
0x150: {  	v3 =	vadd.s32 v1, v3  }
0x151: {  	[tilespmem:s0], [sflag:$0x1] =	stream.indirect_vreg.gather [hbm4b:s6+s14], $0x80, v4, vm0, $0xb8;
	[tilespmem:$0xC080] =	vst v63  }
0x152: {  	_ = 	snop  }
0x153: {  	[tilespmem:s2], [sflag:$0x1] =	stream.indirect_vreg.gather [hbm4b:s7+s14], $0x80, v4, vm0, $0xb8;
	[tilespmem:$0xC080] =	vst v63  }
0x154: {  	_ = 	snop  }
0x155: {  	[tilespmem:s5], [sflag:$0x1] =	stream.indirect_vreg.gather [hbm4b:s3+s14], $0x80, v3, vm0, $0xb8;
	[tilespmem:$0xC080] =	vst v63  }
0x156: {  	_ = 	snop  }
0x157: {  	[tilespmem:s8], [sflag:$0x1] =	stream.indirect_vreg.gather [hbm4b:s4+s14], $0x80, v3, vm0, $0xb8;
	[tilespmem:$0xC080] =	vst v63  }
0x158: {  	_ = 	snop  }
0x159: {  	[tilespmem:s9], [sflag:$0x1] =	stream.indirect_vreg.gather [hbm4b:s6+s14], $0x80, v3, vm0, $0xb8;
	[tilespmem:$0xC080] =	vst v63  }
0x15a: {  	_ = 	snop  }
0x15b: {  	[tilespmem:s10], [sflag:$0x1] =	stream.indirect_vreg.gather [hbm4b:s7+s14], $0x80, v3, vm0, $0xb8;
	[tilespmem:$0xC080] =	vst v63  }
0x15c: {  	_ =	swait.ge [sflag:s11], $0x8000  }
0x15d: {  	[sflag:s11] =	ssyncset.done $0x0  }
0x15e: {  	s24 =	rddreg [dreg:$0xd];
	[sflag:s11] =	ssyncadd.s32 $0xFFFF8000  }
0x15f: {  	[tilespmem:s12], [sflag:$0x2] =	stream.linear.gather [hbm4b:s24+s14], $0x4000, $0x38;
	[tilespmem:$0xC080] =	vst v63  }
0x160: {  	_ =	swait.ge [sflag:s20], $0x4000  }
0x161: {  	[sflag:s20] =	ssyncset.done $0x0  }
0x162: {  	s15 =	simm.s32 $0x0;
	[sflag:s20] =	ssyncadd.s32 $0xFFFFC000  }
.LBB2_14:
0x163: {  	s16 =	sshll.u32 s15, $0xA;
	s17 =	sshll.u32 s15, $0x8;
	s18 =	sshll.u32 s15, $0xB  }
0x164: {  	s19 =	sshll.u32 s15, $0x7;
	s18 =	sand.u32 $0x6000, s18;
	s17 =	sand.u32 $0x300, s17  }
0x165: {  	s16 =	sand.u32 $0x2000, s16;
	s19 =	sand.u32 $0x380, s19;
	s17 =	sor.u32 s17, s18  }
0x166: {  	s22 =	sand.u32 $0x1C00, s14;
	s21 =	sor.u32 s19, s16;
	s16 =	sor.u32 $0x80, s17  }
0x167: {  	s23 =	sand.u32 $0x70, s14;
	s17 =	sadd.s32 $0x8080, s21;
	s21 =	sadd.s32 s22, s16  }
0x168: {  	s19 =	sadd.s32 s22, s17;
	s21 =	sadd.s32 s23, s21  }
0x169: {  	s18 =	sadd.s32 s23, s19;
	v3 =	vld [tilespmem:s21+$0x0]  }
0x16a: {  	v4 =	vld [tilespmem:s18+$0x0];
	_ =	sdelay $0x1  }
0x16b: {  	v5 =	vld [tilespmem:s21+$0x80];
	_ =	sdelay $0x2  }
0x16c: {  	v3 =	vadd.f32 v3, v4  }
0x16d: {  	s19 =	simm.s32 $0x80  }
0x16e: {  	s24 =	simm.s32 $0x10;
	s23 =	sand.u32 $0x1C00, s19;
	v3 =	vadd.f32 v5, v3  }
0x16f: {  	s22 =	sand.u32 $0x70, s24;
	s21 =	simm.s32 $0x20;
	s24 =	sadd.s32 s23, s16  }
.LBB2_15:
0x170: {  	p0 =	sne.s32 s21, $0x3F0;
	s23 =	sadd.s32 s23, s17;
	s24 =	sadd.s32 s22, s24;
	[tilespmem:s18+$0x0] =	vst v3  }
0x171: {  	s18 =	sadd.s32 s22, s23;
	v3 =	vld [tilespmem:s24+$0x0]  }
0x172: {  	v4 =	vld [tilespmem:s18+$0x0];
	_ =	sdelay $0x1  }
0x173: {  	v5 =	vld [tilespmem:s24+$0x80];
	_ =	sdelay $0x1  }
.Ltmp6:
0x174: {  	(pc) =	sbr.rel @p0 .LBB2_15-.Ltmp6, $4  }
0x175: {  	v3 =	vadd.f32 v3, v4  }
0x176: {  	s19 =	sadd.s32 $0x80, s19  }
0x177: {  	s23 =	sand.u32 $0x1C00, s19;
	v3 =	vadd.f32 v5, v3  }
0x178: {  	s22 =	sand.u32 $0x70, s21;
	s21 =	sadd.s32 $0x10, s21;
	s24 =	sadd.s32 s23, s16  }
0x179: {  	s16 =	sadd.s32 s23, s17;
	s24 =	sadd.s32 s22, s24;
	[tilespmem:s18+$0x0] =	vst v3  }
0x17a: {  	s16 =	sadd.s32 s22, s16;
	v3 =	vld [tilespmem:s24+$0x0]  }
0x17b: {  	v4 =	vld [tilespmem:s16+$0x0];
	_ =	sdelay $0x1  }
0x17c: {  	v5 =	vld [tilespmem:s24+$0x80]  }
0x17d: {  	s15 =	sadd.s32 $0x1, s15  }
0x17e: {  	p0 =	sne.s32 s15, $0x10  }
.Ltmp7:
0x17f: {  	v3 =	vadd.f32 v3, v4;
	(pc) =	sbr.rel @p0 .LBB2_14-.Ltmp7, $3  }
0x180: {  	_ = 	snop  }
0x181: {  	v3 =	vadd.f32 v5, v3;
	_ =	sdelay $0x1  }
0x182: {  	[tilespmem:s16+$0x0] =	vst v3  }
0x183: {  	s14 =	rddreg [dreg:$0xe]  }
0x184: {  	[hbm4b:s14+s1] =	stream.linear.scatter [tilespmem:s12], [sflag:$0x2], $0x4000, $0x38;
	[tilespmem:$0xC080] =	vst v63  }
0x185: {  	_ =	swait.ge [sflag:s20], $0x4000  }
0x186: {  	s13 =	sadd.s32 $0x1, s13;
	s24 =	rddreg [dreg:$0xf]  }
0x187: {  	p0 =	sne.s32 s13, s24  }
.Ltmp8:
0x188: {  	_ = 	snop;
	(pc) =	sbr.rel @p0 .LBB2_1-.Ltmp8, $3  }
0x189: {  	_ =	sdelay $0x1  }
0x18a: {  	[sflag:s20] =	ssyncset.done $0x0  }
0x18b: {  	[sflag:s20] =	ssyncadd.s32 $0xFFFFC000  }
0x18c: {  	_ =	sfence.sel $0x180000  }
0x18d: {  	[bflag:$0x0] =	sbarrier.arrive $0xFFFF  }
0x18e: {  	_ =	strace $0x9000004A  }
0x18f: {  	s0 =	stileid.u32;
	[bflag:$0x2] =	sbarrier.arrive $0xFFFF  }
0x190: {  	p0 =	sne.s32 s0, $0x0;
	s0 =	rddreg [dreg:$0x2]  }
0x191: {  	s0 =	sadd.s32 @!p0 $0x100000, s0  }
0x192: {  	[sflag:s0] =	ssyncadd.tile.s32 @!p0 $0x1;
	_ =	shalt  }
.Lfunc_end2:
_tile_overlayer_lowered:
.L_overlay_start_2:
0x193: {  	(tag) =	ssettag $0x2  }
0x194: {  	s0 =	rddreg [dreg:$0x0];
	s2 =	stileid.u32  }
0x195: {  	s1 =	rddreg [dreg:$0x1];
	p0 =	sne.s32 s2, $0x0  }
0x196: {  	s3 =	rddreg [dreg:$0x2];
	[bflag:$0x3] =	sbarrier.arrive $0xFFFF;
	s2 =	simm.s32 @!p0 $0x1C02  }
0x197: {  	[timem:s3], [sflag:s2] =	dma.local @!p0 [hbm:s0], s1  }
0x198: {  	s0 =	simm.s32 @!p0 $0x2  }
0x199: {  	_ =	swait.ge @!p0 [sflag:s0], s1  }
0x19a: {  	s1 =	ssub.s32 @!p0 $0x0, s1;
	[sflag:s0] =	ssyncset.done @!p0 $0x0  }
0x19b: {  	[sflag:s0] =	ssyncadd.s32 @!p0 s1  }
0x19c: {  	[bflag:$0x3] =	sbarrier.arrive $0xFFFF  }
0x19d: {  	_ =	shalt  }

// kernel: kernel.8.cloned.1.call-start
scs
__scs_entry_jumppad:
0x0: {  	(pc) =	sbr.rel $0x88, $3  }
0x1: {  	(tag) =	ssettag $0x0;
	lr =	simm.s32 $0x1  }
0x2: {  	[smem:$0x3F95] =	sst lr;
	_ =	strace $0xD0000000  }
0x3: {  	_ = 	snop  }
0x4: {  	_ = 	snop  }
0x5: {  	_ = 	snop  }
0x6: {  	_ = 	snop  }
0x7: {  	_ = 	snop  }
__scs_overlays_trampoline_lowered:
0x8: {  	[smem:$0x3FA4] =	sst s0  }
0x9: {  	[smem:$0x3FA5] =	sst s1  }
0xa: {  	[smem:$0x3FA6] =	sst s2  }
0xb: {  	[smem:$0x3FA7] =	sst s3  }
0xc: {  	[smem:$0x3FA8] =	sst s4  }
0xd: {  	[smem:$0x3FA9] =	sst s5  }
0xe: {  	[smem:$0x3FAA] =	sst s6  }
0xf: {  	[smem:$0x3FAB] =	sst s7  }
0x10: {  	[smem:$0x3FAC] =	sst s8  }
0x11: {  	[smem:$0x3FAD] =	sst s9;
	s0 =	simm.s32 @!p0 $0x0  }
0x12: {  	s1 =	sld [smem:$0x3F93];
	s0 =	simm.s32 @p0 $0x1  }
0x13: {  	[smem:$0x3FAE] =	sst s0;
	s0 =	simm.s32 @!p1 $0x0  }
0x14: {  	s2 =	sld [smem:$0x3F92];
	s0 =	simm.s32 @p1 $0x1  }
0x15: {  	[smem:$0x3FAF] =	sst s0;
	s0 =	simm.s32 @!p2 $0x0  }
0x16: {  	s3 =	sld [smem:$0x3FDB];
	s0 =	simm.s32 @p2 $0x1  }
0x17: {  	s4 =	simm.s32 $0x1BF5;
	[smem:$0x3FB1] =	sst s0  }
0x18: {  	s0 =	sld [smem:$0x3F94];
	_ =	swait.ge [sflag:s4], $0x0  }
0x19: {  	s7 =	sld [smem:$0x3F95]  }
0x1a: {  	s8 =	sadd.s32 $0xFFFFE003, lr  }
0x1b: {  	s9 =	sadd.s32 $0xFFFFFEF7, lr;
	s5 =	simm.s32 $0xFFFFFFFF;
	p2 =	slt.u32 s8, $0xFFFFF086  }
0x1c: {  	p1 =	slt.u32 s9, $0xF7A;
	s5 =	simm.s32 @!p2 $0x0  }
0x1d: {  	s5 =	simm.s32 @p1 $0x1;
	p0 =	seq.s32 s7, s2  }
0x1e: {  	s7 =	smul.u32 @!p0 $0xF7A, s2;
	p2 =	seq.s32 @!p0 s5, $0x0  }
0x1f: {  	s9 =	smul.u32 $0xF7A, s1;
	s8 =	simm.s32 @!p0 $0x1BF5;
	p2 =	por !p2, p0  }
0x20: {  	[sflag:s8] =	ssyncset.s32 @!p0 $0xFFFFF086;
	s6 =	sadd.s32 @!p0 s3, s7;
	s7 =	simm.s32 @!p0 $0x108  }
0x21: {  	s3 =	sadd.s32 s3, s9;
	s6 =	sadd.s32 @!p0 $0x88, s6;
	s7 =	simm.s32 @p2 $0x1082  }
0x22: {  	[simem:s7], [sflag:s8] =	dma.local @!p0 [hbm:s6], $0xF7A  }
0x23: {  	s9 =	sor.u32 $0xD0000000, s2;
	s6 =	simm.s32 $0x108;
	_ =	swait.ge @!p0 [sflag:s8], $0x0  }
0x24: {  	s3 =	sadd.s32 $0x88, s3;
	s6 =	simm.s32 @!p1 $0x1082;
	[sflag:s4] =	ssyncset.s32 $0xFFFFF086  }
0x25: {  	[simem:s6], [sflag:s4] =	dma.local [hbm:s3], $0xF7A  }
0x26: {  	[smem:$0x3F95] =	sst s1;
	(tag) =	ssettag s2;
	_ =	strace s9  }
0x27: {  	s1 =	sld [smem:$0x3FA5]  }
0x28: {  	s2 =	sld [smem:$0x3FA6]  }
0x29: {  	s4 =	sld [smem:$0x3FA8]  }
0x2a: {  	p0 =	seq.s32 s5, $0x0;
	s5 =	sld [smem:$0x3FA9]  }
0x2b: {  	s6 =	sld [smem:$0x3FAA]  }
0x2c: {  	s7 =	sld [smem:$0x3FAB]  }
0x2d: {  	s3 =	simm.s32 $0x108;
	s8 =	sld [smem:$0x3FAC]  }
0x2e: {  	s3 =	simm.s32 @!p0 $0x1082;
	s9 =	sld [smem:$0x3FAD]  }
0x2f: {  	lr =	sadd.s32 s0, s3;
	s0 =	sld [smem:$0x3FA4]  }
0x30: {  	s3 =	sld [smem:$0x3FA7]  }
0x31: {  	[smem:$0x3FB0] =	sst s10  }
0x32: {  	s10 =	sld [smem:$0x3FAE];
	_ =	sdelay $0x3  }
0x33: {  	p0 =	seq.s32 s10, $0x1;
	s10 =	sld [smem:$0x3FB0];
	_ =	sdelay $0x3  }
0x34: {  	[smem:$0x3FB0] =	sst s10  }
0x35: {  	s10 =	sld [smem:$0x3FAF];
	_ =	sdelay $0x3  }
0x36: {  	p1 =	seq.s32 s10, $0x1;
	s10 =	sld [smem:$0x3FB0];
	_ =	sdelay $0x3  }
0x37: {  	[smem:$0x3FB0] =	sst s10  }
0x38: {  	s10 =	sld [smem:$0x3FB1]  }
0x39: {  	_ = 	snop;
	(pc) =	sbr.ind lr, $3  }
0x3a: {  	_ = 	snop  }
0x3b: {  	_ = 	snop  }
0x3c: {  	p2 =	seq.s32 s10, $0x1;
	s10 =	sld [smem:$0x3FB0]  }
0x3d: {  	_ =	shalt  }
0x3e: {  	_ =	shalt  }
0x3f: {  	_ =	shalt  }
0x40: {  	_ =	shalt  }
0x41: {  	_ =	shalt  }
0x42: {  	_ =	shalt  }
0x43: {  	_ =	shalt  }
0x44: {  	_ =	shalt  }
0x45: {  	_ =	shalt  }
0x46: {  	_ =	shalt  }
0x47: {  	_ =	shalt  }
0x48: {  	_ =	shalt  }
0x49: {  	_ =	shalt  }
0x4a: {  	_ =	shalt  }
0x4b: {  	_ =	shalt  }
0x4c: {  	_ =	shalt  }
0x4d: {  	_ =	shalt  }
0x4e: {  	_ =	shalt  }
0x4f: {  	_ =	shalt  }
0x50: {  	_ =	shalt  }
0x51: {  	_ =	shalt  }
0x52: {  	_ =	shalt  }
0x53: {  	_ =	shalt  }
0x54: {  	_ =	shalt  }
0x55: {  	_ =	shalt  }
0x56: {  	_ =	shalt  }
0x57: {  	_ =	shalt  }
0x58: {  	_ =	shalt  }
0x59: {  	_ =	shalt  }
0x5a: {  	_ =	shalt  }
0x5b: {  	_ =	shalt  }
0x5c: {  	_ =	shalt  }
0x5d: {  	_ =	shalt  }
0x5e: {  	_ =	shalt  }
0x5f: {  	_ =	shalt  }
0x60: {  	_ =	shalt  }
0x61: {  	_ =	shalt  }
0x62: {  	_ =	shalt  }
0x63: {  	_ =	shalt  }
0x64: {  	_ =	shalt  }
0x65: {  	_ =	shalt  }
0x66: {  	_ =	shalt  }
0x67: {  	_ =	shalt  }
0x68: {  	_ =	shalt  }
0x69: {  	_ =	shalt  }
0x6a: {  	_ =	shalt  }
0x6b: {  	_ =	shalt  }
0x6c: {  	_ =	shalt  }
0x6d: {  	_ =	shalt  }
0x6e: {  	_ =	shalt  }
0x6f: {  	_ =	shalt  }
0x70: {  	_ =	shalt  }
0x71: {  	_ =	shalt  }
0x72: {  	_ =	shalt  }
0x73: {  	_ =	shalt  }
0x74: {  	_ =	shalt  }
0x75: {  	_ =	shalt  }
0x76: {  	_ =	shalt  }
0x77: {  	_ =	shalt  }
0x78: {  	_ =	shalt  }
0x79: {  	_ =	shalt  }
0x7a: {  	_ =	shalt  }
0x7b: {  	_ =	shalt  }
0x7c: {  	_ =	shalt  }
0x7d: {  	_ =	shalt  }
0x7e: {  	_ =	shalt  }
0x7f: {  	_ =	shalt  }
0x80: {  	_ =	shalt  }
0x81: {  	_ =	shalt  }
0x82: {  	_ =	shalt  }
0x83: {  	_ =	shalt  }
0x84: {  	_ =	shalt  }
0x85: {  	_ =	shalt  }
0x86: {  	_ =	shalt  }
0x87: {  	_ =	shalt  }
.Lfunc_end0:
.L_simem_size_0:
called_computation_lowered:
.L_overlay_start_0:
0x88: {  	s2 =	sld [smem:$0x3FD9]  }
0x89: {  	s3 =	sld [smem:$0x3FFE];
	_ =	sdelay $0x1  }
0x8a: {  	s1 =	srdreg.scid  }
0x8b: {  	s0 =	sand.u32 $0x1, s1  }
0x8c: {  	s17 =	sshll.u32 s0, $0xA;
	s2 =	sadd.s32 s3, s2  }
0x8d: {  	s2 =	sadd.s32 s2, s17  }
0x8e: {  	[smem:$0x3FBC] =	sst s2  }
0x8f: {  	_ = 	snop  }
0x90: {  	s2 =	sld [smem:$0x3FD0];
	(tm) =	ssettm $0x1  }
0x91: {  	s18 =	sld [smem:$0x3FFB];
	_ =	sdelay $0x3  }
0x92: {  	_ =	strace s18  }
0x93: {  	s3 =	sld [smem:$0x3FFC];
	_ =	sdelay $0x3  }
0x94: {  	_ =	strace s3  }
0x95: {  	s3 =	sld [smem:$0x3FFD];
	_ =	sdelay $0x3  }
0x96: {  	_ =	strace s3  }
0x97: {  	_ =	strace $0x8FFFFFFF  }
0x98: {  	s19 =	sld [smem:$0x3FDB];
	_ =	sdelay $0x1  }
0x99: {  	s4 =	simm.s32 $_scs_section_size  }
0x9a: {  	s5 =	simm.s32 $_size__tile_overlayer_lowered;
	s6 =	simm.s32 $_tile_overlayer_lowered  }
0x9b: {  	s22 =	simm.s32 $0x1BFF;
	s21 =	sshll.u32 s6, $0x1;
	s3 =	sadd.s32 s4, s19  }
0x9c: {  	s7 =	simm.s32 $0x0;
	s20 =	sshll.u32 s5, $0x1;
	s5 =	sadd.s32 s21, s3  }
0x9d: {  	[timem:s7], [sflag:s22] =	dma.local [hbm:s5], s20  }
0x9e: {  	_ =	swait.ge [sflag:s22], s20  }
0x9f: {  	s4 =	ssub.s32 $0x0, s20;
	[sflag:s22] =	ssyncset.done $0x0  }
0xa0: {  	[sflag:s22] =	ssyncadd.s32 s4;
	_ =	sdelay $0x1  }
0xa1: {  	s23 =	simm.s32 $0x1B8B  }
0xa2: {  	_ =	swait.ge [sflag:s23], $0x1  }
0xa3: {  	[sflag:s23] =	ssyncset.done $0x0  }
0xa4: {  	s25 =	simm.s32 $0x1B8E;
	s24 =	sld [smem:$0x3FFE];
	[sflag:s23] =	ssyncadd.s32 $0xFFFFFFFF  }
0xa5: {  	s26 =	simm.s32 $execute0_lowered;
	[smem:$0x3FD2] =	sst s25  }
0xa6: {  	s5 =	sshll.u32 s26, $0x1;
	_ =	strace $0x80000046;
	[dreg:$0x1] =	wrdreg $0xFFFFFFFF  }
0xa7: {  	s28 =	simm.s32 $_size_execute0_lowered;
	s3 =	sadd.s32 s3, s5;
	[dreg:$0x0] =	wrdreg $0x0  }
0xa8: {  	s5 =	sshll.u32 s28, $0x1;
	[dreg:$0x2] =	wrdreg s3  }
0xa9: {  	[dreg:$0x3] =	wrdreg s5  }
0xaa: {  	[dreg:$0x4] =	wrdreg $0xC0  }
0xab: {  	_ =	task [dreg:s7], $0x5FFFF  }
0xac: {  	[dreg:$0x1] =	wrdreg $0xFFFFFFFF  }
0xad: {  	[dreg:$0x0] =	wrdreg $0x60  }
0xae: {  	[dreg:$0x2] =	wrdreg s2  }
0xaf: {  	[dreg:$0x3] =	wrdreg s24  }
0xb0: {  	[dreg:$0x4] =	wrdreg $0x9  }
0xb1: {  	_ =	task.clear_ibuf [dreg:s7], $0x5FFFF;
	_ =	strace $0x90000046  }
0xb2: {  	s29 =	simm.s32 $0x9;
	_ =	strace $0x80000048  }
0xb3: {  	_ =	swait.ge [sflag:s29], $0x1  }
0xb4: {  	[sflag:s29] =	ssyncadd.s32 $0xFFFFFFFF  }
0xb5: {  	_ =	strace $0x90000048  }
0xb6: {  	_ =	sfence  }
0xb7: {  	s30 =	sld [smem:$0x0];
	_ =	sdelay $0x2  }
0xb8: {  	s31 =	sshll.u32 s1, $0xD;
	s1 =	sshrl.u32 s1, $0x2  }
0xb9: {  	s3 =	sand.u32 $0x4000, s31;
	s1 =	sadd.s32 s1, s30  }
0xba: {  	s0 =	sor.u32 s3, s0;
	s1 =	sshll.u32 s1, $0x11  }
0xbb: {  	s0 =	sor.u32 s1, s0  }
0xbc: {  	s0 =	sadd.s32 $0x8F2B, s0  }
0xbd: {  	[sflag:s0] =	ssyncadd.remote.s32 $0x1  }
0xbe: {  	_ =	sfence.sel $0xFFFF  }
0xbf: {  	[dreg:$0x0] =	wrdreg $0xFFFFFFFF;
	(pc) =	sbr.abs _section_cstart, $3  }
0xc0: {  	[dreg:$0x1] =	wrdreg $0xFFFFFFFF  }
0xc1: {  	_ =	task.clear_ibuf [dreg:s7], $0x2FFFF;
	_ =	strace $0x9FFFFFFF  }
0xc2: {  	(tm) =	ssettm $0x7FFFFFFF  }
0xc3: {  	_ =	shalt  }
tec
execute0_lowered:
.L_overlay_start_1:
0x0: {  	(tag) =	ssettag $0x1  }
0x1: {  	s2 =	rddreg [dreg:$0x0];
	s0 =	srdreg.scid  }
0x2: {  	s3 =	stileid.u32;
	s1 =	rddreg [dreg:$0x1]  }
0x3: {  	s10 =	simm.s32 $0x1;
	s12 =	simm.s32 $0x880;
	s13 =	simm.s32 $0x1080  }
0x4: {  	s14 =	simm.s32 $0x1880;
	s15 =	simm.s32 $0x2080;
	s16 =	simm.s32 $0x2880  }
0x5: {  	s17 =	simm.s32 $0x3080;
	s18 =	simm.s32 $0x3880;
	s28 =	simm.s32 $0x8080  }
0x6: {  	s29 =	simm.s32 $0x8880;
	s30 =	simm.s32 $0x9080;
	s31 =	simm.s32 $0x9880  }
0x7: {  	s0 =	sand.u32 $0x1, s0;
	s4 =	sshll.u32 s3, $0x1;
	s3 =	simm.s32 $0x0  }
0x8: {  	s6 =	sadd.s32 $0x40000, s1;
	s1 =	sadd.s32 $0x40400, s1;
	s4 =	sor.u32 s0, s4  }
0x9: {  	[smem:$0x7FF] =	sst s3;
	s0 =	ssub.s32 $0x2, s0;
	s5 =	smul.u32 $0xC0, s4  }
0xa: {  	_ =	strace $0x80000047;
	s4 =	smul.u32 $0x6000, s4;
	s8 =	sshrl.u32 s0, $0x1  }
0xb: {  	s0 =	ssub.s32 s0, s8;
	s8 =	simm.s32 $0x2;
	s7 =	sshrl.u32 s5, $0x3  }
0xc: {  	s9 =	sor.u32 $0x30, s5;
	s4 =	sadd.s32 s1, s4;
	s23 =	sadd.s32 $0x60, s5  }
0xd: {  	s5 =	sadd.s32 $0x90, s5;
	s7 =	sadd.s32 s6, s7;
	s19 =	sshrl.u32 s9, $0x3  }
0xe: {  	[dreg:$0x4] =	wrdreg s4;
	s21 =	sshll.u32 s9, $0x7;
	s24 =	sshrl.u32 s23, $0x3  }
0xf: {  	s26 =	sshrl.u32 s5, $0x3;
	s5 =	sshll.u32 s5, $0x7;
	s9 =	simm.s32 $0x80  }
0x10: {  	[dreg:$0x3] =	wrdreg s7;
	s20 =	sadd.s32 s6, s19;
	s22 =	sadd.s32 s1, s21  }
0x11: {  	s4 =	sadd.s32 s6, s24;
	s7 =	sshll.u32 s23, $0x7;
	s6 =	sadd.s32 s6, s26  }
0x12: {  	s19 =	simm.s32 $0x4080;
	s21 =	simm.s32 $0x5080;
	[dreg:$0x5] =	wrdreg s20  }
0x13: {  	s23 =	simm.s32 $0x6080;
	s24 =	simm.s32 $0x6880;
	[dreg:$0x6] =	wrdreg s22  }
0x14: {  	s26 =	simm.s32 $0x7880;
	[dreg:$0x7] =	wrdreg s4;
	s25 =	sadd.s32 s1, s7  }
0x15: {  	s4 =	sadd.s32 $0x100, s2;
	[dreg:$0x9] =	wrdreg s6;
	s1 =	sadd.s32 s1, s5  }
0x16: {  	v2 =	vlaneseq.u32;
	s5 =	sadd.s32 $0x200, s2;
	s6 =	sadd.s32 $0x300, s2;
	s7 =	smax.u32 s0, $0x1  }
0x17: {  	vm0 =	vmmov $0xffff;
	v1 =	vshrl.u32 v2, $0x3;
	s20 =	simm.s32 $0x4880;
	s22 =	simm.s32 $0x5880;
	[dreg:$0x8] =	wrdreg s25  }
0x18: {  	v0 =	vand.u32 $0x7, v2;
	v2 =	vor.u32 $0x8, v2;
	v1 =	vmul.u32 $0x8, v1;
	[dreg:$0xa] =	wrdreg s1;
	s25 =	simm.s32 $0x7080;
	s1 =	simm.s32 $0xA080  }
.LBB2_1:
0x19: {  	s11 =	rddreg [dreg:$0x3]  }
0x1a: {  	[tilespmem:s3], [sflag:$0x2] =	stream.linear.gather [hbm4b:s11+s3], $0x30, $0x38;
	[tilespmem:$0xC080] =	vst v63  }
0x1b: {  	_ =	swait.ge [sflag:s8], $0x30  }
0x1c: {  	[sflag:s8] =	ssyncset.done $0x0  }
0x1d: {  	[sflag:s8] =	ssyncadd.s32 $0xFFFFFFD0  }
0x1e: {  	v3 =	vld [tilespmem:$0x0];
	_ =	sdelay $0x4  }
0x1f: {  	v4 =	vshll.u32 v3, $0x3  }
0x20: {  	v3 =	vand.u32 $0x7, v3;
	v4 =	vand.u32 $0xFFFFFFC0, v4  }
0x21: {  	v3 =	vor.u32 v3, v4  }
0x22: {  	v4 =	vperm.xlane v3, v0;
	_ =	sdelay $0x1  }
0x23: {  	v4 =	vadd.s32 v1, v4;
	_ =	sdelay $0x4  }
0x24: {  	[tilespmem:s9], [sflag:$0x1] =	stream.indirect_vreg.gather [hbm4b:s2+s3], $0x80, v4, vm0, $0xb8;
	[tilespmem:$0xC080] =	vst v63  }
0x25: {  	v3 =	vperm.xlane v3, v2  }
0x26: {  	[tilespmem:s12], [sflag:$0x1] =	stream.indirect_vreg.gather [hbm4b:s4+s3], $0x80, v4, vm0, $0xb8;
	[tilespmem:$0xC080] =	vst v63  }
0x27: {  	v3 =	vadd.s32 v1, v3  }
0x28: {  	[tilespmem:s13], [sflag:$0x1] =	stream.indirect_vreg.gather [hbm4b:s5+s3], $0x80, v4, vm0, $0xb8;
	[tilespmem:$0xC080] =	vst v63  }
0x29: {  	_ = 	snop  }
0x2a: {  	[tilespmem:s14], [sflag:$0x1] =	stream.indirect_vreg.gather [hbm4b:s6+s3], $0x80, v4, vm0, $0xb8;
	[tilespmem:$0xC080] =	vst v63  }
0x2b: {  	_ = 	snop  }
0x2c: {  	[tilespmem:s15], [sflag:$0x1] =	stream.indirect_vreg.gather [hbm4b:s2+s3], $0x80, v3, vm0, $0xb8;
	[tilespmem:$0xC080] =	vst v63  }
0x2d: {  	_ = 	snop  }
0x2e: {  	[tilespmem:s16], [sflag:$0x1] =	stream.indirect_vreg.gather [hbm4b:s4+s3], $0x80, v3, vm0, $0xb8;
	[tilespmem:$0xC080] =	vst v63  }
0x2f: {  	_ = 	snop  }
0x30: {  	[tilespmem:s17], [sflag:$0x1] =	stream.indirect_vreg.gather [hbm4b:s5+s3], $0x80, v3, vm0, $0xb8;
	[tilespmem:$0xC080] =	vst v63  }
0x31: {  	_ = 	snop  }
0x32: {  	[tilespmem:s18], [sflag:$0x1] =	stream.indirect_vreg.gather [hbm4b:s6+s3], $0x80, v3, vm0, $0xb8;
	[tilespmem:$0xC080] =	vst v63  }
0x33: {  	v3 =	vld [tilespmem:$0x10];
	_ =	sdelay $0x4  }
0x34: {  	v53 =	vshll.u32 v3, $0x3  }
0x35: {  	v3 =	vand.u32 $0x7, v3;
	v4 =	vand.u32 $0xFFFFFFC0, v53  }
0x36: {  	v3 =	vor.u32 v3, v4  }
0x37: {  	v4 =	vperm.xlane v3, v0;
	_ =	sdelay $0x1  }
0x38: {  	v4 =	vadd.s32 v1, v4;
	_ =	sdelay $0x4  }
0x39: {  	[tilespmem:s19], [sflag:$0x1] =	stream.indirect_vreg.gather [hbm4b:s2+s3], $0x80, v4, vm0, $0xb8;
	[tilespmem:$0xC080] =	vst v63  }
0x3a: {  	v3 =	vperm.xlane v3, v2  }
0x3b: {  	[tilespmem:s20], [sflag:$0x1] =	stream.indirect_vreg.gather [hbm4b:s4+s3], $0x80, v4, vm0, $0xb8;
	[tilespmem:$0xC080] =	vst v63  }
0x3c: {  	v3 =	vadd.s32 v1, v3  }
0x3d: {  	[tilespmem:s21], [sflag:$0x1] =	stream.indirect_vreg.gather [hbm4b:s5+s3], $0x80, v4, vm0, $0xb8;
	[tilespmem:$0xC080] =	vst v63  }
0x3e: {  	_ = 	snop  }
0x3f: {  	[tilespmem:s22], [sflag:$0x1] =	stream.indirect_vreg.gather [hbm4b:s6+s3], $0x80, v4, vm0, $0xb8;
	[tilespmem:$0xC080] =	vst v63  }
0x40: {  	_ = 	snop  }
0x41: {  	[tilespmem:s23], [sflag:$0x1] =	stream.indirect_vreg.gather [hbm4b:s2+s3], $0x80, v3, vm0, $0xb8;
	[tilespmem:$0xC080] =	vst v63  }
0x42: {  	_ = 	snop  }
0x43: {  	[tilespmem:s24], [sflag:$0x1] =	stream.indirect_vreg.gather [hbm4b:s4+s3], $0x80, v3, vm0, $0xb8;
	[tilespmem:$0xC080] =	vst v63  }
0x44: {  	_ = 	snop  }
0x45: {  	[tilespmem:s25], [sflag:$0x1] =	stream.indirect_vreg.gather [hbm4b:s5+s3], $0x80, v3, vm0, $0xb8;
	[tilespmem:$0xC080] =	vst v63  }
0x46: {  	_ = 	snop  }
0x47: {  	[tilespmem:s26], [sflag:$0x1] =	stream.indirect_vreg.gather [hbm4b:s6+s3], $0x80, v3, vm0, $0xb8;
	[tilespmem:$0xC080] =	vst v63  }
0x48: {  	v3 =	vld [tilespmem:$0x20];
	_ =	sdelay $0x4  }
0x49: {  	v54 =	vshll.u32 v3, $0x3  }
0x4a: {  	v3 =	vand.u32 $0x7, v3;
	v4 =	vand.u32 $0xFFFFFFC0, v54  }
0x4b: {  	v3 =	vor.u32 v3, v4  }
0x4c: {  	v4 =	vperm.xlane v3, v0;
	_ =	sdelay $0x1  }
0x4d: {  	v4 =	vadd.s32 v1, v4;
	_ =	sdelay $0x4  }
0x4e: {  	[tilespmem:s28], [sflag:$0x1] =	stream.indirect_vreg.gather [hbm4b:s2+s3], $0x80, v4, vm0, $0xb8;
	[tilespmem:$0xC080] =	vst v63  }
0x4f: {  	v3 =	vperm.xlane v3, v2  }
0x50: {  	[tilespmem:s29], [sflag:$0x1] =	stream.indirect_vreg.gather [hbm4b:s4+s3], $0x80, v4, vm0, $0xb8;
	[tilespmem:$0xC080] =	vst v63  }
0x51: {  	v3 =	vadd.s32 v1, v3  }
0x52: {  	[tilespmem:s30], [sflag:$0x1] =	stream.indirect_vreg.gather [hbm4b:s5+s3], $0x80, v4, vm0, $0xb8;
	[tilespmem:$0xC080] =	vst v63  }
0x53: {  	_ = 	snop  }
0x54: {  	[tilespmem:s31], [sflag:$0x1] =	stream.indirect_vreg.gather [hbm4b:s6+s3], $0x80, v4, vm0, $0xb8;
	[tilespmem:$0xC080] =	vst v63  }
0x55: {  	_ = 	snop  }
0x56: {  	[tilespmem:s1], [sflag:$0x1] =	stream.indirect_vreg.gather [hbm4b:s2+s3], $0x80, v3, vm0, $0xb8;
	[tilespmem:$0xC080] =	vst v63  }
0x57: {  	s0 =	simm.s32 $0xA880  }
0x58: {  	[tilespmem:s0], [sflag:$0x1] =	stream.indirect_vreg.gather [hbm4b:s4+s3], $0x80, v3, vm0, $0xb8;
	[tilespmem:$0xC080] =	vst v63  }
0x59: {  	s11 =	simm.s32 $0xB080  }
0x5a: {  	[tilespmem:s11], [sflag:$0x1] =	stream.indirect_vreg.gather [hbm4b:s5+s3], $0x80, v3, vm0, $0xb8;
	[tilespmem:$0xC080] =	vst v63  }
0x5b: {  	s11 =	simm.s32 $0xB880  }
0x5c: {  	[tilespmem:s11], [sflag:$0x1] =	stream.indirect_vreg.gather [hbm4b:s6+s3], $0x80, v3, vm0, $0xb8;
	[tilespmem:$0xC080] =	vst v63  }
0x5d: {  	_ =	swait.ge [sflag:s10], $0xC000  }
0x5e: {  	[sflag:s10] =	ssyncset.done $0x0  }
0x5f: {  	s11 =	rddreg [dreg:$0x4];
	[sflag:s10] =	ssyncadd.s32 $0xFFFF4000  }
0x60: {  	[hbm4b:s11+s3] =	stream.linear.scatter [tilespmem:s9], [sflag:$0x2], $0xC000, $0x38;
	[tilespmem:$0xC080] =	vst v63  }
0x61: {  	_ =	swait.ge [sflag:s8], $0xC000  }
0x62: {  	[sflag:s8] =	ssyncset.done $0x0  }
0x63: {  	s11 =	rddreg [dreg:$0x5];
	[sflag:s8] =	ssyncadd.s32 $0xFFFF4000  }
0x64: {  	[tilespmem:s3], [sflag:$0x2] =	stream.linear.gather [hbm4b:s11+s3], $0x30, $0x38;
	[tilespmem:$0xC080] =	vst v63  }
0x65: {  	_ =	swait.ge [sflag:s8], $0x30  }
0x66: {  	[sflag:s8] =	ssyncset.done $0x0  }
0x67: {  	[sflag:s8] =	ssyncadd.s32 $0xFFFFFFD0  }
0x68: {  	v3 =	vld [tilespmem:$0x0];
	_ =	sdelay $0x4  }
0x69: {  	v55 =	vshll.u32 v3, $0x3  }
0x6a: {  	v3 =	vand.u32 $0x7, v3;
	v4 =	vand.u32 $0xFFFFFFC0, v55  }
0x6b: {  	v3 =	vor.u32 v3, v4  }
0x6c: {  	v4 =	vperm.xlane v3, v0;
	_ =	sdelay $0x1  }
0x6d: {  	v4 =	vadd.s32 v1, v4;
	_ =	sdelay $0x4  }
0x6e: {  	[tilespmem:s9], [sflag:$0x1] =	stream.indirect_vreg.gather [hbm4b:s2+s3], $0x80, v4, vm0, $0xb8;
	[tilespmem:$0xC080] =	vst v63  }
0x6f: {  	v3 =	vperm.xlane v3, v2  }
0x70: {  	[tilespmem:s12], [sflag:$0x1] =	stream.indirect_vreg.gather [hbm4b:s4+s3], $0x80, v4, vm0, $0xb8;
	[tilespmem:$0xC080] =	vst v63  }
0x71: {  	v3 =	vadd.s32 v1, v3  }
0x72: {  	[tilespmem:s13], [sflag:$0x1] =	stream.indirect_vreg.gather [hbm4b:s5+s3], $0x80, v4, vm0, $0xb8;
	[tilespmem:$0xC080] =	vst v63  }
0x73: {  	_ = 	snop  }
0x74: {  	[tilespmem:s14], [sflag:$0x1] =	stream.indirect_vreg.gather [hbm4b:s6+s3], $0x80, v4, vm0, $0xb8;
	[tilespmem:$0xC080] =	vst v63  }
0x75: {  	_ = 	snop  }
0x76: {  	[tilespmem:s15], [sflag:$0x1] =	stream.indirect_vreg.gather [hbm4b:s2+s3], $0x80, v3, vm0, $0xb8;
	[tilespmem:$0xC080] =	vst v63  }
0x77: {  	_ = 	snop  }
0x78: {  	[tilespmem:s16], [sflag:$0x1] =	stream.indirect_vreg.gather [hbm4b:s4+s3], $0x80, v3, vm0, $0xb8;
	[tilespmem:$0xC080] =	vst v63  }
0x79: {  	_ = 	snop  }
0x7a: {  	[tilespmem:s17], [sflag:$0x1] =	stream.indirect_vreg.gather [hbm4b:s5+s3], $0x80, v3, vm0, $0xb8;
	[tilespmem:$0xC080] =	vst v63  }
0x7b: {  	_ = 	snop  }
0x7c: {  	[tilespmem:s18], [sflag:$0x1] =	stream.indirect_vreg.gather [hbm4b:s6+s3], $0x80, v3, vm0, $0xb8;
	[tilespmem:$0xC080] =	vst v63  }
0x7d: {  	v3 =	vld [tilespmem:$0x10];
	_ =	sdelay $0x4  }
0x7e: {  	v56 =	vshll.u32 v3, $0x3  }
0x7f: {  	v3 =	vand.u32 $0x7, v3;
	v4 =	vand.u32 $0xFFFFFFC0, v56  }
0x80: {  	v3 =	vor.u32 v3, v4  }
0x81: {  	v4 =	vperm.xlane v3, v0;
	_ =	sdelay $0x1  }
0x82: {  	v4 =	vadd.s32 v1, v4;
	_ =	sdelay $0x4  }
0x83: {  	[tilespmem:s19], [sflag:$0x1] =	stream.indirect_vreg.gather [hbm4b:s2+s3], $0x80, v4, vm0, $0xb8;
	[tilespmem:$0xC080] =	vst v63  }
0x84: {  	v3 =	vperm.xlane v3, v2  }
0x85: {  	[tilespmem:s20], [sflag:$0x1] =	stream.indirect_vreg.gather [hbm4b:s4+s3], $0x80, v4, vm0, $0xb8;
	[tilespmem:$0xC080] =	vst v63  }
0x86: {  	v3 =	vadd.s32 v1, v3  }
0x87: {  	[tilespmem:s21], [sflag:$0x1] =	stream.indirect_vreg.gather [hbm4b:s5+s3], $0x80, v4, vm0, $0xb8;
	[tilespmem:$0xC080] =	vst v63  }
0x88: {  	_ = 	snop  }
0x89: {  	[tilespmem:s22], [sflag:$0x1] =	stream.indirect_vreg.gather [hbm4b:s6+s3], $0x80, v4, vm0, $0xb8;
	[tilespmem:$0xC080] =	vst v63  }
0x8a: {  	_ = 	snop  }
0x8b: {  	[tilespmem:s23], [sflag:$0x1] =	stream.indirect_vreg.gather [hbm4b:s2+s3], $0x80, v3, vm0, $0xb8;
	[tilespmem:$0xC080] =	vst v63  }
0x8c: {  	_ = 	snop  }
0x8d: {  	[tilespmem:s24], [sflag:$0x1] =	stream.indirect_vreg.gather [hbm4b:s4+s3], $0x80, v3, vm0, $0xb8;
	[tilespmem:$0xC080] =	vst v63  }
0x8e: {  	_ = 	snop  }
0x8f: {  	[tilespmem:s25], [sflag:$0x1] =	stream.indirect_vreg.gather [hbm4b:s5+s3], $0x80, v3, vm0, $0xb8;
	[tilespmem:$0xC080] =	vst v63  }
0x90: {  	_ = 	snop  }
0x91: {  	[tilespmem:s26], [sflag:$0x1] =	stream.indirect_vreg.gather [hbm4b:s6+s3], $0x80, v3, vm0, $0xb8;
	[tilespmem:$0xC080] =	vst v63  }
0x92: {  	v3 =	vld [tilespmem:$0x20];
	_ =	sdelay $0x4  }
0x93: {  	v57 =	vshll.u32 v3, $0x3  }
0x94: {  	v3 =	vand.u32 $0x7, v3;
	v4 =	vand.u32 $0xFFFFFFC0, v57  }
0x95: {  	v3 =	vor.u32 v3, v4  }
0x96: {  	v4 =	vperm.xlane v3, v0;
	_ =	sdelay $0x1  }
0x97: {  	v4 =	vadd.s32 v1, v4;
	_ =	sdelay $0x4  }
0x98: {  	[tilespmem:s28], [sflag:$0x1] =	stream.indirect_vreg.gather [hbm4b:s2+s3], $0x80, v4, vm0, $0xb8;
	[tilespmem:$0xC080] =	vst v63  }
0x99: {  	v3 =	vperm.xlane v3, v2  }
0x9a: {  	[tilespmem:s29], [sflag:$0x1] =	stream.indirect_vreg.gather [hbm4b:s4+s3], $0x80, v4, vm0, $0xb8;
	[tilespmem:$0xC080] =	vst v63  }
0x9b: {  	v3 =	vadd.s32 v1, v3  }
0x9c: {  	[tilespmem:s30], [sflag:$0x1] =	stream.indirect_vreg.gather [hbm4b:s5+s3], $0x80, v4, vm0, $0xb8;
	[tilespmem:$0xC080] =	vst v63  }
0x9d: {  	_ = 	snop  }
0x9e: {  	[tilespmem:s31], [sflag:$0x1] =	stream.indirect_vreg.gather [hbm4b:s6+s3], $0x80, v4, vm0, $0xb8;
	[tilespmem:$0xC080] =	vst v63  }
0x9f: {  	_ = 	snop  }
0xa0: {  	[tilespmem:s1], [sflag:$0x1] =	stream.indirect_vreg.gather [hbm4b:s2+s3], $0x80, v3, vm0, $0xb8;
	[tilespmem:$0xC080] =	vst v63  }
0xa1: {  	_ = 	snop  }
0xa2: {  	[tilespmem:s0], [sflag:$0x1] =	stream.indirect_vreg.gather [hbm4b:s4+s3], $0x80, v3, vm0, $0xb8;
	[tilespmem:$0xC080] =	vst v63  }
0xa3: {  	s11 =	simm.s32 $0xB080  }
0xa4: {  	[tilespmem:s11], [sflag:$0x1] =	stream.indirect_vreg.gather [hbm4b:s5+s3], $0x80, v3, vm0, $0xb8;
	[tilespmem:$0xC080] =	vst v63  }
0xa5: {  	s11 =	simm.s32 $0xB880  }
0xa6: {  	[tilespmem:s11], [sflag:$0x1] =	stream.indirect_vreg.gather [hbm4b:s6+s3], $0x80, v3, vm0, $0xb8;
	[tilespmem:$0xC080] =	vst v63  }
0xa7: {  	_ =	swait.ge [sflag:s10], $0xC000  }
0xa8: {  	[sflag:s10] =	ssyncset.done $0x0  }
0xa9: {  	s11 =	rddreg [dreg:$0x6];
	[sflag:s10] =	ssyncadd.s32 $0xFFFF4000  }
0xaa: {  	[hbm4b:s11+s3] =	stream.linear.scatter [tilespmem:s9], [sflag:$0x2], $0xC000, $0x38;
	[tilespmem:$0xC080] =	vst v63  }
0xab: {  	_ =	swait.ge [sflag:s8], $0xC000  }
0xac: {  	[sflag:s8] =	ssyncset.done $0x0  }
0xad: {  	s11 =	rddreg [dreg:$0x7];
	[sflag:s8] =	ssyncadd.s32 $0xFFFF4000  }
0xae: {  	[tilespmem:s3], [sflag:$0x2] =	stream.linear.gather [hbm4b:s11+s3], $0x30, $0x38;
	[tilespmem:$0xC080] =	vst v63  }
0xaf: {  	_ =	swait.ge [sflag:s8], $0x30  }
0xb0: {  	[sflag:s8] =	ssyncset.done $0x0  }
0xb1: {  	[sflag:s8] =	ssyncadd.s32 $0xFFFFFFD0  }
0xb2: {  	v3 =	vld [tilespmem:$0x0];
	_ =	sdelay $0x4  }
0xb3: {  	v58 =	vshll.u32 v3, $0x3  }
0xb4: {  	v3 =	vand.u32 $0x7, v3;
	v4 =	vand.u32 $0xFFFFFFC0, v58  }
0xb5: {  	v3 =	vor.u32 v3, v4  }
0xb6: {  	v4 =	vperm.xlane v3, v0;
	_ =	sdelay $0x1  }
0xb7: {  	v4 =	vadd.s32 v1, v4;
	_ =	sdelay $0x4  }
0xb8: {  	[tilespmem:s9], [sflag:$0x1] =	stream.indirect_vreg.gather [hbm4b:s2+s3], $0x80, v4, vm0, $0xb8;
	[tilespmem:$0xC080] =	vst v63  }
0xb9: {  	v3 =	vperm.xlane v3, v2  }
0xba: {  	[tilespmem:s12], [sflag:$0x1] =	stream.indirect_vreg.gather [hbm4b:s4+s3], $0x80, v4, vm0, $0xb8;
	[tilespmem:$0xC080] =	vst v63  }
0xbb: {  	v3 =	vadd.s32 v1, v3  }
0xbc: {  	[tilespmem:s13], [sflag:$0x1] =	stream.indirect_vreg.gather [hbm4b:s5+s3], $0x80, v4, vm0, $0xb8;
	[tilespmem:$0xC080] =	vst v63  }
0xbd: {  	_ = 	snop  }
0xbe: {  	[tilespmem:s14], [sflag:$0x1] =	stream.indirect_vreg.gather [hbm4b:s6+s3], $0x80, v4, vm0, $0xb8;
	[tilespmem:$0xC080] =	vst v63  }
0xbf: {  	_ = 	snop  }
0xc0: {  	[tilespmem:s15], [sflag:$0x1] =	stream.indirect_vreg.gather [hbm4b:s2+s3], $0x80, v3, vm0, $0xb8;
	[tilespmem:$0xC080] =	vst v63  }
0xc1: {  	_ = 	snop  }
0xc2: {  	[tilespmem:s16], [sflag:$0x1] =	stream.indirect_vreg.gather [hbm4b:s4+s3], $0x80, v3, vm0, $0xb8;
	[tilespmem:$0xC080] =	vst v63  }
0xc3: {  	_ = 	snop  }
0xc4: {  	[tilespmem:s17], [sflag:$0x1] =	stream.indirect_vreg.gather [hbm4b:s5+s3], $0x80, v3, vm0, $0xb8;
	[tilespmem:$0xC080] =	vst v63  }
0xc5: {  	_ = 	snop  }
0xc6: {  	[tilespmem:s18], [sflag:$0x1] =	stream.indirect_vreg.gather [hbm4b:s6+s3], $0x80, v3, vm0, $0xb8;
	[tilespmem:$0xC080] =	vst v63  }
0xc7: {  	v3 =	vld [tilespmem:$0x10];
	_ =	sdelay $0x4  }
0xc8: {  	v59 =	vshll.u32 v3, $0x3  }
0xc9: {  	v3 =	vand.u32 $0x7, v3;
	v4 =	vand.u32 $0xFFFFFFC0, v59  }
0xca: {  	v3 =	vor.u32 v3, v4  }
0xcb: {  	v4 =	vperm.xlane v3, v0;
	_ =	sdelay $0x1  }
0xcc: {  	v4 =	vadd.s32 v1, v4;
	_ =	sdelay $0x4  }
0xcd: {  	[tilespmem:s19], [sflag:$0x1] =	stream.indirect_vreg.gather [hbm4b:s2+s3], $0x80, v4, vm0, $0xb8;
	[tilespmem:$0xC080] =	vst v63  }
0xce: {  	v3 =	vperm.xlane v3, v2  }
0xcf: {  	[tilespmem:s20], [sflag:$0x1] =	stream.indirect_vreg.gather [hbm4b:s4+s3], $0x80, v4, vm0, $0xb8;
	[tilespmem:$0xC080] =	vst v63  }
0xd0: {  	v3 =	vadd.s32 v1, v3  }
0xd1: {  	[tilespmem:s21], [sflag:$0x1] =	stream.indirect_vreg.gather [hbm4b:s5+s3], $0x80, v4, vm0, $0xb8;
	[tilespmem:$0xC080] =	vst v63  }
0xd2: {  	_ = 	snop  }
0xd3: {  	[tilespmem:s22], [sflag:$0x1] =	stream.indirect_vreg.gather [hbm4b:s6+s3], $0x80, v4, vm0, $0xb8;
	[tilespmem:$0xC080] =	vst v63  }
0xd4: {  	_ = 	snop  }
0xd5: {  	[tilespmem:s23], [sflag:$0x1] =	stream.indirect_vreg.gather [hbm4b:s2+s3], $0x80, v3, vm0, $0xb8;
	[tilespmem:$0xC080] =	vst v63  }
0xd6: {  	_ = 	snop  }
0xd7: {  	[tilespmem:s24], [sflag:$0x1] =	stream.indirect_vreg.gather [hbm4b:s4+s3], $0x80, v3, vm0, $0xb8;
	[tilespmem:$0xC080] =	vst v63  }
0xd8: {  	_ = 	snop  }
0xd9: {  	[tilespmem:s25], [sflag:$0x1] =	stream.indirect_vreg.gather [hbm4b:s5+s3], $0x80, v3, vm0, $0xb8;
	[tilespmem:$0xC080] =	vst v63  }
0xda: {  	_ = 	snop  }
0xdb: {  	[tilespmem:s26], [sflag:$0x1] =	stream.indirect_vreg.gather [hbm4b:s6+s3], $0x80, v3, vm0, $0xb8;
	[tilespmem:$0xC080] =	vst v63  }
0xdc: {  	v3 =	vld [tilespmem:$0x20];
	_ =	sdelay $0x4  }
0xdd: {  	v60 =	vshll.u32 v3, $0x3  }
0xde: {  	v3 =	vand.u32 $0x7, v3;
	v4 =	vand.u32 $0xFFFFFFC0, v60  }
0xdf: {  	v3 =	vor.u32 v3, v4  }
0xe0: {  	v4 =	vperm.xlane v3, v0;
	_ =	sdelay $0x1  }
0xe1: {  	v4 =	vadd.s32 v1, v4;
	_ =	sdelay $0x4  }
0xe2: {  	[tilespmem:s28], [sflag:$0x1] =	stream.indirect_vreg.gather [hbm4b:s2+s3], $0x80, v4, vm0, $0xb8;
	[tilespmem:$0xC080] =	vst v63  }
0xe3: {  	v3 =	vperm.xlane v3, v2  }
0xe4: {  	[tilespmem:s29], [sflag:$0x1] =	stream.indirect_vreg.gather [hbm4b:s4+s3], $0x80, v4, vm0, $0xb8;
	[tilespmem:$0xC080] =	vst v63  }
0xe5: {  	v3 =	vadd.s32 v1, v3  }
0xe6: {  	[tilespmem:s30], [sflag:$0x1] =	stream.indirect_vreg.gather [hbm4b:s5+s3], $0x80, v4, vm0, $0xb8;
	[tilespmem:$0xC080] =	vst v63  }
0xe7: {  	_ = 	snop  }
0xe8: {  	[tilespmem:s31], [sflag:$0x1] =	stream.indirect_vreg.gather [hbm4b:s6+s3], $0x80, v4, vm0, $0xb8;
	[tilespmem:$0xC080] =	vst v63  }
0xe9: {  	_ = 	snop  }
0xea: {  	[tilespmem:s1], [sflag:$0x1] =	stream.indirect_vreg.gather [hbm4b:s2+s3], $0x80, v3, vm0, $0xb8;
	[tilespmem:$0xC080] =	vst v63  }
0xeb: {  	_ = 	snop  }
0xec: {  	[tilespmem:s0], [sflag:$0x1] =	stream.indirect_vreg.gather [hbm4b:s4+s3], $0x80, v3, vm0, $0xb8;
	[tilespmem:$0xC080] =	vst v63  }
0xed: {  	s11 =	simm.s32 $0xB080  }
0xee: {  	[tilespmem:s11], [sflag:$0x1] =	stream.indirect_vreg.gather [hbm4b:s5+s3], $0x80, v3, vm0, $0xb8;
	[tilespmem:$0xC080] =	vst v63  }
0xef: {  	s11 =	simm.s32 $0xB880  }
0xf0: {  	[tilespmem:s11], [sflag:$0x1] =	stream.indirect_vreg.gather [hbm4b:s6+s3], $0x80, v3, vm0, $0xb8;
	[tilespmem:$0xC080] =	vst v63  }
0xf1: {  	_ =	swait.ge [sflag:s10], $0xC000  }
0xf2: {  	[sflag:s10] =	ssyncset.done $0x0  }
0xf3: {  	s11 =	rddreg [dreg:$0x8];
	[sflag:s10] =	ssyncadd.s32 $0xFFFF4000  }
0xf4: {  	[hbm4b:s11+s3] =	stream.linear.scatter [tilespmem:s9], [sflag:$0x2], $0xC000, $0x38;
	[tilespmem:$0xC080] =	vst v63  }
0xf5: {  	_ =	swait.ge [sflag:s8], $0xC000  }
0xf6: {  	[sflag:s8] =	ssyncset.done $0x0  }
0xf7: {  	s11 =	rddreg [dreg:$0x9];
	[sflag:s8] =	ssyncadd.s32 $0xFFFF4000  }
0xf8: {  	[tilespmem:s3], [sflag:$0x2] =	stream.linear.gather [hbm4b:s11+s3], $0x30, $0x38;
	[tilespmem:$0xC080] =	vst v63  }
0xf9: {  	_ =	swait.ge [sflag:s8], $0x30  }
0xfa: {  	[sflag:s8] =	ssyncset.done $0x0  }
0xfb: {  	[sflag:s8] =	ssyncadd.s32 $0xFFFFFFD0  }
0xfc: {  	v3 =	vld [tilespmem:$0x0];
	_ =	sdelay $0x4  }
0xfd: {  	v61 =	vshll.u32 v3, $0x3  }
0xfe: {  	v3 =	vand.u32 $0x7, v3;
	v4 =	vand.u32 $0xFFFFFFC0, v61  }
0xff: {  	v3 =	vor.u32 v3, v4  }
0x100: {  	v4 =	vperm.xlane v3, v0;
	_ =	sdelay $0x1  }
0x101: {  	v4 =	vadd.s32 v1, v4;
	_ =	sdelay $0x4  }
0x102: {  	[tilespmem:s9], [sflag:$0x1] =	stream.indirect_vreg.gather [hbm4b:s2+s3], $0x80, v4, vm0, $0xb8;
	[tilespmem:$0xC080] =	vst v63  }
0x103: {  	v3 =	vperm.xlane v3, v2  }
0x104: {  	[tilespmem:s12], [sflag:$0x1] =	stream.indirect_vreg.gather [hbm4b:s4+s3], $0x80, v4, vm0, $0xb8;
	[tilespmem:$0xC080] =	vst v63  }
0x105: {  	v3 =	vadd.s32 v1, v3  }
0x106: {  	[tilespmem:s13], [sflag:$0x1] =	stream.indirect_vreg.gather [hbm4b:s5+s3], $0x80, v4, vm0, $0xb8;
	[tilespmem:$0xC080] =	vst v63  }
0x107: {  	_ = 	snop  }
0x108: {  	[tilespmem:s14], [sflag:$0x1] =	stream.indirect_vreg.gather [hbm4b:s6+s3], $0x80, v4, vm0, $0xb8;
	[tilespmem:$0xC080] =	vst v63  }
0x109: {  	_ = 	snop  }
0x10a: {  	[tilespmem:s15], [sflag:$0x1] =	stream.indirect_vreg.gather [hbm4b:s2+s3], $0x80, v3, vm0, $0xb8;
	[tilespmem:$0xC080] =	vst v63  }
0x10b: {  	_ = 	snop  }
0x10c: {  	[tilespmem:s16], [sflag:$0x1] =	stream.indirect_vreg.gather [hbm4b:s4+s3], $0x80, v3, vm0, $0xb8;
	[tilespmem:$0xC080] =	vst v63  }
0x10d: {  	_ = 	snop  }
0x10e: {  	[tilespmem:s17], [sflag:$0x1] =	stream.indirect_vreg.gather [hbm4b:s5+s3], $0x80, v3, vm0, $0xb8;
	[tilespmem:$0xC080] =	vst v63  }
0x10f: {  	_ = 	snop  }
0x110: {  	[tilespmem:s18], [sflag:$0x1] =	stream.indirect_vreg.gather [hbm4b:s6+s3], $0x80, v3, vm0, $0xb8;
	[tilespmem:$0xC080] =	vst v63  }
0x111: {  	v3 =	vld [tilespmem:$0x10];
	_ =	sdelay $0x4  }
0x112: {  	v62 =	vshll.u32 v3, $0x3  }
0x113: {  	v3 =	vand.u32 $0x7, v3;
	v4 =	vand.u32 $0xFFFFFFC0, v62  }
0x114: {  	v3 =	vor.u32 v3, v4  }
0x115: {  	v4 =	vperm.xlane v3, v0;
	_ =	sdelay $0x1  }
0x116: {  	v4 =	vadd.s32 v1, v4;
	_ =	sdelay $0x4  }
0x117: {  	[tilespmem:s19], [sflag:$0x1] =	stream.indirect_vreg.gather [hbm4b:s2+s3], $0x80, v4, vm0, $0xb8;
	[tilespmem:$0xC080] =	vst v63  }
0x118: {  	v3 =	vperm.xlane v3, v2  }
0x119: {  	[tilespmem:s20], [sflag:$0x1] =	stream.indirect_vreg.gather [hbm4b:s4+s3], $0x80, v4, vm0, $0xb8;
	[tilespmem:$0xC080] =	vst v63  }
0x11a: {  	v3 =	vadd.s32 v1, v3  }
0x11b: {  	[tilespmem:s21], [sflag:$0x1] =	stream.indirect_vreg.gather [hbm4b:s5+s3], $0x80, v4, vm0, $0xb8;
	[tilespmem:$0xC080] =	vst v63  }
0x11c: {  	_ = 	snop  }
0x11d: {  	[tilespmem:s22], [sflag:$0x1] =	stream.indirect_vreg.gather [hbm4b:s6+s3], $0x80, v4, vm0, $0xb8;
	[tilespmem:$0xC080] =	vst v63  }
0x11e: {  	_ = 	snop  }
0x11f: {  	[tilespmem:s23], [sflag:$0x1] =	stream.indirect_vreg.gather [hbm4b:s2+s3], $0x80, v3, vm0, $0xb8;
	[tilespmem:$0xC080] =	vst v63  }
0x120: {  	_ = 	snop  }
0x121: {  	[tilespmem:s24], [sflag:$0x1] =	stream.indirect_vreg.gather [hbm4b:s4+s3], $0x80, v3, vm0, $0xb8;
	[tilespmem:$0xC080] =	vst v63  }
0x122: {  	_ = 	snop  }
0x123: {  	[tilespmem:s25], [sflag:$0x1] =	stream.indirect_vreg.gather [hbm4b:s5+s3], $0x80, v3, vm0, $0xb8;
	[tilespmem:$0xC080] =	vst v63  }
0x124: {  	_ = 	snop  }
0x125: {  	[tilespmem:s26], [sflag:$0x1] =	stream.indirect_vreg.gather [hbm4b:s6+s3], $0x80, v3, vm0, $0xb8;
	[tilespmem:$0xC080] =	vst v63  }
0x126: {  	v3 =	vld [tilespmem:$0x20];
	_ =	sdelay $0x4  }
0x127: {  	v63 =	vshll.u32 v3, $0x3  }
0x128: {  	v3 =	vand.u32 $0x7, v3;
	v4 =	vand.u32 $0xFFFFFFC0, v63  }
0x129: {  	v3 =	vor.u32 v3, v4  }
0x12a: {  	v4 =	vperm.xlane v3, v0;
	_ =	sdelay $0x1  }
0x12b: {  	v4 =	vadd.s32 v1, v4;
	_ =	sdelay $0x4  }
0x12c: {  	[tilespmem:s28], [sflag:$0x1] =	stream.indirect_vreg.gather [hbm4b:s2+s3], $0x80, v4, vm0, $0xb8;
	[tilespmem:$0xC080] =	vst v63  }
0x12d: {  	v3 =	vperm.xlane v3, v2  }
0x12e: {  	[tilespmem:s29], [sflag:$0x1] =	stream.indirect_vreg.gather [hbm4b:s4+s3], $0x80, v4, vm0, $0xb8;
	[tilespmem:$0xC080] =	vst v63  }
0x12f: {  	v3 =	vadd.s32 v1, v3  }
0x130: {  	[tilespmem:s30], [sflag:$0x1] =	stream.indirect_vreg.gather [hbm4b:s5+s3], $0x80, v4, vm0, $0xb8;
	[tilespmem:$0xC080] =	vst v63  }
0x131: {  	_ = 	snop  }
0x132: {  	[tilespmem:s31], [sflag:$0x1] =	stream.indirect_vreg.gather [hbm4b:s6+s3], $0x80, v4, vm0, $0xb8;
	[tilespmem:$0xC080] =	vst v63  }
0x133: {  	_ = 	snop  }
0x134: {  	[tilespmem:s1], [sflag:$0x1] =	stream.indirect_vreg.gather [hbm4b:s2+s3], $0x80, v3, vm0, $0xb8;
	[tilespmem:$0xC080] =	vst v63  }
0x135: {  	_ = 	snop  }
0x136: {  	[tilespmem:s0], [sflag:$0x1] =	stream.indirect_vreg.gather [hbm4b:s4+s3], $0x80, v3, vm0, $0xb8;
	[tilespmem:$0xC080] =	vst v63  }
0x137: {  	s11 =	simm.s32 $0xB080  }
0x138: {  	[tilespmem:s11], [sflag:$0x1] =	stream.indirect_vreg.gather [hbm4b:s5+s3], $0x80, v3, vm0, $0xb8;
	[tilespmem:$0xC080] =	vst v63  }
0x139: {  	s11 =	simm.s32 $0xB880  }
0x13a: {  	[tilespmem:s11], [sflag:$0x1] =	stream.indirect_vreg.gather [hbm4b:s6+s3], $0x80, v3, vm0, $0xb8;
	[tilespmem:$0xC080] =	vst v63  }
0x13b: {  	_ =	swait.ge [sflag:s10], $0xC000  }
0x13c: {  	p0 =	sne.s32 s7, $0x1;
	[sflag:s10] =	ssyncset.done $0x0  }
.Ltmp0:
0x13d: {  	s0 =	rddreg [dreg:$0xa];
	[sflag:s10] =	ssyncadd.s32 $0xFFFF4000;
	(pc) =	sbr.rel @p0 .LBB2_1-.Ltmp0, $4  }
0x13e: {  	[hbm4b:s0+s3] =	stream.linear.scatter [tilespmem:s9], [sflag:$0x2], $0xC000, $0x38;
	[tilespmem:$0xC080] =	vst v63  }
0x13f: {  	_ =	swait.ge [sflag:s8], $0xC000  }
0x140: {  	[sflag:s8] =	ssyncset.done $0x0  }
0x141: {  	s7 =	sadd.s32 $0xFFFFFFFF, s7;
	[sflag:s8] =	ssyncadd.s32 $0xFFFF4000  }
0x142: {  	_ =	sfence.sel $0x180000  }
0x143: {  	[bflag:$0x0] =	sbarrier.arrive $0xFFFF  }
0x144: {  	_ =	strace $0x90000047  }
0x145: {  	s0 =	stileid.u32;
	[bflag:$0x2] =	sbarrier.arrive $0xFFFF  }
0x146: {  	p0 =	sne.s32 s0, $0x0;
	s0 =	rddreg [dreg:$0x2]  }
0x147: {  	s0 =	sadd.s32 @!p0 $0x100000, s0  }
0x148: {  	[sflag:s0] =	ssyncadd.tile.s32 @!p0 $0x1;
	_ =	shalt  }
.Lfunc_end2:
_tile_overlayer_lowered:
.L_overlay_start_2:
0x149: {  	(tag) =	ssettag $0x2  }
0x14a: {  	s0 =	rddreg [dreg:$0x0];
	s2 =	stileid.u32  }
0x14b: {  	s1 =	rddreg [dreg:$0x1];
	p0 =	sne.s32 s2, $0x0  }
0x14c: {  	s3 =	rddreg [dreg:$0x2];
	[bflag:$0x3] =	sbarrier.arrive $0xFFFF;
	s2 =	simm.s32 @!p0 $0x1C02  }
0x14d: {  	[timem:s3], [sflag:s2] =	dma.local @!p0 [hbm:s0], s1  }
0x14e: {  	s0 =	simm.s32 @!p0 $0x2  }
0x14f: {  	_ =	swait.ge @!p0 [sflag:s0], s1  }
0x150: {  	s1 =	ssub.s32 @!p0 $0x0, s1;
	[sflag:s0] =	ssyncset.done @!p0 $0x0  }
0x151: {  	[sflag:s0] =	ssyncadd.s32 @!p0 s1  }
0x152: {  	[bflag:$0x3] =	sbarrier.arrive $0xFFFF  }
0x153: {  	_ =	shalt  }

</sc_bundles>
